<compile_context>
chip_gen: v7x
topology: tpu7x:2x2x1
jax: 0.10.2.dev20260603
libtpu: 0.0.44.dev20260713+nightly
codegen_flags: <defaults>
</compile_context>

<pallas_src>
import jax
import jax.numpy as jnp
from jax import lax
from jax.experimental import pallas as pl
from jax.experimental.pallas import tpu as pltpu
from jax.experimental.pallas import tpu_sc as plsc

BATCH = 4096
WIDTH = 26
DIM = 64
TOTAL = BATCH * WIDTH
CHUNK = 128
NBUF = 4

_info = plsc.get_sparse_core_info()
NC, NS = _info.num_cores, _info.num_subcores
NW = NC * NS
PER_W = TOTAL // NW
NSTEP = PER_W // CHUNK
assert PER_W * NW == TOTAL and NSTEP * CHUNK == PER_W


def _body(idx_hbm, table_hbm, out_hbm, idxs, rows, gsems, wsems):
    wid = lax.axis_index("s") * NC + lax.axis_index("c")
    base = wid * PER_W

    def zero_fixup(b):
        def group(g, carry):
            iv = idxs[b][pl.ds(g * 16, 16)]
            m = iv == 0
            nz = jnp.max(plsc.all_reduce_population_count(m))

            @pl.when(nz > 0)
            def _():
                rid = g * 16 + jnp.arange(16, dtype=jnp.int32)
                zeros = jnp.zeros((16,), jnp.float32)

                def dcol(d, c):
                    cid = jnp.full((16,), d, jnp.int32)
                    plsc.store_scatter(rows[b], [rid, cid], zeros, mask=m)
                    return c

                lax.fori_loop(0, DIM, dcol, 0)

            return carry

        lax.fori_loop(0, CHUNK // 16, group, 0)

    def gather(s):
        b = s % NBUF
        pltpu.sync_copy(idx_hbm.at[pl.ds(base + s * CHUNK, CHUNK)], idxs[b])
        pltpu.async_copy(table_hbm.at[idxs[b]], rows[b], gsems[b])

    for s in range(NBUF):
        gather(s)

    for s in range(NSTEP):
        b = s % NBUF
        pltpu.make_async_copy(table_hbm.at[idxs[b]], rows[b], gsems[b]).wait()
        zero_fixup(b)
        dst = out_hbm.at[pl.ds(base + s * CHUNK, CHUNK)]
        pltpu.async_copy(rows[b], dst, wsems[b])
        pltpu.make_async_copy(rows[b], dst, wsems[b]).wait()
        if s + NBUF < NSTEP:
            gather(s + NBUF)


@jax.jit
def _lookup(idx_flat, table):
    mesh = plsc.VectorSubcoreMesh(core_axis_name="c", subcore_axis_name="s")
    scratch = [
        [pltpu.VMEM((CHUNK,), jnp.int32) for _ in range(NBUF)],
        [pltpu.VMEM((CHUNK, DIM), jnp.float32) for _ in range(NBUF)],
        [pltpu.SemaphoreType.DMA for _ in range(NBUF)],
        [pltpu.SemaphoreType.DMA for _ in range(NBUF)],
    ]
    k = pl.kernel(
        _body,
        mesh=mesh,
        out_type=jax.ShapeDtypeStruct((TOTAL, DIM), jnp.float32),
        scratch_types=scratch,
        compiler_params=pltpu.CompilerParams(
            use_tc_tiling_on_sc=False, needs_layout_passes=False
        ),
    )
    return k(idx_flat, table)


def kernel(input, table):
    idx_flat = input.astype(jnp.int32).reshape(TOTAL)
    out = _lookup(idx_flat, table)
    return out.reshape(BATCH, WIDTH, DIM)

# --- scband reference (transcript-rebuilt; emitter-appended) ---
"""Pipeline reference for scband-embedding-30863634989540 (READ-ONLY COPY).

The authoritative reference and input builder live on the scoring server;
editing this copy changes nothing except your own understanding.
"""

import jax, jax.numpy as jnp
import numpy as np

VOCAB = 1000000
DIM = 64
BATCH = 4096
WIDTH = 26

def setup_inputs(seed: int = 0) -> dict:
    key = jax.random.key(seed)
    k1, k2 = jax.random.split(key)
    inp = jax.random.randint(k1, (BATCH, WIDTH), 0, VOCAB, dtype=jnp.int64) if jax.config.jax_enable_x64 else jax.random.randint(k1, (BATCH, WIDTH), 0, VOCAB).astype(jnp.int32)
    table = jax.random.normal(k2, (VOCAB, DIM), dtype=jnp.float32) * 0.02
    return {"input": inp, "table": table}

def reference(input, table):
    # Embedding lookup: values[i, j] = table[input[i, j]] if input[i, j] != 0 else zeros(dim)
    emb = jnp.take(table, input, axis=0)           # gather -> (B, W, dim)
    mask = (input != 0)[..., None]                  # key 0 is the padding/null key
    values = jnp.where(mask, emb, jnp.zeros_like(emb))
    return values.astype(jnp.float32)

if __name__ == "__main__":
    import jax
    _d = setup_inputs()
    print(jax.jit(kernel)(*tuple(_d.values())))

</pallas_src>

<mosaic_0001>
#map = affine_map<(d0, d1) -> (0)>
#map1 = affine_map<(d0, d1) -> (0, 0)>
module attributes {stable_mosaic.version = 14 : i64} {
  func.func @_body(%arg0: i32, %arg1: i32, %arg2: memref<106496xi32, #tpu.memory_space<hbm>>, %arg3: memref<1000000x64xf32, #tpu.memory_space<hbm>>, %arg4: memref<106496x64xf32, #tpu.memory_space<hbm>>, %arg5: memref<128xi32, #tpu.memory_space<vmem>>, %arg6: memref<128xi32, #tpu.memory_space<vmem>>, %arg7: memref<128xi32, #tpu.memory_space<vmem>>, %arg8: memref<128xi32, #tpu.memory_space<vmem>>, %arg9: memref<128x64xf32, #tpu.memory_space<vmem>>, %arg10: memref<128x64xf32, #tpu.memory_space<vmem>>, %arg11: memref<128x64xf32, #tpu.memory_space<vmem>>, %arg12: memref<128x64xf32, #tpu.memory_space<vmem>>, %arg13: memref<!tpu.dma_semaphore, #tpu.memory_space<semaphore_mem>>, %arg14: memref<!tpu.dma_semaphore, #tpu.memory_space<semaphore_mem>>, %arg15: memref<!tpu.dma_semaphore, #tpu.memory_space<semaphore_mem>>, %arg16: memref<!tpu.dma_semaphore, #tpu.memory_space<semaphore_mem>>, %arg17: memref<!tpu.dma_semaphore, #tpu.memory_space<semaphore_mem>>, %arg18: memref<!tpu.dma_semaphore, #tpu.memory_space<semaphore_mem>>, %arg19: memref<!tpu.dma_semaphore, #tpu.memory_space<semaphore_mem>>, %arg20: memref<!tpu.dma_semaphore, #tpu.memory_space<semaphore_mem>>) attributes {dimension_semantics = [#tpu.dimension_semantics<core_parallel>, #tpu.dimension_semantics<subcore_parallel>], iteration_bounds = array<i64: 2, 16>, scalar_prefetch = 0 : i64, scratch_operands = 16 : i64, tpu.core_type = #tpu.core_type<sc_vector_subcore>, window_params = [{transform_indices = #map}, {transform_indices = #map1}, {transform_indices = #map1}]} {
    %mul3A = arith.constant 2 : i32
    %mul3A_0 = arith.muli %arg1, %mul3A : i32
    %add3A = arith.addi %mul3A_0, %arg0 : i32
    %mul3A_1 = arith.constant 3328 : i32
    %mul3A_2 = arith.muli %add3A, %mul3A_1 : i32
    %add3A_3 = arith.constant 0 : i32
    %add3A_4 = arith.addi %mul3A_2, %add3A_3 : i32
    "tpu.region"() ({
      %run_scoped3A = tpu.sem_alloc : memref<!tpu.dma_semaphore, #tpu.memory_space<semaphore_mem>>
      %dma_start3A_624 = tpu.memref_slice %arg2[%add3A_4] : memref<106496xi32, #tpu.memory_space<hbm>> -> memref<128xi32, #tpu.memory_space<hbm>>
      %dma_start3A_625 = tpu.memref_slice %arg2[%add3A_4] : memref<106496xi32, #tpu.memory_space<hbm>> -> memref<128xi32, #tpu.memory_space<hbm>>
      tpu.enqueue_dma source(%dma_start3A_625 : memref<128xi32, #tpu.memory_space<hbm>>) target(%arg5 : memref<128xi32, #tpu.memory_space<vmem>>) target_semaphore(%run_scoped3A : memref<!tpu.dma_semaphore, #tpu.memory_space<semaphore_mem>>)
      %dma_wait3A_626 = tpu.memref_slice %arg2[%add3A_4] : memref<106496xi32, #tpu.memory_space<hbm>> -> memref<128xi32, #tpu.memory_space<hbm>>
      %dma_wait3A_627 = tpu.memref_slice %arg2[%add3A_4] : memref<106496xi32, #tpu.memory_space<hbm>> -> memref<128xi32, #tpu.memory_space<hbm>>
      tpu.wait_dma2 semaphore(%run_scoped3A : memref<!tpu.dma_semaphore, #tpu.memory_space<semaphore_mem>>) src(%dma_wait3A_627 : memref<128xi32, #tpu.memory_space<hbm>>) dst(%arg5 : memref<128xi32, #tpu.memory_space<vmem>>)
      tpu.yield
    }) : () -> ()
    %dma_start3A = arith.constant 0 : i32
    %dma_start3A_5 = arith.constant 0 : i32
    %dma_start3A_6 = tpu.memref_slice %arg3[%dma_start3A, %dma_start3A_5] : memref<1000000x64xf32, #tpu.memory_space<hbm>> -> memref<1000000x64xf32, #tpu.memory_space<hbm>>
    tpu.enqueue_indirect_dma source(%dma_start3A_6 : memref<1000000x64xf32, #tpu.memory_space<hbm>>) target(%arg9 : memref<128x64xf32, #tpu.memory_space<vmem>>) offsets(%arg5 : memref<128xi32, #tpu.memory_space<vmem>>) semaphore(%arg13 : memref<!tpu.dma_semaphore, #tpu.memory_space<semaphore_mem>>)
    %add3A_7 = arith.constant 128 : i32
    %add3A_8 = arith.addi %mul3A_2, %add3A_7 : i32
    "tpu.region"() ({
      %run_scoped3A = tpu.sem_alloc : memref<!tpu.dma_semaphore, #tpu.memory_space<semaphore_mem>>
      %dma_start3A_624 = tpu.memref_slice %arg2[%add3A_8] : memref<106496xi32, #tpu.memory_space<hbm>> -> memref<128xi32, #tpu.memory_space<hbm>>
      %dma_start3A_625 = tpu.memref_slice %arg2[%add3A_8] : memref<106496xi32, #tpu.memory_space<hbm>> -> memref<128xi32, #tpu.memory_space<hbm>>
      tpu.enqueue_dma source(%dma_start3A_625 : memref<128xi32, #tpu.memory_space<hbm>>) target(%arg6 : memref<128xi32, #tpu.memory_space<vmem>>) target_semaphore(%run_scoped3A : memref<!tpu.dma_semaphore, #tpu.memory_space<semaphore_mem>>)
      %dma_wait3A_626 = tpu.memref_slice %arg2[%add3A_8] : memref<106496xi32, #tpu.memory_space<hbm>> -> memref<128xi32, #tpu.memory_space<hbm>>
      %dma_wait3A_627 = tpu.memref_slice %arg2[%add3A_8] : memref<106496xi32, #tpu.memory_space<hbm>> -> memref<128xi32, #tpu.memory_space<hbm>>
      tpu.wait_dma2 semaphore(%run_scoped3A : memref<!tpu.dma_semaphore, #tpu.memory_space<semaphore_mem>>) src(%dma_wait3A_627 : memref<128xi32, #tpu.memory_space<hbm>>) dst(%arg6 : memref<128xi32, #tpu.memory_space<vmem>>)
      tpu.yield
    }) : () -> ()
    %dma_start3A_9 = arith.constant 0 : i32
    %dma_start3A_10 = arith.constant 0 : i32
    %dma_start3A_11 = tpu.memref_slice %arg3[%dma_start3A_9, %dma_start3A_10] : memref<1000000x64xf32, #tpu.memory_space<hbm>> -> memref<1000000x64xf32, #tpu.memory_space<hbm>>
    tpu.enqueue_indirect_dma source(%dma_start3A_11 : memref<1000000x64xf32, #tpu.memory_space<hbm>>) target(%arg10 : memref<128x64xf32, #tpu.memory_space<vmem>>) offsets(%arg6 : memref<128xi32, #tpu.memory_space<vmem>>) semaphore(%arg14 : memref<!tpu.dma_semaphore, #tpu.memory_space<semaphore_mem>>)
    %add3A_12 = arith.constant 256 : i32
    %add3A_13 = arith.addi %mul3A_2, %add3A_12 : i32
    "tpu.region"() ({
      %run_scoped3A = tpu.sem_alloc : memref<!tpu.dma_semaphore, #tpu.memory_space<semaphore_mem>>
      %dma_start3A_624 = tpu.memref_slice %arg2[%add3A_13] : memref<106496xi32, #tpu.memory_space<hbm>> -> memref<128xi32, #tpu.memory_space<hbm>>
      %dma_start3A_625 = tpu.memref_slice %arg2[%add3A_13] : memref<106496xi32, #tpu.memory_space<hbm>> -> memref<128xi32, #tpu.memory_space<hbm>>
      tpu.enqueue_dma source(%dma_start3A_625 : memref<128xi32, #tpu.memory_space<hbm>>) target(%arg7 : memref<128xi32, #tpu.memory_space<vmem>>) target_semaphore(%run_scoped3A : memref<!tpu.dma_semaphore, #tpu.memory_space<semaphore_mem>>)
      %dma_wait3A_626 = tpu.memref_slice %arg2[%add3A_13] : memref<106496xi32, #tpu.memory_space<hbm>> -> memref<128xi32, #tpu.memory_space<hbm>>
      %dma_wait3A_627 = tpu.memref_slice %arg2[%add3A_13] : memref<106496xi32, #tpu.memory_space<hbm>> -> memref<128xi32, #tpu.memory_space<hbm>>
      tpu.wait_dma2 semaphore(%run_scoped3A : memref<!tpu.dma_semaphore, #tpu.memory_space<semaphore_mem>>) src(%dma_wait3A_627 : memref<128xi32, #tpu.memory_space<hbm>>) dst(%arg7 : memref<128xi32, #tpu.memory_space<vmem>>)
      tpu.yield
    }) : () -> ()
    %dma_start3A_14 = arith.constant 0 : i32
    %dma_start3A_15 = arith.constant 0 : i32
    %dma_start3A_16 = tpu.memref_slice %arg3[%dma_start3A_14, %dma_start3A_15] : memref<1000000x64xf32, #tpu.memory_space<hbm>> -> memref<1000000x64xf32, #tpu.memory_space<hbm>>
    tpu.enqueue_indirect_dma source(%dma_start3A_16 : memref<1000000x64xf32, #tpu.memory_space<hbm>>) target(%arg11 : memref<128x64xf32, #tpu.memory_space<vmem>>) offsets(%arg7 : memref<128xi32, #tpu.memory_space<vmem>>) semaphore(%arg15 : memref<!tpu.dma_semaphore, #tpu.memory_space<semaphore_mem>>)
    %add3A_17 = arith.constant 384 : i32
    %add3A_18 = arith.addi %mul3A_2, %add3A_17 : i32
    "tpu.region"() ({
      %run_scoped3A = tpu.sem_alloc : memref<!tpu.dma_semaphore, #tpu.memory_space<semaphore_mem>>
      %dma_start3A_624 = tpu.memref_slice %arg2[%add3A_18] : memref<106496xi32, #tpu.memory_space<hbm>> -> memref<128xi32, #tpu.memory_space<hbm>>
      %dma_start3A_625 = tpu.memref_slice %arg2[%add3A_18] : memref<106496xi32, #tpu.memory_space<hbm>> -> memref<128xi32, #tpu.memory_space<hbm>>
      tpu.enqueue_dma source(%dma_start3A_625 : memref<128xi32, #tpu.memory_space<hbm>>) target(%arg8 : memref<128xi32, #tpu.memory_space<vmem>>) target_semaphore(%run_scoped3A : memref<!tpu.dma_semaphore, #tpu.memory_space<semaphore_mem>>)
      %dma_wait3A_626 = tpu.memref_slice %arg2[%add3A_18] : memref<106496xi32, #tpu.memory_space<hbm>> -> memref<128xi32, #tpu.memory_space<hbm>>
      %dma_wait3A_627 = tpu.memref_slice %arg2[%add3A_18] : memref<106496xi32, #tpu.memory_space<hbm>> -> memref<128xi32, #tpu.memory_space<hbm>>
      tpu.wait_dma2 semaphore(%run_scoped3A : memref<!tpu.dma_semaphore, #tpu.memory_space<semaphore_mem>>) src(%dma_wait3A_627 : memref<128xi32, #tpu.memory_space<hbm>>) dst(%arg8 : memref<128xi32, #tpu.memory_space<vmem>>)
      tpu.yield
    }) : () -> ()
    %dma_start3A_19 = arith.constant 0 : i32
    %dma_start3A_20 = arith.constant 0 : i32
    %dma_start3A_21 = tpu.memref_slice %arg3[%dma_start3A_19, %dma_start3A_20] : memref<1000000x64xf32, #tpu.memory_space<hbm>> -> memref<1000000x64xf32, #tpu.memory_space<hbm>>
    tpu.enqueue_indirect_dma source(%dma_start3A_21 : memref<1000000x64xf32, #tpu.memory_space<hbm>>) target(%arg12 : memref<128x64xf32, #tpu.memory_space<vmem>>) offsets(%arg8 : memref<128xi32, #tpu.memory_space<vmem>>) semaphore(%arg16 : memref<!tpu.dma_semaphore, #tpu.memory_space<semaphore_mem>>)
    %dma_wait3A = arith.constant 0 : i32
    %dma_wait3A_22 = arith.constant 0 : i32
    %dma_wait3A_23 = tpu.memref_slice %arg3[%dma_wait3A, %dma_wait3A_22] : memref<1000000x64xf32, #tpu.memory_space<hbm>> -> memref<1000000x64xf32, #tpu.memory_space<hbm>>
    tpu.wait_indirect_dma semaphore(%arg13 : memref<!tpu.dma_semaphore, #tpu.memory_space<semaphore_mem>>) src(%dma_wait3A_23 : memref<1000000x64xf32, #tpu.memory_space<hbm>>) dst(%arg9 : memref<128x64xf32, #tpu.memory_space<vmem>>)
    %scan3A = arith.constant 0 : i32
    %scan3A_24 = arith.constant 0 : i32
    %scan3A_25 = arith.constant 8 : i32
    %scan3A_26 = arith.addi %scan3A_24, %scan3A_25 : i32
    %scan3A_27 = arith.constant 1 : i32
    scf.for %scan3A_624 = %scan3A_24 to %scan3A_26 step %scan3A_27  : i32 {
      %mul3A_625 = arith.constant 16 : i32
      %mul3A_626 = arith.muli %scan3A_624, %mul3A_625 : i32
      %get3A = arith.index_cast %mul3A_626 : i32 to index
      %get3A_627 = tpu.vector_load %arg5[%get3A] {strides = array<i32>} : memref<128xi32, #tpu.memory_space<vmem>>, vector<16xi32>,
      %eq3A = arith.constant 0 : i32
      %eq3A_628 = vector.broadcast %eq3A : i32 to vector<16xi32>
      %eq3A_629 = arith.cmpi eq, %get3A_627, %eq3A_628 : vector<16xi32>
      %all_reduce_population_count3A = tpu.all_reduce %eq3A_629 {dim = 0 : i64, kind = #tpu.reduction_kind<sum>} : vector<16xi1> -> vector<16xi32>
      %reduce_max3A = arith.constant true
      %reduce_max3A_630 = vector.broadcast %reduce_max3A : i1 to vector<16xi1>
      %reduce_max3A_631 = arith.constant -2147483648 : i32
      %reduce_max3A_632 = vector.broadcast %reduce_max3A_631 : i32 to vector<16xi32>
      %reduce_max3A_633 = arith.xori %all_reduce_population_count3A, %reduce_max3A_632 : vector<16xi32>
      %reduce_max3A_634 = tpu.scan <max>, %reduce_max3A_633 masked %reduce_max3A_630 : vector<16xi32>, vector<16xi1> -> vector<16xi32>
      %reduce_max3A_635 = arith.xori %reduce_max3A_634, %reduce_max3A_632 : vector<16xi32>
      %reduce_max3A_636 = vector.extract %reduce_max3A_635[15] : i32 from vector<16xi32>
      %gt3A = arith.constant 0 : i32
      %gt3A_637 = arith.cmpi sgt, %reduce_max3A_636, %gt3A : i32
      %convert_element_type3A = arith.extui %gt3A_637 : i1 to i32
      %cond3A = arith.constant 0 : i32
      %cond3A_638 = arith.cmpi ne, %convert_element_type3A, %cond3A : i32
      scf.if %cond3A_638 {
        %mul3A_639 = arith.constant 16 : i32
        %mul3A_640 = arith.muli %scan3A_624, %mul3A_639 : i32
        %iota3A = tpu.iota {dimensions = array<i32: 0>} : vector<16xi32>
        %add3A_641 = vector.broadcast %mul3A_640 : i32 to vector<16xi32>
        %add3A_642 = arith.addi %add3A_641, %iota3A : vector<16xi32>
        %broadcast_in_dim3A = arith.constant 0.000000e+00 : f32
        %broadcast_in_dim3A_643 = vector.broadcast %broadcast_in_dim3A : f32 to vector<16xf32>
        %scan3A_644 = arith.constant 0 : i32
        %scan3A_645 = arith.constant 0 : i32
        %scan3A_646 = arith.constant 64 : i32
        %scan3A_647 = arith.addi %scan3A_645, %scan3A_646 : i32
        %scan3A_648 = arith.constant 1 : i32
        scf.for %scan3A_650 = %scan3A_645 to %scan3A_647 step %scan3A_648  : i32 {
          %broadcast_in_dim3A_651 = vector.broadcast %scan3A_650 : i32 to vector<16xi32>
          tpu.vector_store_idx %arg9[%add3A_642, %broadcast_in_dim3A_651], %broadcast_in_dim3A_643 masked %eq3A_629 : memref<128x64xf32, #tpu.memory_space<vmem>>[vector<16xi32>, vector<16xi32>], vector<16xf32>, vector<16xi1>
        }
        %scan3A_649 = arith.constant 64 : i32
      } else {
      }
    }
    %scan3A_28 = arith.constant 8 : i32
    %add3A_29 = arith.constant 0 : i32
    %add3A_30 = arith.addi %mul3A_2, %add3A_29 : i32
    %dma_start3A_31 = arith.constant 0 : i32
    %dma_start3A_32 = tpu.memref_slice %arg4[%add3A_30, %dma_start3A_31] : memref<106496x64xf32, #tpu.memory_space<hbm>> -> memref<128x64xf32, #tpu.memory_space<hbm>>
    %dma_start3A_33 = arith.constant 0 : i32
    %dma_start3A_34 = tpu.memref_slice %arg4[%add3A_30, %dma_start3A_33] : memref<106496x64xf32, #tpu.memory_space<hbm>> -> memref<128x64xf32, #tpu.memory_space<hbm>>
    tpu.enqueue_dma source(%arg9 : memref<128x64xf32, #tpu.memory_space<vmem>>) target(%dma_start3A_34 : memref<128x64xf32, #tpu.memory_space<hbm>>) target_semaphore(%arg17 : memref<!tpu.dma_semaphore, #tpu.memory_space<semaphore_mem>>)
    %dma_wait3A_35 = arith.constant 0 : i32
    %dma_wait3A_36 = tpu.memref_slice %arg4[%add3A_30, %dma_wait3A_35] : memref<106496x64xf32, #tpu.memory_space<hbm>> -> memref<128x64xf32, #tpu.memory_space<hbm>>
    %dma_wait3A_37 = arith.constant 0 : i32
    %dma_wait3A_38 = tpu.memref_slice %arg4[%add3A_30, %dma_wait3A_37] : memref<106496x64xf32, #tpu.memory_space<hbm>> -> memref<128x64xf32, #tpu.memory_space<hbm>>
    tpu.wait_dma2 semaphore(%arg17 : memref<!tpu.dma_semaphore, #tpu.memory_space<semaphore_mem>>) src(%arg9 : memref<128x64xf32, #tpu.memory_space<vmem>>) dst(%dma_wait3A_38 : memref<128x64xf32, #tpu.memory_space<hbm>>)
    %add3A_39 = arith.constant 512 : i32
    %add3A_40 = arith.addi %mul3A_2, %add3A_39 : i32
    "tpu.region"() ({
      %run_scoped3A = tpu.sem_alloc : memref<!tpu.dma_semaphore, #tpu.memory_space<semaphore_mem>>
      %dma_start3A_624 = tpu.memref_slice %arg2[%add3A_40] : memref<106496xi32, #tpu.memory_space<hbm>> -> memref<128xi32, #tpu.memory_space<hbm>>
      %dma_start3A_625 = tpu.memref_slice %arg2[%add3A_40] : memref<106496xi32, #tpu.memory_space<hbm>> -> memref<128xi32, #tpu.memory_space<hbm>>
      tpu.enqueue_dma source(%dma_start3A_625 : memref<128xi32, #tpu.memory_space<hbm>>) target(%arg5 : memref<128xi32, #tpu.memory_space<vmem>>) target_semaphore(%run_scoped3A : memref<!tpu.dma_semaphore, #tpu.memory_space<semaphore_mem>>)
      %dma_wait3A_626 = tpu.memref_slice %arg2[%add3A_40] : memref<106496xi32, #tpu.memory_space<hbm>> -> memref<128xi32, #tpu.memory_space<hbm>>
      %dma_wait3A_627 = tpu.memref_slice %arg2[%add3A_40] : memref<106496xi32, #tpu.memory_space<hbm>> -> memref<128xi32, #tpu.memory_space<hbm>>
      tpu.wait_dma2 semaphore(%run_scoped3A : memref<!tpu.dma_semaphore, #tpu.memory_space<semaphore_mem>>) src(%dma_wait3A_627 : memref<128xi32, #tpu.memory_space<hbm>>) dst(%arg5 : memref<128xi32, #tpu.memory_space<vmem>>)
      tpu.yield
    }) : () -> ()
    %dma_start3A_41 = arith.constant 0 : i32
    %dma_start3A_42 = arith.constant 0 : i32
    %dma_start3A_43 = tpu.memref_slice %arg3[%dma_start3A_41, %dma_start3A_42] : memref<1000000x64xf32, #tpu.memory_space<hbm>> -> memref<1000000x64xf32, #tpu.memory_space<hbm>>
    tpu.enqueue_indirect_dma source(%dma_start3A_43 : memref<1000000x64xf32, #tpu.memory_space<hbm>>) target(%arg9 : memref<128x64xf32, #tpu.memory_space<vmem>>) offsets(%arg5 : memref<128xi32, #tpu.memory_space<vmem>>) semaphore(%arg13 : memref<!tpu.dma_semaphore, #tpu.memory_space<semaphore_mem>>)
    %dma_wait3A_44 = arith.constant 0 : i32
    %dma_wait3A_45 = arith.constant 0 : i32
    %dma_wait3A_46 = tpu.memref_slice %arg3[%dma_wait3A_44, %dma_wait3A_45] : memref<1000000x64xf32, #tpu.memory_space<hbm>> -> memref<1000000x64xf32, #tpu.memory_space<hbm>>
    tpu.wait_indirect_dma semaphore(%arg14 : memref<!tpu.dma_semaphore, #tpu.memory_space<semaphore_mem>>) src(%dma_wait3A_46 : memref<1000000x64xf32, #tpu.memory_space<hbm>>) dst(%arg10 : memref<128x64xf32, #tpu.memory_space<vmem>>)
    %scan3A_47 = arith.constant 0 : i32
    %scan3A_48 = arith.constant 0 : i32
    %scan3A_49 = arith.constant 8 : i32
    %scan3A_50 = arith.addi %scan3A_48, %scan3A_49 : i32
    %scan3A_51 = arith.constant 1 : i32
    scf.for %scan3A_624 = %scan3A_48 to %scan3A_50 step %scan3A_51  : i32 {
      %mul3A_625 = arith.constant 16 : i32
      %mul3A_626 = arith.muli %scan3A_624, %mul3A_625 : i32
      %get3A = arith.index_cast %mul3A_626 : i32 to index
      %get3A_627 = tpu.vector_load %arg6[%get3A] {strides = array<i32>} : memref<128xi32, #tpu.memory_space<vmem>>, vector<16xi32>,
      %eq3A = arith.constant 0 : i32
      %eq3A_628 = vector.broadcast %eq3A : i32 to vector<16xi32>
      %eq3A_629 = arith.cmpi eq, %get3A_627, %eq3A_628 : vector<16xi32>
      %all_reduce_population_count3A = tpu.all_reduce %eq3A_629 {dim = 0 : i64, kind = #tpu.reduction_kind<sum>} : vector<16xi1> -> vector<16xi32>
      %reduce_max3A = arith.constant true
      %reduce_max3A_630 = vector.broadcast %reduce_max3A : i1 to vector<16xi1>
      %reduce_max3A_631 = arith.constant -2147483648 : i32
      %reduce_max3A_632 = vector.broadcast %reduce_max3A_631 : i32 to vector<16xi32>
      %reduce_max3A_633 = arith.xori %all_reduce_population_count3A, %reduce_max3A_632 : vector<16xi32>
      %reduce_max3A_634 = tpu.scan <max>, %reduce_max3A_633 masked %reduce_max3A_630 : vector<16xi32>, vector<16xi1> -> vector<16xi32>
      %reduce_max3A_635 = arith.xori %reduce_max3A_634, %reduce_max3A_632 : vector<16xi32>
      %reduce_max3A_636 = vector.extract %reduce_max3A_635[15] : i32 from vector<16xi32>
      %gt3A = arith.constant 0 : i32
      %gt3A_637 = arith.cmpi sgt, %reduce_max3A_636, %gt3A : i32
      %convert_element_type3A = arith.extui %gt3A_637 : i1 to i32
      %cond3A = arith.constant 0 : i32
      %cond3A_638 = arith.cmpi ne, %convert_element_type3A, %cond3A : i32
      scf.if %cond3A_638 {
        %mul3A_639 = arith.constant 16 : i32
        %mul3A_640 = arith.muli %scan3A_624, %mul3A_639 : i32
        %iota3A = tpu.iota {dimensions = array<i32: 0>} : vector<16xi32>
        %add3A_641 = vector.broadcast %mul3A_640 : i32 to vector<16xi32>
        %add3A_642 = arith.addi %add3A_641, %iota3A : vector<16xi32>
        %broadcast_in_dim3A = arith.constant 0.000000e+00 : f32
        %broadcast_in_dim3A_643 = vector.broadcast %broadcast_in_dim3A : f32 to vector<16xf32>
        %scan3A_644 = arith.constant 0 : i32
        %scan3A_645 = arith.constant 0 : i32
        %scan3A_646 = arith.constant 64 : i32
        %scan3A_647 = arith.addi %scan3A_645, %scan3A_646 : i32
        %scan3A_648 = arith.constant 1 : i32
        scf.for %scan3A_650 = %scan3A_645 to %scan3A_647 step %scan3A_648  : i32 {
          %broadcast_in_dim3A_651 = vector.broadcast %scan3A_650 : i32 to vector<16xi32>
          tpu.vector_store_idx %arg10[%add3A_642, %broadcast_in_dim3A_651], %broadcast_in_dim3A_643 masked %eq3A_629 : memref<128x64xf32, #tpu.memory_space<vmem>>[vector<16xi32>, vector<16xi32>], vector<16xf32>, vector<16xi1>
        }
        %scan3A_649 = arith.constant 64 : i32
      } else {
      }
    }
    %scan3A_52 = arith.constant 8 : i32
    %add3A_53 = arith.constant 128 : i32
    %add3A_54 = arith.addi %mul3A_2, %add3A_53 : i32
    %dma_start3A_55 = arith.constant 0 : i32
    %dma_start3A_56 = tpu.memref_slice %arg4[%add3A_54, %dma_start3A_55] : memref<106496x64xf32, #tpu.memory_space<hbm>> -> memref<128x64xf32, #tpu.memory_space<hbm>>
    %dma_start3A_57 = arith.constant 0 : i32
    %dma_start3A_58 = tpu.memref_slice %arg4[%add3A_54, %dma_start3A_57] : memref<106496x64xf32, #tpu.memory_space<hbm>> -> memref<128x64xf32, #tpu.memory_space<hbm>>
    tpu.enqueue_dma source(%arg10 : memref<128x64xf32, #tpu.memory_space<vmem>>) target(%dma_start3A_58 : memref<128x64xf32, #tpu.memory_space<hbm>>) target_semaphore(%arg18 : memref<!tpu.dma_semaphore, #tpu.memory_space<semaphore_mem>>)
    %dma_wait3A_59 = arith.constant 0 : i32
    %dma_wait3A_60 = tpu.memref_slice %arg4[%add3A_54, %dma_wait3A_59] : memref<106496x64xf32, #tpu.memory_space<hbm>> -> memref<128x64xf32, #tpu.memory_space<hbm>>
    %dma_wait3A_61 = arith.constant 0 : i32
    %dma_wait3A_62 = tpu.memref_slice %arg4[%add3A_54, %dma_wait3A_61] : memref<106496x64xf32, #tpu.memory_space<hbm>> -> memref<128x64xf32, #tpu.memory_space<hbm>>
    tpu.wait_dma2 semaphore(%arg18 : memref<!tpu.dma_semaphore, #tpu.memory_space<semaphore_mem>>) src(%arg10 : memref<128x64xf32, #tpu.memory_space<vmem>>) dst(%dma_wait3A_62 : memref<128x64xf32, #tpu.memory_space<hbm>>)
    %add3A_63 = arith.constant 640 : i32
    %add3A_64 = arith.addi %mul3A_2, %add3A_63 : i32
    "tpu.region"() ({
      %run_scoped3A = tpu.sem_alloc : memref<!tpu.dma_semaphore, #tpu.memory_space<semaphore_mem>>
      %dma_start3A_624 = tpu.memref_slice %arg2[%add3A_64] : memref<106496xi32, #tpu.memory_space<hbm>> -> memref<128xi32, #tpu.memory_space<hbm>>
      %dma_start3A_625 = tpu.memref_slice %arg2[%add3A_64] : memref<106496xi32, #tpu.memory_space<hbm>> -> memref<128xi32, #tpu.memory_space<hbm>>
      tpu.enqueue_dma source(%dma_start3A_625 : memref<128xi32, #tpu.memory_space<hbm>>) target(%arg6 : memref<128xi32, #tpu.memory_space<vmem>>) target_semaphore(%run_scoped3A : memref<!tpu.dma_semaphore, #tpu.memory_space<semaphore_mem>>)
      %dma_wait3A_626 = tpu.memref_slice %arg2[%add3A_64] : memref<106496xi32, #tpu.memory_space<hbm>> -> memref<128xi32, #tpu.memory_space<hbm>>
      %dma_wait3A_627 = tpu.memref_slice %arg2[%add3A_64] : memref<106496xi32, #tpu.memory_space<hbm>> -> memref<128xi32, #tpu.memory_space<hbm>>
      tpu.wait_dma2 semaphore(%run_scoped3A : memref<!tpu.dma_semaphore, #tpu.memory_space<semaphore_mem>>) src(%dma_wait3A_627 : memref<128xi32, #tpu.memory_space<hbm>>) dst(%arg6 : memref<128xi32, #tpu.memory_space<vmem>>)
      tpu.yield
    }) : () -> ()
    %dma_start3A_65 = arith.constant 0 : i32
    %dma_start3A_66 = arith.constant 0 : i32
    %dma_start3A_67 = tpu.memref_slice %arg3[%dma_start3A_65, %dma_start3A_66] : memref<1000000x64xf32, #tpu.memory_space<hbm>> -> memref<1000000x64xf32, #tpu.memory_space<hbm>>
    tpu.enqueue_indirect_dma source(%dma_start3A_67 : memref<1000000x64xf32, #tpu.memory_space<hbm>>) target(%arg10 : memref<128x64xf32, #tpu.memory_space<vmem>>) offsets(%arg6 : memref<128xi32, #tpu.memory_space<vmem>>) semaphore(%arg14 : memref<!tpu.dma_semaphore, #tpu.memory_space<semaphore_mem>>)
    %dma_wait3A_68 = arith.constant 0 : i32
    %dma_wait3A_69 = arith.constant 0 : i32
    %dma_wait3A_70 = tpu.memref_slice %arg3[%dma_wait3A_68, %dma_wait3A_69] : memref<1000000x64xf32, #tpu.memory_space<hbm>> -> memref<1000000x64xf32, #tpu.memory_space<hbm>>
    tpu.wait_indirect_dma semaphore(%arg15 : memref<!tpu.dma_semaphore, #tpu.memory_space<semaphore_mem>>) src(%dma_wait3A_70 : memref<1000000x64xf32, #tpu.memory_space<hbm>>) dst(%arg11 : memref<128x64xf32, #tpu.memory_space<vmem>>)
    %scan3A_71 = arith.constant 0 : i32
    %scan3A_72 = arith.constant 0 : i32
    %scan3A_73 = arith.constant 8 : i32
    %scan3A_74 = arith.addi %scan3A_72, %scan3A_73 : i32
    %scan3A_75 = arith.constant 1 : i32
    scf.for %scan3A_624 = %scan3A_72 to %scan3A_74 step %scan3A_75  : i32 {
      %mul3A_625 = arith.constant 16 : i32
      %mul3A_626 = arith.muli %scan3A_624, %mul3A_625 : i32
      %get3A = arith.index_cast %mul3A_626 : i32 to index
      %get3A_627 = tpu.vector_load %arg7[%get3A] {strides = array<i32>} : memref<128xi32, #tpu.memory_space<vmem>>, vector<16xi32>,
      %eq3A = arith.constant 0 : i32
      %eq3A_628 = vector.broadcast %eq3A : i32 to vector<16xi32>
      %eq3A_629 = arith.cmpi eq, %get3A_627, %eq3A_628 : vector<16xi32>
      %all_reduce_population_count3A = tpu.all_reduce %eq3A_629 {dim = 0 : i64, kind = #tpu.reduction_kind<sum>} : vector<16xi1> -> vector<16xi32>
      %reduce_max3A = arith.constant true
      %reduce_max3A_630 = vector.broadcast %reduce_max3A : i1 to vector<16xi1>
      %reduce_max3A_631 = arith.constant -2147483648 : i32
      %reduce_max3A_632 = vector.broadcast %reduce_max3A_631 : i32 to vector<16xi32>
      %reduce_max3A_633 = arith.xori %all_reduce_population_count3A, %reduce_max3A_632 : vector<16xi32>
      %reduce_max3A_634 = tpu.scan <max>, %reduce_max3A_633 masked %reduce_max3A_630 : vector<16xi32>, vector<16xi1> -> vector<16xi32>
      %reduce_max3A_635 = arith.xori %reduce_max3A_634, %reduce_max3A_632 : vector<16xi32>
      %reduce_max3A_636 = vector.extract %reduce_max3A_635[15] : i32 from vector<16xi32>
      %gt3A = arith.constant 0 : i32
      %gt3A_637 = arith.cmpi sgt, %reduce_max3A_636, %gt3A : i32
      %convert_element_type3A = arith.extui %gt3A_637 : i1 to i32
      %cond3A = arith.constant 0 : i32
      %cond3A_638 = arith.cmpi ne, %convert_element_type3A, %cond3A : i32
      scf.if %cond3A_638 {
        %mul3A_639 = arith.constant 16 : i32
        %mul3A_640 = arith.muli %scan3A_624, %mul3A_639 : i32
        %iota3A = tpu.iota {dimensions = array<i32: 0>} : vector<16xi32>
        %add3A_641 = vector.broadcast %mul3A_640 : i32 to vector<16xi32>
        %add3A_642 = arith.addi %add3A_641, %iota3A : vector<16xi32>
        %broadcast_in_dim3A = arith.constant 0.000000e+00 : f32
        %broadcast_in_dim3A_643 = vector.broadcast %broadcast_in_dim3A : f32 to vector<16xf32>
        %scan3A_644 = arith.constant 0 : i32
        %scan3A_645 = arith.constant 0 : i32
        %scan3A_646 = arith.constant 64 : i32
        %scan3A_647 = arith.addi %scan3A_645, %scan3A_646 : i32
        %scan3A_648 = arith.constant 1 : i32
        scf.for %scan3A_650 = %scan3A_645 to %scan3A_647 step %scan3A_648  : i32 {
          %broadcast_in_dim3A_651 = vector.broadcast %scan3A_650 : i32 to vector<16xi32>
          tpu.vector_store_idx %arg11[%add3A_642, %broadcast_in_dim3A_651], %broadcast_in_dim3A_643 masked %eq3A_629 : memref<128x64xf32, #tpu.memory_space<vmem>>[vector<16xi32>, vector<16xi32>], vector<16xf32>, vector<16xi1>
        }
        %scan3A_649 = arith.constant 64 : i32
      } else {
      }
    }
    %scan3A_76 = arith.constant 8 : i32
    %add3A_77 = arith.constant 256 : i32
    %add3A_78 = arith.addi %mul3A_2, %add3A_77 : i32
    %dma_start3A_79 = arith.constant 0 : i32
    %dma_start3A_80 = tpu.memref_slice %arg4[%add3A_78, %dma_start3A_79] : memref<106496x64xf32, #tpu.memory_space<hbm>> -> memref<128x64xf32, #tpu.memory_space<hbm>>
    %dma_start3A_81 = arith.constant 0 : i32
    %dma_start3A_82 = tpu.memref_slice %arg4[%add3A_78, %dma_start3A_81] : memref<106496x64xf32, #tpu.memory_space<hbm>> -> memref<128x64xf32, #tpu.memory_space<hbm>>
    tpu.enqueue_dma source(%arg11 : memref<128x64xf32, #tpu.memory_space<vmem>>) target(%dma_start3A_82 : memref<128x64xf32, #tpu.memory_space<hbm>>) target_semaphore(%arg19 : memref<!tpu.dma_semaphore, #tpu.memory_space<semaphore_mem>>)
    %dma_wait3A_83 = arith.constant 0 : i32
    %dma_wait3A_84 = tpu.memref_slice %arg4[%add3A_78, %dma_wait3A_83] : memref<106496x64xf32, #tpu.memory_space<hbm>> -> memref<128x64xf32, #tpu.memory_space<hbm>>
    %dma_wait3A_85 = arith.constant 0 : i32
    %dma_wait3A_86 = tpu.memref_slice %arg4[%add3A_78, %dma_wait3A_85] : memref<106496x64xf32, #tpu.memory_space<hbm>> -> memref<128x64xf32, #tpu.memory_space<hbm>>
    tpu.wait_dma2 semaphore(%arg19 : memref<!tpu.dma_semaphore, #tpu.memory_space<semaphore_mem>>) src(%arg11 : memref<128x64xf32, #tpu.memory_space<vmem>>) dst(%dma_wait3A_86 : memref<128x64xf32, #tpu.memory_space<hbm>>)
    %add3A_87 = arith.constant 768 : i32
    %add3A_88 = arith.addi %mul3A_2, %add3A_87 : i32
    "tpu.region"() ({
      %run_scoped3A = tpu.sem_alloc : memref<!tpu.dma_semaphore, #tpu.memory_space<semaphore_mem>>
      %dma_start3A_624 = tpu.memref_slice %arg2[%add3A_88] : memref<106496xi32, #tpu.memory_space<hbm>> -> memref<128xi32, #tpu.memory_space<hbm>>
      %dma_start3A_625 = tpu.memref_slice %arg2[%add3A_88] : memref<106496xi32, #tpu.memory_space<hbm>> -> memref<128xi32, #tpu.memory_space<hbm>>
      tpu.enqueue_dma source(%dma_start3A_625 : memref<128xi32, #tpu.memory_space<hbm>>) target(%arg7 : memref<128xi32, #tpu.memory_space<vmem>>) target_semaphore(%run_scoped3A : memref<!tpu.dma_semaphore, #tpu.memory_space<semaphore_mem>>)
      %dma_wait3A_626 = tpu.memref_slice %arg2[%add3A_88] : memref<106496xi32, #tpu.memory_space<hbm>> -> memref<128xi32, #tpu.memory_space<hbm>>
      %dma_wait3A_627 = tpu.memref_slice %arg2[%add3A_88] : memref<106496xi32, #tpu.memory_space<hbm>> -> memref<128xi32, #tpu.memory_space<hbm>>
      tpu.wait_dma2 semaphore(%run_scoped3A : memref<!tpu.dma_semaphore, #tpu.memory_space<semaphore_mem>>) src(%dma_wait3A_627 : memref<128xi32, #tpu.memory_space<hbm>>) dst(%arg7 : memref<128xi32, #tpu.memory_space<vmem>>)
      tpu.yield
    }) : () -> ()
    %dma_start3A_89 = arith.constant 0 : i32
    %dma_start3A_90 = arith.constant 0 : i32
    %dma_start3A_91 = tpu.memref_slice %arg3[%dma_start3A_89, %dma_start3A_90] : memref<1000000x64xf32, #tpu.memory_space<hbm>> -> memref<1000000x64xf32, #tpu.memory_space<hbm>>
    tpu.enqueue_indirect_dma source(%dma_start3A_91 : memref<1000000x64xf32, #tpu.memory_space<hbm>>) target(%arg11 : memref<128x64xf32, #tpu.memory_space<vmem>>) offsets(%arg7 : memref<128xi32, #tpu.memory_space<vmem>>) semaphore(%arg15 : memref<!tpu.dma_semaphore, #tpu.memory_space<semaphore_mem>>)
    %dma_wait3A_92 = arith.constant 0 : i32
    %dma_wait3A_93 = arith.constant 0 : i32
    %dma_wait3A_94 = tpu.memref_slice %arg3[%dma_wait3A_92, %dma_wait3A_93] : memref<1000000x64xf32, #tpu.memory_space<hbm>> -> memref<1000000x64xf32, #tpu.memory_space<hbm>>
    tpu.wait_indirect_dma semaphore(%arg16 : memref<!tpu.dma_semaphore, #tpu.memory_space<semaphore_mem>>) src(%dma_wait3A_94 : memref<1000000x64xf32, #tpu.memory_space<hbm>>) dst(%arg12 : memref<128x64xf32, #tpu.memory_space<vmem>>)
    %scan3A_95 = arith.constant 0 : i32
    %scan3A_96 = arith.constant 0 : i32
    %scan3A_97 = arith.constant 8 : i32
    %scan3A_98 = arith.addi %scan3A_96, %scan3A_97 : i32
    %scan3A_99 = arith.constant 1 : i32
    scf.for %scan3A_624 = %scan3A_96 to %scan3A_98 step %scan3A_99  : i32 {
      %mul3A_625 = arith.constant 16 : i32
      %mul3A_626 = arith.muli %scan3A_624, %mul3A_625 : i32
      %get3A = arith.index_cast %mul3A_626 : i32 to index
      %get3A_627 = tpu.vector_load %arg8[%get3A] {strides = array<i32>} : memref<128xi32, #tpu.memory_space<vmem>>, vector<16xi32>,
      %eq3A = arith.constant 0 : i32
      %eq3A_628 = vector.broadcast %eq3A : i32 to vector<16xi32>
      %eq3A_629 = arith.cmpi eq, %get3A_627, %eq3A_628 : vector<16xi32>
      %all_reduce_population_count3A = tpu.all_reduce %eq3A_629 {dim = 0 : i64, kind = #tpu.reduction_kind<sum>} : vector<16xi1> -> vector<16xi32>
      %reduce_max3A = arith.constant true
      %reduce_max3A_630 = vector.broadcast %reduce_max3A : i1 to vector<16xi1>
      %reduce_max3A_631 = arith.constant -2147483648 : i32
      %reduce_max3A_632 = vector.broadcast %reduce_max3A_631 : i32 to vector<16xi32>
      %reduce_max3A_633 = arith.xori %all_reduce_population_count3A, %reduce_max3A_632 : vector<16xi32>
      %reduce_max3A_634 = tpu.scan <max>, %reduce_max3A_633 masked %reduce_max3A_630 : vector<16xi32>, vector<16xi1> -> vector<16xi32>
      %reduce_max3A_635 = arith.xori %reduce_max3A_634, %reduce_max3A_632 : vector<16xi32>
      %reduce_max3A_636 = vector.extract %reduce_max3A_635[15] : i32 from vector<16xi32>
      %gt3A = arith.constant 0 : i32
      %gt3A_637 = arith.cmpi sgt, %reduce_max3A_636, %gt3A : i32
      %convert_element_type3A = arith.extui %gt3A_637 : i1 to i32
      %cond3A = arith.constant 0 : i32
      %cond3A_638 = arith.cmpi ne, %convert_element_type3A, %cond3A : i32
      scf.if %cond3A_638 {
        %mul3A_639 = arith.constant 16 : i32
        %mul3A_640 = arith.muli %scan3A_624, %mul3A_639 : i32
        %iota3A = tpu.iota {dimensions = array<i32: 0>} : vector<16xi32>
        %add3A_641 = vector.broadcast %mul3A_640 : i32 to vector<16xi32>
        %add3A_642 = arith.addi %add3A_641, %iota3A : vector<16xi32>
        %broadcast_in_dim3A = arith.constant 0.000000e+00 : f32
        %broadcast_in_dim3A_643 = vector.broadcast %broadcast_in_dim3A : f32 to vector<16xf32>
        %scan3A_644 = arith.constant 0 : i32
        %scan3A_645 = arith.constant 0 : i32
        %scan3A_646 = arith.constant 64 : i32
        %scan3A_647 = arith.addi %scan3A_645, %scan3A_646 : i32
        %scan3A_648 = arith.constant 1 : i32
        scf.for %scan3A_650 = %scan3A_645 to %scan3A_647 step %scan3A_648  : i32 {
          %broadcast_in_dim3A_651 = vector.broadcast %scan3A_650 : i32 to vector<16xi32>
          tpu.vector_store_idx %arg12[%add3A_642, %broadcast_in_dim3A_651], %broadcast_in_dim3A_643 masked %eq3A_629 : memref<128x64xf32, #tpu.memory_space<vmem>>[vector<16xi32>, vector<16xi32>], vector<16xf32>, vector<16xi1>
        }
        %scan3A_649 = arith.constant 64 : i32
      } else {
      }
    }
    %scan3A_100 = arith.constant 8 : i32
    %add3A_101 = arith.constant 384 : i32
    %add3A_102 = arith.addi %mul3A_2, %add3A_101 : i32
    %dma_start3A_103 = arith.constant 0 : i32
    %dma_start3A_104 = tpu.memref_slice %arg4[%add3A_102, %dma_start3A_103] : memref<106496x64xf32, #tpu.memory_space<hbm>> -> memref<128x64xf32, #tpu.memory_space<hbm>>
    %dma_start3A_105 = arith.constant 0 : i32
    %dma_start3A_106 = tpu.memref_slice %arg4[%add3A_102, %dma_start3A_105] : memref<106496x64xf32, #tpu.memory_space<hbm>> -> memref<128x64xf32, #tpu.memory_space<hbm>>
    tpu.enqueue_dma source(%arg12 : memref<128x64xf32, #tpu.memory_space<vmem>>) target(%dma_start3A_106 : memref<128x64xf32, #tpu.memory_space<hbm>>) target_semaphore(%arg20 : memref<!tpu.dma_semaphore, #tpu.memory_space<semaphore_mem>>)
    %dma_wait3A_107 = arith.constant 0 : i32
    %dma_wait3A_108 = tpu.memref_slice %arg4[%add3A_102, %dma_wait3A_107] : memref<106496x64xf32, #tpu.memory_space<hbm>> -> memref<128x64xf32, #tpu.memory_space<hbm>>
    %dma_wait3A_109 = arith.constant 0 : i32
    %dma_wait3A_110 = tpu.memref_slice %arg4[%add3A_102, %dma_wait3A_109] : memref<106496x64xf32, #tpu.memory_space<hbm>> -> memref<128x64xf32, #tpu.memory_space<hbm>>
    tpu.wait_dma2 semaphore(%arg20 : memref<!tpu.dma_semaphore, #tpu.memory_space<semaphore_mem>>) src(%arg12 : memref<128x64xf32, #tpu.memory_space<vmem>>) dst(%dma_wait3A_110 : memref<128x64xf32, #tpu.memory_space<hbm>>)
    %add3A_111 = arith.constant 896 : i32
    %add3A_112 = arith.addi %mul3A_2, %add3A_111 : i32
    "tpu.region"() ({
      %run_scoped3A = tpu.sem_alloc : memref<!tpu.dma_semaphore, #tpu.memory_space<semaphore_mem>>
      %dma_start3A_624 = tpu.memref_slice %arg2[%add3A_112] : memref<106496xi32, #tpu.memory_space<hbm>> -> memref<128xi32, #tpu.memory_space<hbm>>
      %dma_start3A_625 = tpu.memref_slice %arg2[%add3A_112] : memref<106496xi32, #tpu.memory_space<hbm>> -> memref<128xi32, #tpu.memory_space<hbm>>
      tpu.enqueue_dma source(%dma_start3A_625 : memref<128xi32, #tpu.memory_space<hbm>>) target(%arg8 : memref<128xi32, #tpu.memory_space<vmem>>) target_semaphore(%run_scoped3A : memref<!tpu.dma_semaphore, #tpu.memory_space<semaphore_mem>>)
      %dma_wait3A_626 = tpu.memref_slice %arg2[%add3A_112] : memref<106496xi32, #tpu.memory_space<hbm>> -> memref<128xi32, #tpu.memory_space<hbm>>
      %dma_wait3A_627 = tpu.memref_slice %arg2[%add3A_112] : memref<106496xi32, #tpu.memory_space<hbm>> -> memref<128xi32, #tpu.memory_space<hbm>>
      tpu.wait_dma2 semaphore(%run_scoped3A : memref<!tpu.dma_semaphore, #tpu.memory_space<semaphore_mem>>) src(%dma_wait3A_627 : memref<128xi32, #tpu.memory_space<hbm>>) dst(%arg8 : memref<128xi32, #tpu.memory_space<vmem>>)
      tpu.yield
    }) : () -> ()
    %dma_start3A_113 = arith.constant 0 : i32
    %dma_start3A_114 = arith.constant 0 : i32
    %dma_start3A_115 = tpu.memref_slice %arg3[%dma_start3A_113, %dma_start3A_114] : memref<1000000x64xf32, #tpu.memory_space<hbm>> -> memref<1000000x64xf32, #tpu.memory_space<hbm>>
    tpu.enqueue_indirect_dma source(%dma_start3A_115 : memref<1000000x64xf32, #tpu.memory_space<hbm>>) target(%arg12 : memref<128x64xf32, #tpu.memory_space<vmem>>) offsets(%arg8 : memref<128xi32, #tpu.memory_space<vmem>>) semaphore(%arg16 : memref<!tpu.dma_semaphore, #tpu.memory_space<semaphore_mem>>)
    %dma_wait3A_116 = arith.constant 0 : i32
    %dma_wait3A_117 = arith.constant 0 : i32
    %dma_wait3A_118 = tpu.memref_slice %arg3[%dma_wait3A_116, %dma_wait3A_117] : memref<1000000x64xf32, #tpu.memory_space<hbm>> -> memref<1000000x64xf32, #tpu.memory_space<hbm>>
    tpu.wait_indirect_dma semaphore(%arg13 : memref<!tpu.dma_semaphore, #tpu.memory_space<semaphore_mem>>) src(%dma_wait3A_118 : memref<1000000x64xf32, #tpu.memory_space<hbm>>) dst(%arg9 : memref<128x64xf32, #tpu.memory_space<vmem>>)
    %scan3A_119 = arith.constant 0 : i32
    %scan3A_120 = arith.constant 0 : i32
    %scan3A_121 = arith.constant 8 : i32
    %scan3A_122 = arith.addi %scan3A_120, %scan3A_121 : i32
    %scan3A_123 = arith.constant 1 : i32
    scf.for %scan3A_624 = %scan3A_120 to %scan3A_122 step %scan3A_123  : i32 {
      %mul3A_625 = arith.constant 16 : i32
      %mul3A_626 = arith.muli %scan3A_624, %mul3A_625 : i32
      %get3A = arith.index_cast %mul3A_626 : i32 to index
      %get3A_627 = tpu.vector_load %arg5[%get3A] {strides = array<i32>} : memref<128xi32, #tpu.memory_space<vmem>>, vector<16xi32>,
      %eq3A = arith.constant 0 : i32
      %eq3A_628 = vector.broadcast %eq3A : i32 to vector<16xi32>
      %eq3A_629 = arith.cmpi eq, %get3A_627, %eq3A_628 : vector<16xi32>
      %all_reduce_population_count3A = tpu.all_reduce %eq3A_629 {dim = 0 : i64, kind = #tpu.reduction_kind<sum>} : vector<16xi1> -> vector<16xi32>
      %reduce_max3A = arith.constant true
      %reduce_max3A_630 = vector.broadcast %reduce_max3A : i1 to vector<16xi1>
      %reduce_max3A_631 = arith.constant -2147483648 : i32
      %reduce_max3A_632 = vector.broadcast %reduce_max3A_631 : i32 to vector<16xi32>
      %reduce_max3A_633 = arith.xori %all_reduce_population_count3A, %reduce_max3A_632 : vector<16xi32>
      %reduce_max3A_634 = tpu.scan <max>, %reduce_max3A_633 masked %reduce_max3A_630 : vector<16xi32>, vector<16xi1> -> vector<16xi32>
      %reduce_max3A_635 = arith.xori %reduce_max3A_634, %reduce_max3A_632 : vector<16xi32>
      %reduce_max3A_636 = vector.extract %reduce_max3A_635[15] : i32 from vector<16xi32>
      %gt3A = arith.constant 0 : i32
      %gt3A_637 = arith.cmpi sgt, %reduce_max3A_636, %gt3A : i32
      %convert_element_type3A = arith.extui %gt3A_637 : i1 to i32
      %cond3A = arith.constant 0 : i32
      %cond3A_638 = arith.cmpi ne, %convert_element_type3A, %cond3A : i32
      scf.if %cond3A_638 {
        %mul3A_639 = arith.constant 16 : i32
        %mul3A_640 = arith.muli %scan3A_624, %mul3A_639 : i32
        %iota3A = tpu.iota {dimensions = array<i32: 0>} : vector<16xi32>
        %add3A_641 = vector.broadcast %mul3A_640 : i32 to vector<16xi32>
        %add3A_642 = arith.addi %add3A_641, %iota3A : vector<16xi32>
        %broadcast_in_dim3A = arith.constant 0.000000e+00 : f32
        %broadcast_in_dim3A_643 = vector.broadcast %broadcast_in_dim3A : f32 to vector<16xf32>
        %scan3A_644 = arith.constant 0 : i32
        %scan3A_645 = arith.constant 0 : i32
        %scan3A_646 = arith.constant 64 : i32
        %scan3A_647 = arith.addi %scan3A_645, %scan3A_646 : i32
        %scan3A_648 = arith.constant 1 : i32
        scf.for %scan3A_650 = %scan3A_645 to %scan3A_647 step %scan3A_648  : i32 {
          %broadcast_in_dim3A_651 = vector.broadcast %scan3A_650 : i32 to vector<16xi32>
          tpu.vector_store_idx %arg9[%add3A_642, %broadcast_in_dim3A_651], %broadcast_in_dim3A_643 masked %eq3A_629 : memref<128x64xf32, #tpu.memory_space<vmem>>[vector<16xi32>, vector<16xi32>], vector<16xf32>, vector<16xi1>
        }
        %scan3A_649 = arith.constant 64 : i32
      } else {
      }
    }
    %scan3A_124 = arith.constant 8 : i32
    %add3A_125 = arith.constant 512 : i32
    %add3A_126 = arith.addi %mul3A_2, %add3A_125 : i32
    %dma_start3A_127 = arith.constant 0 : i32
    %dma_start3A_128 = tpu.memref_slice %arg4[%add3A_126, %dma_start3A_127] : memref<106496x64xf32, #tpu.memory_space<hbm>> -> memref<128x64xf32, #tpu.memory_space<hbm>>
    %dma_start3A_129 = arith.constant 0 : i32
    %dma_start3A_130 = tpu.memref_slice %arg4[%add3A_126, %dma_start3A_129] : memref<106496x64xf32, #tpu.memory_space<hbm>> -> memref<128x64xf32, #tpu.memory_space<hbm>>
    tpu.enqueue_dma source(%arg9 : memref<128x64xf32, #tpu.memory_space<vmem>>) target(%dma_start3A_130 : memref<128x64xf32, #tpu.memory_space<hbm>>) target_semaphore(%arg17 : memref<!tpu.dma_semaphore, #tpu.memory_space<semaphore_mem>>)
    %dma_wait3A_131 = arith.constant 0 : i32
    %dma_wait3A_132 = tpu.memref_slice %arg4[%add3A_126, %dma_wait3A_131] : memref<106496x64xf32, #tpu.memory_space<hbm>> -> memref<128x64xf32, #tpu.memory_space<hbm>>
    %dma_wait3A_133 = arith.constant 0 : i32
    %dma_wait3A_134 = tpu.memref_slice %arg4[%add3A_126, %dma_wait3A_133] : memref<106496x64xf32, #tpu.memory_space<hbm>> -> memref<128x64xf32, #tpu.memory_space<hbm>>
    tpu.wait_dma2 semaphore(%arg17 : memref<!tpu.dma_semaphore, #tpu.memory_space<semaphore_mem>>) src(%arg9 : memref<128x64xf32, #tpu.memory_space<vmem>>) dst(%dma_wait3A_134 : memref<128x64xf32, #tpu.memory_space<hbm>>)
    %add3A_135 = arith.constant 1024 : i32
    %add3A_136 = arith.addi %mul3A_2, %add3A_135 : i32
    "tpu.region"() ({
      %run_scoped3A = tpu.sem_alloc : memref<!tpu.dma_semaphore, #tpu.memory_space<semaphore_mem>>
      %dma_start3A_624 = tpu.memref_slice %arg2[%add3A_136] : memref<106496xi32, #tpu.memory_space<hbm>> -> memref<128xi32, #tpu.memory_space<hbm>>
      %dma_start3A_625 = tpu.memref_slice %arg2[%add3A_136] : memref<106496xi32, #tpu.memory_space<hbm>> -> memref<128xi32, #tpu.memory_space<hbm>>
      tpu.enqueue_dma source(%dma_start3A_625 : memref<128xi32, #tpu.memory_space<hbm>>) target(%arg5 : memref<128xi32, #tpu.memory_space<vmem>>) target_semaphore(%run_scoped3A : memref<!tpu.dma_semaphore, #tpu.memory_space<semaphore_mem>>)
      %dma_wait3A_626 = tpu.memref_slice %arg2[%add3A_136] : memref<106496xi32, #tpu.memory_space<hbm>> -> memref<128xi32, #tpu.memory_space<hbm>>
      %dma_wait3A_627 = tpu.memref_slice %arg2[%add3A_136] : memref<106496xi32, #tpu.memory_space<hbm>> -> memref<128xi32, #tpu.memory_space<hbm>>
      tpu.wait_dma2 semaphore(%run_scoped3A : memref<!tpu.dma_semaphore, #tpu.memory_space<semaphore_mem>>) src(%dma_wait3A_627 : memref<128xi32, #tpu.memory_space<hbm>>) dst(%arg5 : memref<128xi32, #tpu.memory_space<vmem>>)
      tpu.yield
    }) : () -> ()
    %dma_start3A_137 = arith.constant 0 : i32
    %dma_start3A_138 = arith.constant 0 : i32
    %dma_start3A_139 = tpu.memref_slice %arg3[%dma_start3A_137, %dma_start3A_138] : memref<1000000x64xf32, #tpu.memory_space<hbm>> -> memref<1000000x64xf32, #tpu.memory_space<hbm>>
    tpu.enqueue_indirect_dma source(%dma_start3A_139 : memref<1000000x64xf32, #tpu.memory_space<hbm>>) target(%arg9 : memref<128x64xf32, #tpu.memory_space<vmem>>) offsets(%arg5 : memref<128xi32, #tpu.memory_space<vmem>>) semaphore(%arg13 : memref<!tpu.dma_semaphore, #tpu.memory_space<semaphore_mem>>)
    %dma_wait3A_140 = arith.constant 0 : i32
    %dma_wait3A_141 = arith.constant 0 : i32
    %dma_wait3A_142 = tpu.memref_slice %arg3[%dma_wait3A_140, %dma_wait3A_141] : memref<1000000x64xf32, #tpu.memory_space<hbm>> -> memref<1000000x64xf32, #tpu.memory_space<hbm>>
    tpu.wait_indirect_dma semaphore(%arg14 : memref<!tpu.dma_semaphore, #tpu.memory_space<semaphore_mem>>) src(%dma_wait3A_142 : memref<1000000x64xf32, #tpu.memory_space<hbm>>) dst(%arg10 : memref<128x64xf32, #tpu.memory_space<vmem>>)
    %scan3A_143 = arith.constant 0 : i32
    %scan3A_144 = arith.constant 0 : i32
    %scan3A_145 = arith.constant 8 : i32
    %scan3A_146 = arith.addi %scan3A_144, %scan3A_145 : i32
    %scan3A_147 = arith.constant 1 : i32
    scf.for %scan3A_624 = %scan3A_144 to %scan3A_146 step %scan3A_147  : i32 {
      %mul3A_625 = arith.constant 16 : i32
      %mul3A_626 = arith.muli %scan3A_624, %mul3A_625 : i32
      %get3A = arith.index_cast %mul3A_626 : i32 to index
      %get3A_627 = tpu.vector_load %arg6[%get3A] {strides = array<i32>} : memref<128xi32, #tpu.memory_space<vmem>>, vector<16xi32>,
      %eq3A = arith.constant 0 : i32
      %eq3A_628 = vector.broadcast %eq3A : i32 to vector<16xi32>
      %eq3A_629 = arith.cmpi eq, %get3A_627, %eq3A_628 : vector<16xi32>
      %all_reduce_population_count3A = tpu.all_reduce %eq3A_629 {dim = 0 : i64, kind = #tpu.reduction_kind<sum>} : vector<16xi1> -> vector<16xi32>
      %reduce_max3A = arith.constant true
      %reduce_max3A_630 = vector.broadcast %reduce_max3A : i1 to vector<16xi1>
      %reduce_max3A_631 = arith.constant -2147483648 : i32
      %reduce_max3A_632 = vector.broadcast %reduce_max3A_631 : i32 to vector<16xi32>
      %reduce_max3A_633 = arith.xori %all_reduce_population_count3A, %reduce_max3A_632 : vector<16xi32>
      %reduce_max3A_634 = tpu.scan <max>, %reduce_max3A_633 masked %reduce_max3A_630 : vector<16xi32>, vector<16xi1> -> vector<16xi32>
      %reduce_max3A_635 = arith.xori %reduce_max3A_634, %reduce_max3A_632 : vector<16xi32>
      %reduce_max3A_636 = vector.extract %reduce_max3A_635[15] : i32 from vector<16xi32>
      %gt3A = arith.constant 0 : i32
      %gt3A_637 = arith.cmpi sgt, %reduce_max3A_636, %gt3A : i32
      %convert_element_type3A = arith.extui %gt3A_637 : i1 to i32
      %cond3A = arith.constant 0 : i32
      %cond3A_638 = arith.cmpi ne, %convert_element_type3A, %cond3A : i32
      scf.if %cond3A_638 {
        %mul3A_639 = arith.constant 16 : i32
        %mul3A_640 = arith.muli %scan3A_624, %mul3A_639 : i32
        %iota3A = tpu.iota {dimensions = array<i32: 0>} : vector<16xi32>
        %add3A_641 = vector.broadcast %mul3A_640 : i32 to vector<16xi32>
        %add3A_642 = arith.addi %add3A_641, %iota3A : vector<16xi32>
        %broadcast_in_dim3A = arith.constant 0.000000e+00 : f32
        %broadcast_in_dim3A_643 = vector.broadcast %broadcast_in_dim3A : f32 to vector<16xf32>
        %scan3A_644 = arith.constant 0 : i32
        %scan3A_645 = arith.constant 0 : i32
        %scan3A_646 = arith.constant 64 : i32
        %scan3A_647 = arith.addi %scan3A_645, %scan3A_646 : i32
        %scan3A_648 = arith.constant 1 : i32
        scf.for %scan3A_650 = %scan3A_645 to %scan3A_647 step %scan3A_648  : i32 {
          %broadcast_in_dim3A_651 = vector.broadcast %scan3A_650 : i32 to vector<16xi32>
          tpu.vector_store_idx %arg10[%add3A_642, %broadcast_in_dim3A_651], %broadcast_in_dim3A_643 masked %eq3A_629 : memref<128x64xf32, #tpu.memory_space<vmem>>[vector<16xi32>, vector<16xi32>], vector<16xf32>, vector<16xi1>
        }
        %scan3A_649 = arith.constant 64 : i32
      } else {
      }
    }
    %scan3A_148 = arith.constant 8 : i32
    %add3A_149 = arith.constant 640 : i32
    %add3A_150 = arith.addi %mul3A_2, %add3A_149 : i32
    %dma_start3A_151 = arith.constant 0 : i32
    %dma_start3A_152 = tpu.memref_slice %arg4[%add3A_150, %dma_start3A_151] : memref<106496x64xf32, #tpu.memory_space<hbm>> -> memref<128x64xf32, #tpu.memory_space<hbm>>
    %dma_start3A_153 = arith.constant 0 : i32
    %dma_start3A_154 = tpu.memref_slice %arg4[%add3A_150, %dma_start3A_153] : memref<106496x64xf32, #tpu.memory_space<hbm>> -> memref<128x64xf32, #tpu.memory_space<hbm>>
    tpu.enqueue_dma source(%arg10 : memref<128x64xf32, #tpu.memory_space<vmem>>) target(%dma_start3A_154 : memref<128x64xf32, #tpu.memory_space<hbm>>) target_semaphore(%arg18 : memref<!tpu.dma_semaphore, #tpu.memory_space<semaphore_mem>>)
    %dma_wait3A_155 = arith.constant 0 : i32
    %dma_wait3A_156 = tpu.memref_slice %arg4[%add3A_150, %dma_wait3A_155] : memref<106496x64xf32, #tpu.memory_space<hbm>> -> memref<128x64xf32, #tpu.memory_space<hbm>>
    %dma_wait3A_157 = arith.constant 0 : i32
    %dma_wait3A_158 = tpu.memref_slice %arg4[%add3A_150, %dma_wait3A_157] : memref<106496x64xf32, #tpu.memory_space<hbm>> -> memref<128x64xf32, #tpu.memory_space<hbm>>
    tpu.wait_dma2 semaphore(%arg18 : memref<!tpu.dma_semaphore, #tpu.memory_space<semaphore_mem>>) src(%arg10 : memref<128x64xf32, #tpu.memory_space<vmem>>) dst(%dma_wait3A_158 : memref<128x64xf32, #tpu.memory_space<hbm>>)
    %add3A_159 = arith.constant 1152 : i32
    %add3A_160 = arith.addi %mul3A_2, %add3A_159 : i32
    "tpu.region"() ({
      %run_scoped3A = tpu.sem_alloc : memref<!tpu.dma_semaphore, #tpu.memory_space<semaphore_mem>>
      %dma_start3A_624 = tpu.memref_slice %arg2[%add3A_160] : memref<106496xi32, #tpu.memory_space<hbm>> -> memref<128xi32, #tpu.memory_space<hbm>>
      %dma_start3A_625 = tpu.memref_slice %arg2[%add3A_160] : memref<106496xi32, #tpu.memory_space<hbm>> -> memref<128xi32, #tpu.memory_space<hbm>>
      tpu.enqueue_dma source(%dma_start3A_625 : memref<128xi32, #tpu.memory_space<hbm>>) target(%arg6 : memref<128xi32, #tpu.memory_space<vmem>>) target_semaphore(%run_scoped3A : memref<!tpu.dma_semaphore, #tpu.memory_space<semaphore_mem>>)
      %dma_wait3A_626 = tpu.memref_slice %arg2[%add3A_160] : memref<106496xi32, #tpu.memory_space<hbm>> -> memref<128xi32, #tpu.memory_space<hbm>>
      %dma_wait3A_627 = tpu.memref_slice %arg2[%add3A_160] : memref<106496xi32, #tpu.memory_space<hbm>> -> memref<128xi32, #tpu.memory_space<hbm>>
      tpu.wait_dma2 semaphore(%run_scoped3A : memref<!tpu.dma_semaphore, #tpu.memory_space<semaphore_mem>>) src(%dma_wait3A_627 : memref<128xi32, #tpu.memory_space<hbm>>) dst(%arg6 : memref<128xi32, #tpu.memory_space<vmem>>)
      tpu.yield
    }) : () -> ()
    %dma_start3A_161 = arith.constant 0 : i32
    %dma_start3A_162 = arith.constant 0 : i32
    %dma_start3A_163 = tpu.memref_slice %arg3[%dma_start3A_161, %dma_start3A_162] : memref<1000000x64xf32, #tpu.memory_space<hbm>> -> memref<1000000x64xf32, #tpu.memory_space<hbm>>
    tpu.enqueue_indirect_dma source(%dma_start3A_163 : memref<1000000x64xf32, #tpu.memory_space<hbm>>) target(%arg10 : memref<128x64xf32, #tpu.memory_space<vmem>>) offsets(%arg6 : memref<128xi32, #tpu.memory_space<vmem>>) semaphore(%arg14 : memref<!tpu.dma_semaphore, #tpu.memory_space<semaphore_mem>>)
    %dma_wait3A_164 = arith.constant 0 : i32
    %dma_wait3A_165 = arith.constant 0 : i32
    %dma_wait3A_166 = tpu.memref_slice %arg3[%dma_wait3A_164, %dma_wait3A_165] : memref<1000000x64xf32, #tpu.memory_space<hbm>> -> memref<1000000x64xf32, #tpu.memory_space<hbm>>
    tpu.wait_indirect_dma semaphore(%arg15 : memref<!tpu.dma_semaphore, #tpu.memory_space<semaphore_mem>>) src(%dma_wait3A_166 : memref<1000000x64xf32, #tpu.memory_space<hbm>>) dst(%arg11 : memref<128x64xf32, #tpu.memory_space<vmem>>)
    %scan3A_167 = arith.constant 0 : i32
    %scan3A_168 = arith.constant 0 : i32
    %scan3A_169 = arith.constant 8 : i32
    %scan3A_170 = arith.addi %scan3A_168, %scan3A_169 : i32
    %scan3A_171 = arith.constant 1 : i32
    scf.for %scan3A_624 = %scan3A_168 to %scan3A_170 step %scan3A_171  : i32 {
      %mul3A_625 = arith.constant 16 : i32
      %mul3A_626 = arith.muli %scan3A_624, %mul3A_625 : i32
      %get3A = arith.index_cast %mul3A_626 : i32 to index
      %get3A_627 = tpu.vector_load %arg7[%get3A] {strides = array<i32>} : memref<128xi32, #tpu.memory_space<vmem>>, vector<16xi32>,
      %eq3A = arith.constant 0 : i32
      %eq3A_628 = vector.broadcast %eq3A : i32 to vector<16xi32>
      %eq3A_629 = arith.cmpi eq, %get3A_627, %eq3A_628 : vector<16xi32>
      %all_reduce_population_count3A = tpu.all_reduce %eq3A_629 {dim = 0 : i64, kind = #tpu.reduction_kind<sum>} : vector<16xi1> -> vector<16xi32>
      %reduce_max3A = arith.constant true
      %reduce_max3A_630 = vector.broadcast %reduce_max3A : i1 to vector<16xi1>
      %reduce_max3A_631 = arith.constant -2147483648 : i32
      %reduce_max3A_632 = vector.broadcast %reduce_max3A_631 : i32 to vector<16xi32>
      %reduce_max3A_633 = arith.xori %all_reduce_population_count3A, %reduce_max3A_632 : vector<16xi32>
      %reduce_max3A_634 = tpu.scan <max>, %reduce_max3A_633 masked %reduce_max3A_630 : vector<16xi32>, vector<16xi1> -> vector<16xi32>
      %reduce_max3A_635 = arith.xori %reduce_max3A_634, %reduce_max3A_632 : vector<16xi32>
      %reduce_max3A_636 = vector.extract %reduce_max3A_635[15] : i32 from vector<16xi32>
      %gt3A = arith.constant 0 : i32
      %gt3A_637 = arith.cmpi sgt, %reduce_max3A_636, %gt3A : i32
      %convert_element_type3A = arith.extui %gt3A_637 : i1 to i32
      %cond3A = arith.constant 0 : i32
      %cond3A_638 = arith.cmpi ne, %convert_element_type3A, %cond3A : i32
      scf.if %cond3A_638 {
        %mul3A_639 = arith.constant 16 : i32
        %mul3A_640 = arith.muli %scan3A_624, %mul3A_639 : i32
        %iota3A = tpu.iota {dimensions = array<i32: 0>} : vector<16xi32>
        %add3A_641 = vector.broadcast %mul3A_640 : i32 to vector<16xi32>
        %add3A_642 = arith.addi %add3A_641, %iota3A : vector<16xi32>
        %broadcast_in_dim3A = arith.constant 0.000000e+00 : f32
        %broadcast_in_dim3A_643 = vector.broadcast %broadcast_in_dim3A : f32 to vector<16xf32>
        %scan3A_644 = arith.constant 0 : i32
        %scan3A_645 = arith.constant 0 : i32
        %scan3A_646 = arith.constant 64 : i32
        %scan3A_647 = arith.addi %scan3A_645, %scan3A_646 : i32
        %scan3A_648 = arith.constant 1 : i32
        scf.for %scan3A_650 = %scan3A_645 to %scan3A_647 step %scan3A_648  : i32 {
          %broadcast_in_dim3A_651 = vector.broadcast %scan3A_650 : i32 to vector<16xi32>
          tpu.vector_store_idx %arg11[%add3A_642, %broadcast_in_dim3A_651], %broadcast_in_dim3A_643 masked %eq3A_629 : memref<128x64xf32, #tpu.memory_space<vmem>>[vector<16xi32>, vector<16xi32>], vector<16xf32>, vector<16xi1>
        }
        %scan3A_649 = arith.constant 64 : i32
      } else {
      }
    }
    %scan3A_172 = arith.constant 8 : i32
    %add3A_173 = arith.constant 768 : i32
    %add3A_174 = arith.addi %mul3A_2, %add3A_173 : i32
    %dma_start3A_175 = arith.constant 0 : i32
    %dma_start3A_176 = tpu.memref_slice %arg4[%add3A_174, %dma_start3A_175] : memref<106496x64xf32, #tpu.memory_space<hbm>> -> memref<128x64xf32, #tpu.memory_space<hbm>>
    %dma_start3A_177 = arith.constant 0 : i32
    %dma_start3A_178 = tpu.memref_slice %arg4[%add3A_174, %dma_start3A_177] : memref<106496x64xf32, #tpu.memory_space<hbm>> -> memref<128x64xf32, #tpu.memory_space<hbm>>
    tpu.enqueue_dma source(%arg11 : memref<128x64xf32, #tpu.memory_space<vmem>>) target(%dma_start3A_178 : memref<128x64xf32, #tpu.memory_space<hbm>>) target_semaphore(%arg19 : memref<!tpu.dma_semaphore, #tpu.memory_space<semaphore_mem>>)
    %dma_wait3A_179 = arith.constant 0 : i32
    %dma_wait3A_180 = tpu.memref_slice %arg4[%add3A_174, %dma_wait3A_179] : memref<106496x64xf32, #tpu.memory_space<hbm>> -> memref<128x64xf32, #tpu.memory_space<hbm>>
    %dma_wait3A_181 = arith.constant 0 : i32
    %dma_wait3A_182 = tpu.memref_slice %arg4[%add3A_174, %dma_wait3A_181] : memref<106496x64xf32, #tpu.memory_space<hbm>> -> memref<128x64xf32, #tpu.memory_space<hbm>>
    tpu.wait_dma2 semaphore(%arg19 : memref<!tpu.dma_semaphore, #tpu.memory_space<semaphore_mem>>) src(%arg11 : memref<128x64xf32, #tpu.memory_space<vmem>>) dst(%dma_wait3A_182 : memref<128x64xf32, #tpu.memory_space<hbm>>)
    %add3A_183 = arith.constant 1280 : i32
    %add3A_184 = arith.addi %mul3A_2, %add3A_183 : i32
    "tpu.region"() ({
      %run_scoped3A = tpu.sem_alloc : memref<!tpu.dma_semaphore, #tpu.memory_space<semaphore_mem>>
      %dma_start3A_624 = tpu.memref_slice %arg2[%add3A_184] : memref<106496xi32, #tpu.memory_space<hbm>> -> memref<128xi32, #tpu.memory_space<hbm>>
      %dma_start3A_625 = tpu.memref_slice %arg2[%add3A_184] : memref<106496xi32, #tpu.memory_space<hbm>> -> memref<128xi32, #tpu.memory_space<hbm>>
      tpu.enqueue_dma source(%dma_start3A_625 : memref<128xi32, #tpu.memory_space<hbm>>) target(%arg7 : memref<128xi32, #tpu.memory_space<vmem>>) target_semaphore(%run_scoped3A : memref<!tpu.dma_semaphore, #tpu.memory_space<semaphore_mem>>)
      %dma_wait3A_626 = tpu.memref_slice %arg2[%add3A_184] : memref<106496xi32, #tpu.memory_space<hbm>> -> memref<128xi32, #tpu.memory_space<hbm>>
      %dma_wait3A_627 = tpu.memref_slice %arg2[%add3A_184] : memref<106496xi32, #tpu.memory_space<hbm>> -> memref<128xi32, #tpu.memory_space<hbm>>
      tpu.wait_dma2 semaphore(%run_scoped3A : memref<!tpu.dma_semaphore, #tpu.memory_space<semaphore_mem>>) src(%dma_wait3A_627 : memref<128xi32, #tpu.memory_space<hbm>>) dst(%arg7 : memref<128xi32, #tpu.memory_space<vmem>>)
      tpu.yield
    }) : () -> ()
    %dma_start3A_185 = arith.constant 0 : i32
    %dma_start3A_186 = arith.constant 0 : i32
    %dma_start3A_187 = tpu.memref_slice %arg3[%dma_start3A_185, %dma_start3A_186] : memref<1000000x64xf32, #tpu.memory_space<hbm>> -> memref<1000000x64xf32, #tpu.memory_space<hbm>>
    tpu.enqueue_indirect_dma source(%dma_start3A_187 : memref<1000000x64xf32, #tpu.memory_space<hbm>>) target(%arg11 : memref<128x64xf32, #tpu.memory_space<vmem>>) offsets(%arg7 : memref<128xi32, #tpu.memory_space<vmem>>) semaphore(%arg15 : memref<!tpu.dma_semaphore, #tpu.memory_space<semaphore_mem>>)
    %dma_wait3A_188 = arith.constant 0 : i32
    %dma_wait3A_189 = arith.constant 0 : i32
    %dma_wait3A_190 = tpu.memref_slice %arg3[%dma_wait3A_188, %dma_wait3A_189] : memref<1000000x64xf32, #tpu.memory_space<hbm>> -> memref<1000000x64xf32, #tpu.memory_space<hbm>>
    tpu.wait_indirect_dma semaphore(%arg16 : memref<!tpu.dma_semaphore, #tpu.memory_space<semaphore_mem>>) src(%dma_wait3A_190 : memref<1000000x64xf32, #tpu.memory_space<hbm>>) dst(%arg12 : memref<128x64xf32, #tpu.memory_space<vmem>>)
    %scan3A_191 = arith.constant 0 : i32
    %scan3A_192 = arith.constant 0 : i32
    %scan3A_193 = arith.constant 8 : i32
    %scan3A_194 = arith.addi %scan3A_192, %scan3A_193 : i32
    %scan3A_195 = arith.constant 1 : i32
    scf.for %scan3A_624 = %scan3A_192 to %scan3A_194 step %scan3A_195  : i32 {
      %mul3A_625 = arith.constant 16 : i32
      %mul3A_626 = arith.muli %scan3A_624, %mul3A_625 : i32
      %get3A = arith.index_cast %mul3A_626 : i32 to index
      %get3A_627 = tpu.vector_load %arg8[%get3A] {strides = array<i32>} : memref<128xi32, #tpu.memory_space<vmem>>, vector<16xi32>,
      %eq3A = arith.constant 0 : i32
      %eq3A_628 = vector.broadcast %eq3A : i32 to vector<16xi32>
      %eq3A_629 = arith.cmpi eq, %get3A_627, %eq3A_628 : vector<16xi32>
      %all_reduce_population_count3A = tpu.all_reduce %eq3A_629 {dim = 0 : i64, kind = #tpu.reduction_kind<sum>} : vector<16xi1> -> vector<16xi32>
      %reduce_max3A = arith.constant true
      %reduce_max3A_630 = vector.broadcast %reduce_max3A : i1 to vector<16xi1>
      %reduce_max3A_631 = arith.constant -2147483648 : i32
      %reduce_max3A_632 = vector.broadcast %reduce_max3A_631 : i32 to vector<16xi32>
      %reduce_max3A_633 = arith.xori %all_reduce_population_count3A, %reduce_max3A_632 : vector<16xi32>
      %reduce_max3A_634 = tpu.scan <max>, %reduce_max3A_633 masked %reduce_max3A_630 : vector<16xi32>, vector<16xi1> -> vector<16xi32>
      %reduce_max3A_635 = arith.xori %reduce_max3A_634, %reduce_max3A_632 : vector<16xi32>
      %reduce_max3A_636 = vector.extract %reduce_max3A_635[15] : i32 from vector<16xi32>
      %gt3A = arith.constant 0 : i32
      %gt3A_637 = arith.cmpi sgt, %reduce_max3A_636, %gt3A : i32
      %convert_element_type3A = arith.extui %gt3A_637 : i1 to i32
      %cond3A = arith.constant 0 : i32
      %cond3A_638 = arith.cmpi ne, %convert_element_type3A, %cond3A : i32
      scf.if %cond3A_638 {
        %mul3A_639 = arith.constant 16 : i32
        %mul3A_640 = arith.muli %scan3A_624, %mul3A_639 : i32
        %iota3A = tpu.iota {dimensions = array<i32: 0>} : vector<16xi32>
        %add3A_641 = vector.broadcast %mul3A_640 : i32 to vector<16xi32>
        %add3A_642 = arith.addi %add3A_641, %iota3A : vector<16xi32>
        %broadcast_in_dim3A = arith.constant 0.000000e+00 : f32
        %broadcast_in_dim3A_643 = vector.broadcast %broadcast_in_dim3A : f32 to vector<16xf32>
        %scan3A_644 = arith.constant 0 : i32
        %scan3A_645 = arith.constant 0 : i32
        %scan3A_646 = arith.constant 64 : i32
        %scan3A_647 = arith.addi %scan3A_645, %scan3A_646 : i32
        %scan3A_648 = arith.constant 1 : i32
        scf.for %scan3A_650 = %scan3A_645 to %scan3A_647 step %scan3A_648  : i32 {
          %broadcast_in_dim3A_651 = vector.broadcast %scan3A_650 : i32 to vector<16xi32>
          tpu.vector_store_idx %arg12[%add3A_642, %broadcast_in_dim3A_651], %broadcast_in_dim3A_643 masked %eq3A_629 : memref<128x64xf32, #tpu.memory_space<vmem>>[vector<16xi32>, vector<16xi32>], vector<16xf32>, vector<16xi1>
        }
        %scan3A_649 = arith.constant 64 : i32
      } else {
      }
    }
    %scan3A_196 = arith.constant 8 : i32
    %add3A_197 = arith.constant 896 : i32
    %add3A_198 = arith.addi %mul3A_2, %add3A_197 : i32
    %dma_start3A_199 = arith.constant 0 : i32
    %dma_start3A_200 = tpu.memref_slice %arg4[%add3A_198, %dma_start3A_199] : memref<106496x64xf32, #tpu.memory_space<hbm>> -> memref<128x64xf32, #tpu.memory_space<hbm>>
    %dma_start3A_201 = arith.constant 0 : i32
    %dma_start3A_202 = tpu.memref_slice %arg4[%add3A_198, %dma_start3A_201] : memref<106496x64xf32, #tpu.memory_space<hbm>> -> memref<128x64xf32, #tpu.memory_space<hbm>>
    tpu.enqueue_dma source(%arg12 : memref<128x64xf32, #tpu.memory_space<vmem>>) target(%dma_start3A_202 : memref<128x64xf32, #tpu.memory_space<hbm>>) target_semaphore(%arg20 : memref<!tpu.dma_semaphore, #tpu.memory_space<semaphore_mem>>)
    %dma_wait3A_203 = arith.constant 0 : i32
    %dma_wait3A_204 = tpu.memref_slice %arg4[%add3A_198, %dma_wait3A_203] : memref<106496x64xf32, #tpu.memory_space<hbm>> -> memref<128x64xf32, #tpu.memory_space<hbm>>
    %dma_wait3A_205 = arith.constant 0 : i32
    %dma_wait3A_206 = tpu.memref_slice %arg4[%add3A_198, %dma_wait3A_205] : memref<106496x64xf32, #tpu.memory_space<hbm>> -> memref<128x64xf32, #tpu.memory_space<hbm>>
    tpu.wait_dma2 semaphore(%arg20 : memref<!tpu.dma_semaphore, #tpu.memory_space<semaphore_mem>>) src(%arg12 : memref<128x64xf32, #tpu.memory_space<vmem>>) dst(%dma_wait3A_206 : memref<128x64xf32, #tpu.memory_space<hbm>>)
    %add3A_207 = arith.constant 1408 : i32
    %add3A_208 = arith.addi %mul3A_2, %add3A_207 : i32
    "tpu.region"() ({
      %run_scoped3A = tpu.sem_alloc : memref<!tpu.dma_semaphore, #tpu.memory_space<semaphore_mem>>
      %dma_start3A_624 = tpu.memref_slice %arg2[%add3A_208] : memref<106496xi32, #tpu.memory_space<hbm>> -> memref<128xi32, #tpu.memory_space<hbm>>
      %dma_start3A_625 = tpu.memref_slice %arg2[%add3A_208] : memref<106496xi32, #tpu.memory_space<hbm>> -> memref<128xi32, #tpu.memory_space<hbm>>
      tpu.enqueue_dma source(%dma_start3A_625 : memref<128xi32, #tpu.memory_space<hbm>>) target(%arg8 : memref<128xi32, #tpu.memory_space<vmem>>) target_semaphore(%run_scoped3A : memref<!tpu.dma_semaphore, #tpu.memory_space<semaphore_mem>>)
      %dma_wait3A_626 = tpu.memref_slice %arg2[%add3A_208] : memref<106496xi32, #tpu.memory_space<hbm>> -> memref<128xi32, #tpu.memory_space<hbm>>
      %dma_wait3A_627 = tpu.memref_slice %arg2[%add3A_208] : memref<106496xi32, #tpu.memory_space<hbm>> -> memref<128xi32, #tpu.memory_space<hbm>>
      tpu.wait_dma2 semaphore(%run_scoped3A : memref<!tpu.dma_semaphore, #tpu.memory_space<semaphore_mem>>) src(%dma_wait3A_627 : memref<128xi32, #tpu.memory_space<hbm>>) dst(%arg8 : memref<128xi32, #tpu.memory_space<vmem>>)
      tpu.yield
    }) : () -> ()
    %dma_start3A_209 = arith.constant 0 : i32
    %dma_start3A_210 = arith.constant 0 : i32
    %dma_start3A_211 = tpu.memref_slice %arg3[%dma_start3A_209, %dma_start3A_210] : memref<1000000x64xf32, #tpu.memory_space<hbm>> -> memref<1000000x64xf32, #tpu.memory_space<hbm>>
    tpu.enqueue_indirect_dma source(%dma_start3A_211 : memref<1000000x64xf32, #tpu.memory_space<hbm>>) target(%arg12 : memref<128x64xf32, #tpu.memory_space<vmem>>) offsets(%arg8 : memref<128xi32, #tpu.memory_space<vmem>>) semaphore(%arg16 : memref<!tpu.dma_semaphore, #tpu.memory_space<semaphore_mem>>)
    %dma_wait3A_212 = arith.constant 0 : i32
    %dma_wait3A_213 = arith.constant 0 : i32
    %dma_wait3A_214 = tpu.memref_slice %arg3[%dma_wait3A_212, %dma_wait3A_213] : memref<1000000x64xf32, #tpu.memory_space<hbm>> -> memref<1000000x64xf32, #tpu.memory_space<hbm>>
    tpu.wait_indirect_dma semaphore(%arg13 : memref<!tpu.dma_semaphore, #tpu.memory_space<semaphore_mem>>) src(%dma_wait3A_214 : memref<1000000x64xf32, #tpu.memory_space<hbm>>) dst(%arg9 : memref<128x64xf32, #tpu.memory_space<vmem>>)
    %scan3A_215 = arith.constant 0 : i32
    %scan3A_216 = arith.constant 0 : i32
    %scan3A_217 = arith.constant 8 : i32
    %scan3A_218 = arith.addi %scan3A_216, %scan3A_217 : i32
    %scan3A_219 = arith.constant 1 : i32
    scf.for %scan3A_624 = %scan3A_216 to %scan3A_218 step %scan3A_219  : i32 {
      %mul3A_625 = arith.constant 16 : i32
      %mul3A_626 = arith.muli %scan3A_624, %mul3A_625 : i32
      %get3A = arith.index_cast %mul3A_626 : i32 to index
      %get3A_627 = tpu.vector_load %arg5[%get3A] {strides = array<i32>} : memref<128xi32, #tpu.memory_space<vmem>>, vector<16xi32>,
      %eq3A = arith.constant 0 : i32
      %eq3A_628 = vector.broadcast %eq3A : i32 to vector<16xi32>
      %eq3A_629 = arith.cmpi eq, %get3A_627, %eq3A_628 : vector<16xi32>
      %all_reduce_population_count3A = tpu.all_reduce %eq3A_629 {dim = 0 : i64, kind = #tpu.reduction_kind<sum>} : vector<16xi1> -> vector<16xi32>
      %reduce_max3A = arith.constant true
      %reduce_max3A_630 = vector.broadcast %reduce_max3A : i1 to vector<16xi1>
      %reduce_max3A_631 = arith.constant -2147483648 : i32
      %reduce_max3A_632 = vector.broadcast %reduce_max3A_631 : i32 to vector<16xi32>
      %reduce_max3A_633 = arith.xori %all_reduce_population_count3A, %reduce_max3A_632 : vector<16xi32>
      %reduce_max3A_634 = tpu.scan <max>, %reduce_max3A_633 masked %reduce_max3A_630 : vector<16xi32>, vector<16xi1> -> vector<16xi32>
      %reduce_max3A_635 = arith.xori %reduce_max3A_634, %reduce_max3A_632 : vector<16xi32>
      %reduce_max3A_636 = vector.extract %reduce_max3A_635[15] : i32 from vector<16xi32>
      %gt3A = arith.constant 0 : i32
      %gt3A_637 = arith.cmpi sgt, %reduce_max3A_636, %gt3A : i32
      %convert_element_type3A = arith.extui %gt3A_637 : i1 to i32
      %cond3A = arith.constant 0 : i32
      %cond3A_638 = arith.cmpi ne, %convert_element_type3A, %cond3A : i32
      scf.if %cond3A_638 {
        %mul3A_639 = arith.constant 16 : i32
        %mul3A_640 = arith.muli %scan3A_624, %mul3A_639 : i32
        %iota3A = tpu.iota {dimensions = array<i32: 0>} : vector<16xi32>
        %add3A_641 = vector.broadcast %mul3A_640 : i32 to vector<16xi32>
        %add3A_642 = arith.addi %add3A_641, %iota3A : vector<16xi32>
        %broadcast_in_dim3A = arith.constant 0.000000e+00 : f32
        %broadcast_in_dim3A_643 = vector.broadcast %broadcast_in_dim3A : f32 to vector<16xf32>
        %scan3A_644 = arith.constant 0 : i32
        %scan3A_645 = arith.constant 0 : i32
        %scan3A_646 = arith.constant 64 : i32
        %scan3A_647 = arith.addi %scan3A_645, %scan3A_646 : i32
        %scan3A_648 = arith.constant 1 : i32
        scf.for %scan3A_650 = %scan3A_645 to %scan3A_647 step %scan3A_648  : i32 {
          %broadcast_in_dim3A_651 = vector.broadcast %scan3A_650 : i32 to vector<16xi32>
          tpu.vector_store_idx %arg9[%add3A_642, %broadcast_in_dim3A_651], %broadcast_in_dim3A_643 masked %eq3A_629 : memref<128x64xf32, #tpu.memory_space<vmem>>[vector<16xi32>, vector<16xi32>], vector<16xf32>, vector<16xi1>
        }
        %scan3A_649 = arith.constant 64 : i32
      } else {
      }
    }
    %scan3A_220 = arith.constant 8 : i32
    %add3A_221 = arith.constant 1024 : i32
    %add3A_222 = arith.addi %mul3A_2, %add3A_221 : i32
    %dma_start3A_223 = arith.constant 0 : i32
    %dma_start3A_224 = tpu.memref_slice %arg4[%add3A_222, %dma_start3A_223] : memref<106496x64xf32, #tpu.memory_space<hbm>> -> memref<128x64xf32, #tpu.memory_space<hbm>>
    %dma_start3A_225 = arith.constant 0 : i32
    %dma_start3A_226 = tpu.memref_slice %arg4[%add3A_222, %dma_start3A_225] : memref<106496x64xf32, #tpu.memory_space<hbm>> -> memref<128x64xf32, #tpu.memory_space<hbm>>
    tpu.enqueue_dma source(%arg9 : memref<128x64xf32, #tpu.memory_space<vmem>>) target(%dma_start3A_226 : memref<128x64xf32, #tpu.memory_space<hbm>>) target_semaphore(%arg17 : memref<!tpu.dma_semaphore, #tpu.memory_space<semaphore_mem>>)
    %dma_wait3A_227 = arith.constant 0 : i32
    %dma_wait3A_228 = tpu.memref_slice %arg4[%add3A_222, %dma_wait3A_227] : memref<106496x64xf32, #tpu.memory_space<hbm>> -> memref<128x64xf32, #tpu.memory_space<hbm>>
    %dma_wait3A_229 = arith.constant 0 : i32
    %dma_wait3A_230 = tpu.memref_slice %arg4[%add3A_222, %dma_wait3A_229] : memref<106496x64xf32, #tpu.memory_space<hbm>> -> memref<128x64xf32, #tpu.memory_space<hbm>>
    tpu.wait_dma2 semaphore(%arg17 : memref<!tpu.dma_semaphore, #tpu.memory_space<semaphore_mem>>) src(%arg9 : memref<128x64xf32, #tpu.memory_space<vmem>>) dst(%dma_wait3A_230 : memref<128x64xf32, #tpu.memory_space<hbm>>)
    %add3A_231 = arith.constant 1536 : i32
    %add3A_232 = arith.addi %mul3A_2, %add3A_231 : i32
    "tpu.region"() ({
      %run_scoped3A = tpu.sem_alloc : memref<!tpu.dma_semaphore, #tpu.memory_space<semaphore_mem>>
      %dma_start3A_624 = tpu.memref_slice %arg2[%add3A_232] : memref<106496xi32, #tpu.memory_space<hbm>> -> memref<128xi32, #tpu.memory_space<hbm>>
      %dma_start3A_625 = tpu.memref_slice %arg2[%add3A_232] : memref<106496xi32, #tpu.memory_space<hbm>> -> memref<128xi32, #tpu.memory_space<hbm>>
      tpu.enqueue_dma source(%dma_start3A_625 : memref<128xi32, #tpu.memory_space<hbm>>) target(%arg5 : memref<128xi32, #tpu.memory_space<vmem>>) target_semaphore(%run_scoped3A : memref<!tpu.dma_semaphore, #tpu.memory_space<semaphore_mem>>)
      %dma_wait3A_626 = tpu.memref_slice %arg2[%add3A_232] : memref<106496xi32, #tpu.memory_space<hbm>> -> memref<128xi32, #tpu.memory_space<hbm>>
      %dma_wait3A_627 = tpu.memref_slice %arg2[%add3A_232] : memref<106496xi32, #tpu.memory_space<hbm>> -> memref<128xi32, #tpu.memory_space<hbm>>
      tpu.wait_dma2 semaphore(%run_scoped3A : memref<!tpu.dma_semaphore, #tpu.memory_space<semaphore_mem>>) src(%dma_wait3A_627 : memref<128xi32, #tpu.memory_space<hbm>>) dst(%arg5 : memref<128xi32, #tpu.memory_space<vmem>>)
      tpu.yield
    }) : () -> ()
    %dma_start3A_233 = arith.constant 0 : i32
    %dma_start3A_234 = arith.constant 0 : i32
    %dma_start3A_235 = tpu.memref_slice %arg3[%dma_start3A_233, %dma_start3A_234] : memref<1000000x64xf32, #tpu.memory_space<hbm>> -> memref<1000000x64xf32, #tpu.memory_space<hbm>>
    tpu.enqueue_indirect_dma source(%dma_start3A_235 : memref<1000000x64xf32, #tpu.memory_space<hbm>>) target(%arg9 : memref<128x64xf32, #tpu.memory_space<vmem>>) offsets(%arg5 : memref<128xi32, #tpu.memory_space<vmem>>) semaphore(%arg13 : memref<!tpu.dma_semaphore, #tpu.memory_space<semaphore_mem>>)
    %dma_wait3A_236 = arith.constant 0 : i32
    %dma_wait3A_237 = arith.constant 0 : i32
    %dma_wait3A_238 = tpu.memref_slice %arg3[%dma_wait3A_236, %dma_wait3A_237] : memref<1000000x64xf32, #tpu.memory_space<hbm>> -> memref<1000000x64xf32, #tpu.memory_space<hbm>>
    tpu.wait_indirect_dma semaphore(%arg14 : memref<!tpu.dma_semaphore, #tpu.memory_space<semaphore_mem>>) src(%dma_wait3A_238 : memref<1000000x64xf32, #tpu.memory_space<hbm>>) dst(%arg10 : memref<128x64xf32, #tpu.memory_space<vmem>>)
    %scan3A_239 = arith.constant 0 : i32
    %scan3A_240 = arith.constant 0 : i32
    %scan3A_241 = arith.constant 8 : i32
    %scan3A_242 = arith.addi %scan3A_240, %scan3A_241 : i32
    %scan3A_243 = arith.constant 1 : i32
    scf.for %scan3A_624 = %scan3A_240 to %scan3A_242 step %scan3A_243  : i32 {
      %mul3A_625 = arith.constant 16 : i32
      %mul3A_626 = arith.muli %scan3A_624, %mul3A_625 : i32
      %get3A = arith.index_cast %mul3A_626 : i32 to index
      %get3A_627 = tpu.vector_load %arg6[%get3A] {strides = array<i32>} : memref<128xi32, #tpu.memory_space<vmem>>, vector<16xi32>,
      %eq3A = arith.constant 0 : i32
      %eq3A_628 = vector.broadcast %eq3A : i32 to vector<16xi32>
      %eq3A_629 = arith.cmpi eq, %get3A_627, %eq3A_628 : vector<16xi32>
      %all_reduce_population_count3A = tpu.all_reduce %eq3A_629 {dim = 0 : i64, kind = #tpu.reduction_kind<sum>} : vector<16xi1> -> vector<16xi32>
      %reduce_max3A = arith.constant true
      %reduce_max3A_630 = vector.broadcast %reduce_max3A : i1 to vector<16xi1>
      %reduce_max3A_631 = arith.constant -2147483648 : i32
      %reduce_max3A_632 = vector.broadcast %reduce_max3A_631 : i32 to vector<16xi32>
      %reduce_max3A_633 = arith.xori %all_reduce_population_count3A, %reduce_max3A_632 : vector<16xi32>
      %reduce_max3A_634 = tpu.scan <max>, %reduce_max3A_633 masked %reduce_max3A_630 : vector<16xi32>, vector<16xi1> -> vector<16xi32>
      %reduce_max3A_635 = arith.xori %reduce_max3A_634, %reduce_max3A_632 : vector<16xi32>
      %reduce_max3A_636 = vector.extract %reduce_max3A_635[15] : i32 from vector<16xi32>
      %gt3A = arith.constant 0 : i32
      %gt3A_637 = arith.cmpi sgt, %reduce_max3A_636, %gt3A : i32
      %convert_element_type3A = arith.extui %gt3A_637 : i1 to i32
      %cond3A = arith.constant 0 : i32
      %cond3A_638 = arith.cmpi ne, %convert_element_type3A, %cond3A : i32
      scf.if %cond3A_638 {
        %mul3A_639 = arith.constant 16 : i32
        %mul3A_640 = arith.muli %scan3A_624, %mul3A_639 : i32
        %iota3A = tpu.iota {dimensions = array<i32: 0>} : vector<16xi32>
        %add3A_641 = vector.broadcast %mul3A_640 : i32 to vector<16xi32>
        %add3A_642 = arith.addi %add3A_641, %iota3A : vector<16xi32>
        %broadcast_in_dim3A = arith.constant 0.000000e+00 : f32
        %broadcast_in_dim3A_643 = vector.broadcast %broadcast_in_dim3A : f32 to vector<16xf32>
        %scan3A_644 = arith.constant 0 : i32
        %scan3A_645 = arith.constant 0 : i32
        %scan3A_646 = arith.constant 64 : i32
        %scan3A_647 = arith.addi %scan3A_645, %scan3A_646 : i32
        %scan3A_648 = arith.constant 1 : i32
        scf.for %scan3A_650 = %scan3A_645 to %scan3A_647 step %scan3A_648  : i32 {
          %broadcast_in_dim3A_651 = vector.broadcast %scan3A_650 : i32 to vector<16xi32>
          tpu.vector_store_idx %arg10[%add3A_642, %broadcast_in_dim3A_651], %broadcast_in_dim3A_643 masked %eq3A_629 : memref<128x64xf32, #tpu.memory_space<vmem>>[vector<16xi32>, vector<16xi32>], vector<16xf32>, vector<16xi1>
        }
        %scan3A_649 = arith.constant 64 : i32
      } else {
      }
    }
    %scan3A_244 = arith.constant 8 : i32
    %add3A_245 = arith.constant 1152 : i32
    %add3A_246 = arith.addi %mul3A_2, %add3A_245 : i32
    %dma_start3A_247 = arith.constant 0 : i32
    %dma_start3A_248 = tpu.memref_slice %arg4[%add3A_246, %dma_start3A_247] : memref<106496x64xf32, #tpu.memory_space<hbm>> -> memref<128x64xf32, #tpu.memory_space<hbm>>
    %dma_start3A_249 = arith.constant 0 : i32
    %dma_start3A_250 = tpu.memref_slice %arg4[%add3A_246, %dma_start3A_249] : memref<106496x64xf32, #tpu.memory_space<hbm>> -> memref<128x64xf32, #tpu.memory_space<hbm>>
    tpu.enqueue_dma source(%arg10 : memref<128x64xf32, #tpu.memory_space<vmem>>) target(%dma_start3A_250 : memref<128x64xf32, #tpu.memory_space<hbm>>) target_semaphore(%arg18 : memref<!tpu.dma_semaphore, #tpu.memory_space<semaphore_mem>>)
    %dma_wait3A_251 = arith.constant 0 : i32
    %dma_wait3A_252 = tpu.memref_slice %arg4[%add3A_246, %dma_wait3A_251] : memref<106496x64xf32, #tpu.memory_space<hbm>> -> memref<128x64xf32, #tpu.memory_space<hbm>>
    %dma_wait3A_253 = arith.constant 0 : i32
    %dma_wait3A_254 = tpu.memref_slice %arg4[%add3A_246, %dma_wait3A_253] : memref<106496x64xf32, #tpu.memory_space<hbm>> -> memref<128x64xf32, #tpu.memory_space<hbm>>
    tpu.wait_dma2 semaphore(%arg18 : memref<!tpu.dma_semaphore, #tpu.memory_space<semaphore_mem>>) src(%arg10 : memref<128x64xf32, #tpu.memory_space<vmem>>) dst(%dma_wait3A_254 : memref<128x64xf32, #tpu.memory_space<hbm>>)
    %add3A_255 = arith.constant 1664 : i32
    %add3A_256 = arith.addi %mul3A_2, %add3A_255 : i32
    "tpu.region"() ({
      %run_scoped3A = tpu.sem_alloc : memref<!tpu.dma_semaphore, #tpu.memory_space<semaphore_mem>>
      %dma_start3A_624 = tpu.memref_slice %arg2[%add3A_256] : memref<106496xi32, #tpu.memory_space<hbm>> -> memref<128xi32, #tpu.memory_space<hbm>>
      %dma_start3A_625 = tpu.memref_slice %arg2[%add3A_256] : memref<106496xi32, #tpu.memory_space<hbm>> -> memref<128xi32, #tpu.memory_space<hbm>>
      tpu.enqueue_dma source(%dma_start3A_625 : memref<128xi32, #tpu.memory_space<hbm>>) target(%arg6 : memref<128xi32, #tpu.memory_space<vmem>>) target_semaphore(%run_scoped3A : memref<!tpu.dma_semaphore, #tpu.memory_space<semaphore_mem>>)
      %dma_wait3A_626 = tpu.memref_slice %arg2[%add3A_256] : memref<106496xi32, #tpu.memory_space<hbm>> -> memref<128xi32, #tpu.memory_space<hbm>>
      %dma_wait3A_627 = tpu.memref_slice %arg2[%add3A_256] : memref<106496xi32, #tpu.memory_space<hbm>> -> memref<128xi32, #tpu.memory_space<hbm>>
      tpu.wait_dma2 semaphore(%run_scoped3A : memref<!tpu.dma_semaphore, #tpu.memory_space<semaphore_mem>>) src(%dma_wait3A_627 : memref<128xi32, #tpu.memory_space<hbm>>) dst(%arg6 : memref<128xi32, #tpu.memory_space<vmem>>)
      tpu.yield
    }) : () -> ()
    %dma_start3A_257 = arith.constant 0 : i32
    %dma_start3A_258 = arith.constant 0 : i32
    %dma_start3A_259 = tpu.memref_slice %arg3[%dma_start3A_257, %dma_start3A_258] : memref<1000000x64xf32, #tpu.memory_space<hbm>> -> memref<1000000x64xf32, #tpu.memory_space<hbm>>
    tpu.enqueue_indirect_dma source(%dma_start3A_259 : memref<1000000x64xf32, #tpu.memory_space<hbm>>) target(%arg10 : memref<128x64xf32, #tpu.memory_space<vmem>>) offsets(%arg6 : memref<128xi32, #tpu.memory_space<vmem>>) semaphore(%arg14 : memref<!tpu.dma_semaphore, #tpu.memory_space<semaphore_mem>>)
    %dma_wait3A_260 = arith.constant 0 : i32
    %dma_wait3A_261 = arith.constant 0 : i32
    %dma_wait3A_262 = tpu.memref_slice %arg3[%dma_wait3A_260, %dma_wait3A_261] : memref<1000000x64xf32, #tpu.memory_space<hbm>> -> memref<1000000x64xf32, #tpu.memory_space<hbm>>
    tpu.wait_indirect_dma semaphore(%arg15 : memref<!tpu.dma_semaphore, #tpu.memory_space<semaphore_mem>>) src(%dma_wait3A_262 : memref<1000000x64xf32, #tpu.memory_space<hbm>>) dst(%arg11 : memref<128x64xf32, #tpu.memory_space<vmem>>)
    %scan3A_263 = arith.constant 0 : i32
    %scan3A_264 = arith.constant 0 : i32
    %scan3A_265 = arith.constant 8 : i32
    %scan3A_266 = arith.addi %scan3A_264, %scan3A_265 : i32
    %scan3A_267 = arith.constant 1 : i32
    scf.for %scan3A_624 = %scan3A_264 to %scan3A_266 step %scan3A_267  : i32 {
      %mul3A_625 = arith.constant 16 : i32
      %mul3A_626 = arith.muli %scan3A_624, %mul3A_625 : i32
      %get3A = arith.index_cast %mul3A_626 : i32 to index
      %get3A_627 = tpu.vector_load %arg7[%get3A] {strides = array<i32>} : memref<128xi32, #tpu.memory_space<vmem>>, vector<16xi32>,
      %eq3A = arith.constant 0 : i32
      %eq3A_628 = vector.broadcast %eq3A : i32 to vector<16xi32>
      %eq3A_629 = arith.cmpi eq, %get3A_627, %eq3A_628 : vector<16xi32>
      %all_reduce_population_count3A = tpu.all_reduce %eq3A_629 {dim = 0 : i64, kind = #tpu.reduction_kind<sum>} : vector<16xi1> -> vector<16xi32>
      %reduce_max3A = arith.constant true
      %reduce_max3A_630 = vector.broadcast %reduce_max3A : i1 to vector<16xi1>
      %reduce_max3A_631 = arith.constant -2147483648 : i32
      %reduce_max3A_632 = vector.broadcast %reduce_max3A_631 : i32 to vector<16xi32>
      %reduce_max3A_633 = arith.xori %all_reduce_population_count3A, %reduce_max3A_632 : vector<16xi32>
      %reduce_max3A_634 = tpu.scan <max>, %reduce_max3A_633 masked %reduce_max3A_630 : vector<16xi32>, vector<16xi1> -> vector<16xi32>
      %reduce_max3A_635 = arith.xori %reduce_max3A_634, %reduce_max3A_632 : vector<16xi32>
      %reduce_max3A_636 = vector.extract %reduce_max3A_635[15] : i32 from vector<16xi32>
      %gt3A = arith.constant 0 : i32
      %gt3A_637 = arith.cmpi sgt, %reduce_max3A_636, %gt3A : i32
      %convert_element_type3A = arith.extui %gt3A_637 : i1 to i32
      %cond3A = arith.constant 0 : i32
      %cond3A_638 = arith.cmpi ne, %convert_element_type3A, %cond3A : i32
      scf.if %cond3A_638 {
        %mul3A_639 = arith.constant 16 : i32
        %mul3A_640 = arith.muli %scan3A_624, %mul3A_639 : i32
        %iota3A = tpu.iota {dimensions = array<i32: 0>} : vector<16xi32>
        %add3A_641 = vector.broadcast %mul3A_640 : i32 to vector<16xi32>
        %add3A_642 = arith.addi %add3A_641, %iota3A : vector<16xi32>
        %broadcast_in_dim3A = arith.constant 0.000000e+00 : f32
        %broadcast_in_dim3A_643 = vector.broadcast %broadcast_in_dim3A : f32 to vector<16xf32>
        %scan3A_644 = arith.constant 0 : i32
        %scan3A_645 = arith.constant 0 : i32
        %scan3A_646 = arith.constant 64 : i32
        %scan3A_647 = arith.addi %scan3A_645, %scan3A_646 : i32
        %scan3A_648 = arith.constant 1 : i32
        scf.for %scan3A_650 = %scan3A_645 to %scan3A_647 step %scan3A_648  : i32 {
          %broadcast_in_dim3A_651 = vector.broadcast %scan3A_650 : i32 to vector<16xi32>
          tpu.vector_store_idx %arg11[%add3A_642, %broadcast_in_dim3A_651], %broadcast_in_dim3A_643 masked %eq3A_629 : memref<128x64xf32, #tpu.memory_space<vmem>>[vector<16xi32>, vector<16xi32>], vector<16xf32>, vector<16xi1>
        }
        %scan3A_649 = arith.constant 64 : i32
      } else {
      }
    }
    %scan3A_268 = arith.constant 8 : i32
    %add3A_269 = arith.constant 1280 : i32
    %add3A_270 = arith.addi %mul3A_2, %add3A_269 : i32
    %dma_start3A_271 = arith.constant 0 : i32
    %dma_start3A_272 = tpu.memref_slice %arg4[%add3A_270, %dma_start3A_271] : memref<106496x64xf32, #tpu.memory_space<hbm>> -> memref<128x64xf32, #tpu.memory_space<hbm>>
    %dma_start3A_273 = arith.constant 0 : i32
    %dma_start3A_274 = tpu.memref_slice %arg4[%add3A_270, %dma_start3A_273] : memref<106496x64xf32, #tpu.memory_space<hbm>> -> memref<128x64xf32, #tpu.memory_space<hbm>>
    tpu.enqueue_dma source(%arg11 : memref<128x64xf32, #tpu.memory_space<vmem>>) target(%dma_start3A_274 : memref<128x64xf32, #tpu.memory_space<hbm>>) target_semaphore(%arg19 : memref<!tpu.dma_semaphore, #tpu.memory_space<semaphore_mem>>)
    %dma_wait3A_275 = arith.constant 0 : i32
    %dma_wait3A_276 = tpu.memref_slice %arg4[%add3A_270, %dma_wait3A_275] : memref<106496x64xf32, #tpu.memory_space<hbm>> -> memref<128x64xf32, #tpu.memory_space<hbm>>
    %dma_wait3A_277 = arith.constant 0 : i32
    %dma_wait3A_278 = tpu.memref_slice %arg4[%add3A_270, %dma_wait3A_277] : memref<106496x64xf32, #tpu.memory_space<hbm>> -> memref<128x64xf32, #tpu.memory_space<hbm>>
    tpu.wait_dma2 semaphore(%arg19 : memref<!tpu.dma_semaphore, #tpu.memory_space<semaphore_mem>>) src(%arg11 : memref<128x64xf32, #tpu.memory_space<vmem>>) dst(%dma_wait3A_278 : memref<128x64xf32, #tpu.memory_space<hbm>>)
    %add3A_279 = arith.constant 1792 : i32
    %add3A_280 = arith.addi %mul3A_2, %add3A_279 : i32
    "tpu.region"() ({
      %run_scoped3A = tpu.sem_alloc : memref<!tpu.dma_semaphore, #tpu.memory_space<semaphore_mem>>
      %dma_start3A_624 = tpu.memref_slice %arg2[%add3A_280] : memref<106496xi32, #tpu.memory_space<hbm>> -> memref<128xi32, #tpu.memory_space<hbm>>
      %dma_start3A_625 = tpu.memref_slice %arg2[%add3A_280] : memref<106496xi32, #tpu.memory_space<hbm>> -> memref<128xi32, #tpu.memory_space<hbm>>
      tpu.enqueue_dma source(%dma_start3A_625 : memref<128xi32, #tpu.memory_space<hbm>>) target(%arg7 : memref<128xi32, #tpu.memory_space<vmem>>) target_semaphore(%run_scoped3A : memref<!tpu.dma_semaphore, #tpu.memory_space<semaphore_mem>>)
      %dma_wait3A_626 = tpu.memref_slice %arg2[%add3A_280] : memref<106496xi32, #tpu.memory_space<hbm>> -> memref<128xi32, #tpu.memory_space<hbm>>
      %dma_wait3A_627 = tpu.memref_slice %arg2[%add3A_280] : memref<106496xi32, #tpu.memory_space<hbm>> -> memref<128xi32, #tpu.memory_space<hbm>>
      tpu.wait_dma2 semaphore(%run_scoped3A : memref<!tpu.dma_semaphore, #tpu.memory_space<semaphore_mem>>) src(%dma_wait3A_627 : memref<128xi32, #tpu.memory_space<hbm>>) dst(%arg7 : memref<128xi32, #tpu.memory_space<vmem>>)
      tpu.yield
    }) : () -> ()
    %dma_start3A_281 = arith.constant 0 : i32
    %dma_start3A_282 = arith.constant 0 : i32
    %dma_start3A_283 = tpu.memref_slice %arg3[%dma_start3A_281, %dma_start3A_282] : memref<1000000x64xf32, #tpu.memory_space<hbm>> -> memref<1000000x64xf32, #tpu.memory_space<hbm>>
    tpu.enqueue_indirect_dma source(%dma_start3A_283 : memref<1000000x64xf32, #tpu.memory_space<hbm>>) target(%arg11 : memref<128x64xf32, #tpu.memory_space<vmem>>) offsets(%arg7 : memref<128xi32, #tpu.memory_space<vmem>>) semaphore(%arg15 : memref<!tpu.dma_semaphore, #tpu.memory_space<semaphore_mem>>)
    %dma_wait3A_284 = arith.constant 0 : i32
    %dma_wait3A_285 = arith.constant 0 : i32
    %dma_wait3A_286 = tpu.memref_slice %arg3[%dma_wait3A_284, %dma_wait3A_285] : memref<1000000x64xf32, #tpu.memory_space<hbm>> -> memref<1000000x64xf32, #tpu.memory_space<hbm>>
    tpu.wait_indirect_dma semaphore(%arg16 : memref<!tpu.dma_semaphore, #tpu.memory_space<semaphore_mem>>) src(%dma_wait3A_286 : memref<1000000x64xf32, #tpu.memory_space<hbm>>) dst(%arg12 : memref<128x64xf32, #tpu.memory_space<vmem>>)
    %scan3A_287 = arith.constant 0 : i32
    %scan3A_288 = arith.constant 0 : i32
    %scan3A_289 = arith.constant 8 : i32
    %scan3A_290 = arith.addi %scan3A_288, %scan3A_289 : i32
    %scan3A_291 = arith.constant 1 : i32
    scf.for %scan3A_624 = %scan3A_288 to %scan3A_290 step %scan3A_291  : i32 {
      %mul3A_625 = arith.constant 16 : i32
      %mul3A_626 = arith.muli %scan3A_624, %mul3A_625 : i32
      %get3A = arith.index_cast %mul3A_626 : i32 to index
      %get3A_627 = tpu.vector_load %arg8[%get3A] {strides = array<i32>} : memref<128xi32, #tpu.memory_space<vmem>>, vector<16xi32>,
      %eq3A = arith.constant 0 : i32
      %eq3A_628 = vector.broadcast %eq3A : i32 to vector<16xi32>
      %eq3A_629 = arith.cmpi eq, %get3A_627, %eq3A_628 : vector<16xi32>
      %all_reduce_population_count3A = tpu.all_reduce %eq3A_629 {dim = 0 : i64, kind = #tpu.reduction_kind<sum>} : vector<16xi1> -> vector<16xi32>
      %reduce_max3A = arith.constant true
      %reduce_max3A_630 = vector.broadcast %reduce_max3A : i1 to vector<16xi1>
      %reduce_max3A_631 = arith.constant -2147483648 : i32
      %reduce_max3A_632 = vector.broadcast %reduce_max3A_631 : i32 to vector<16xi32>
      %reduce_max3A_633 = arith.xori %all_reduce_population_count3A, %reduce_max3A_632 : vector<16xi32>
      %reduce_max3A_634 = tpu.scan <max>, %reduce_max3A_633 masked %reduce_max3A_630 : vector<16xi32>, vector<16xi1> -> vector<16xi32>
      %reduce_max3A_635 = arith.xori %reduce_max3A_634, %reduce_max3A_632 : vector<16xi32>
      %reduce_max3A_636 = vector.extract %reduce_max3A_635[15] : i32 from vector<16xi32>
      %gt3A = arith.constant 0 : i32
      %gt3A_637 = arith.cmpi sgt, %reduce_max3A_636, %gt3A : i32
      %convert_element_type3A = arith.extui %gt3A_637 : i1 to i32
      %cond3A = arith.constant 0 : i32
      %cond3A_638 = arith.cmpi ne, %convert_element_type3A, %cond3A : i32
      scf.if %cond3A_638 {
        %mul3A_639 = arith.constant 16 : i32
        %mul3A_640 = arith.muli %scan3A_624, %mul3A_639 : i32
        %iota3A = tpu.iota {dimensions = array<i32: 0>} : vector<16xi32>
        %add3A_641 = vector.broadcast %mul3A_640 : i32 to vector<16xi32>
        %add3A_642 = arith.addi %add3A_641, %iota3A : vector<16xi32>
        %broadcast_in_dim3A = arith.constant 0.000000e+00 : f32
        %broadcast_in_dim3A_643 = vector.broadcast %broadcast_in_dim3A : f32 to vector<16xf32>
        %scan3A_644 = arith.constant 0 : i32
        %scan3A_645 = arith.constant 0 : i32
        %scan3A_646 = arith.constant 64 : i32
        %scan3A_647 = arith.addi %scan3A_645, %scan3A_646 : i32
        %scan3A_648 = arith.constant 1 : i32
        scf.for %scan3A_650 = %scan3A_645 to %scan3A_647 step %scan3A_648  : i32 {
          %broadcast_in_dim3A_651 = vector.broadcast %scan3A_650 : i32 to vector<16xi32>
          tpu.vector_store_idx %arg12[%add3A_642, %broadcast_in_dim3A_651], %broadcast_in_dim3A_643 masked %eq3A_629 : memref<128x64xf32, #tpu.memory_space<vmem>>[vector<16xi32>, vector<16xi32>], vector<16xf32>, vector<16xi1>
        }
        %scan3A_649 = arith.constant 64 : i32
      } else {
      }
    }
    %scan3A_292 = arith.constant 8 : i32
    %add3A_293 = arith.constant 1408 : i32
    %add3A_294 = arith.addi %mul3A_2, %add3A_293 : i32
    %dma_start3A_295 = arith.constant 0 : i32
    %dma_start3A_296 = tpu.memref_slice %arg4[%add3A_294, %dma_start3A_295] : memref<106496x64xf32, #tpu.memory_space<hbm>> -> memref<128x64xf32, #tpu.memory_space<hbm>>
    %dma_start3A_297 = arith.constant 0 : i32
    %dma_start3A_298 = tpu.memref_slice %arg4[%add3A_294, %dma_start3A_297] : memref<106496x64xf32, #tpu.memory_space<hbm>> -> memref<128x64xf32, #tpu.memory_space<hbm>>
    tpu.enqueue_dma source(%arg12 : memref<128x64xf32, #tpu.memory_space<vmem>>) target(%dma_start3A_298 : memref<128x64xf32, #tpu.memory_space<hbm>>) target_semaphore(%arg20 : memref<!tpu.dma_semaphore, #tpu.memory_space<semaphore_mem>>)
    %dma_wait3A_299 = arith.constant 0 : i32
    %dma_wait3A_300 = tpu.memref_slice %arg4[%add3A_294, %dma_wait3A_299] : memref<106496x64xf32, #tpu.memory_space<hbm>> -> memref<128x64xf32, #tpu.memory_space<hbm>>
    %dma_wait3A_301 = arith.constant 0 : i32
    %dma_wait3A_302 = tpu.memref_slice %arg4[%add3A_294, %dma_wait3A_301] : memref<106496x64xf32, #tpu.memory_space<hbm>> -> memref<128x64xf32, #tpu.memory_space<hbm>>
    tpu.wait_dma2 semaphore(%arg20 : memref<!tpu.dma_semaphore, #tpu.memory_space<semaphore_mem>>) src(%arg12 : memref<128x64xf32, #tpu.memory_space<vmem>>) dst(%dma_wait3A_302 : memref<128x64xf32, #tpu.memory_space<hbm>>)
    %add3A_303 = arith.constant 1920 : i32
    %add3A_304 = arith.addi %mul3A_2, %add3A_303 : i32
    "tpu.region"() ({
      %run_scoped3A = tpu.sem_alloc : memref<!tpu.dma_semaphore, #tpu.memory_space<semaphore_mem>>
      %dma_start3A_624 = tpu.memref_slice %arg2[%add3A_304] : memref<106496xi32, #tpu.memory_space<hbm>> -> memref<128xi32, #tpu.memory_space<hbm>>
      %dma_start3A_625 = tpu.memref_slice %arg2[%add3A_304] : memref<106496xi32, #tpu.memory_space<hbm>> -> memref<128xi32, #tpu.memory_space<hbm>>
      tpu.enqueue_dma source(%dma_start3A_625 : memref<128xi32, #tpu.memory_space<hbm>>) target(%arg8 : memref<128xi32, #tpu.memory_space<vmem>>) target_semaphore(%run_scoped3A : memref<!tpu.dma_semaphore, #tpu.memory_space<semaphore_mem>>)
      %dma_wait3A_626 = tpu.memref_slice %arg2[%add3A_304] : memref<106496xi32, #tpu.memory_space<hbm>> -> memref<128xi32, #tpu.memory_space<hbm>>
      %dma_wait3A_627 = tpu.memref_slice %arg2[%add3A_304] : memref<106496xi32, #tpu.memory_space<hbm>> -> memref<128xi32, #tpu.memory_space<hbm>>
      tpu.wait_dma2 semaphore(%run_scoped3A : memref<!tpu.dma_semaphore, #tpu.memory_space<semaphore_mem>>) src(%dma_wait3A_627 : memref<128xi32, #tpu.memory_space<hbm>>) dst(%arg8 : memref<128xi32, #tpu.memory_space<vmem>>)
      tpu.yield
    }) : () -> ()
    %dma_start3A_305 = arith.constant 0 : i32
    %dma_start3A_306 = arith.constant 0 : i32
    %dma_start3A_307 = tpu.memref_slice %arg3[%dma_start3A_305, %dma_start3A_306] : memref<1000000x64xf32, #tpu.memory_space<hbm>> -> memref<1000000x64xf32, #tpu.memory_space<hbm>>
    tpu.enqueue_indirect_dma source(%dma_start3A_307 : memref<1000000x64xf32, #tpu.memory_space<hbm>>) target(%arg12 : memref<128x64xf32, #tpu.memory_space<vmem>>) offsets(%arg8 : memref<128xi32, #tpu.memory_space<vmem>>) semaphore(%arg16 : memref<!tpu.dma_semaphore, #tpu.memory_space<semaphore_mem>>)
    %dma_wait3A_308 = arith.constant 0 : i32
    %dma_wait3A_309 = arith.constant 0 : i32
    %dma_wait3A_310 = tpu.memref_slice %arg3[%dma_wait3A_308, %dma_wait3A_309] : memref<1000000x64xf32, #tpu.memory_space<hbm>> -> memref<1000000x64xf32, #tpu.memory_space<hbm>>
    tpu.wait_indirect_dma semaphore(%arg13 : memref<!tpu.dma_semaphore, #tpu.memory_space<semaphore_mem>>) src(%dma_wait3A_310 : memref<1000000x64xf32, #tpu.memory_space<hbm>>) dst(%arg9 : memref<128x64xf32, #tpu.memory_space<vmem>>)
    %scan3A_311 = arith.constant 0 : i32
    %scan3A_312 = arith.constant 0 : i32
    %scan3A_313 = arith.constant 8 : i32
    %scan3A_314 = arith.addi %scan3A_312, %scan3A_313 : i32
    %scan3A_315 = arith.constant 1 : i32
    scf.for %scan3A_624 = %scan3A_312 to %scan3A_314 step %scan3A_315  : i32 {
      %mul3A_625 = arith.constant 16 : i32
      %mul3A_626 = arith.muli %scan3A_624, %mul3A_625 : i32
      %get3A = arith.index_cast %mul3A_626 : i32 to index
      %get3A_627 = tpu.vector_load %arg5[%get3A] {strides = array<i32>} : memref<128xi32, #tpu.memory_space<vmem>>, vector<16xi32>,
      %eq3A = arith.constant 0 : i32
      %eq3A_628 = vector.broadcast %eq3A : i32 to vector<16xi32>
      %eq3A_629 = arith.cmpi eq, %get3A_627, %eq3A_628 : vector<16xi32>
      %all_reduce_population_count3A = tpu.all_reduce %eq3A_629 {dim = 0 : i64, kind = #tpu.reduction_kind<sum>} : vector<16xi1> -> vector<16xi32>
      %reduce_max3A = arith.constant true
      %reduce_max3A_630 = vector.broadcast %reduce_max3A : i1 to vector<16xi1>
      %reduce_max3A_631 = arith.constant -2147483648 : i32
      %reduce_max3A_632 = vector.broadcast %reduce_max3A_631 : i32 to vector<16xi32>
      %reduce_max3A_633 = arith.xori %all_reduce_population_count3A, %reduce_max3A_632 : vector<16xi32>
      %reduce_max3A_634 = tpu.scan <max>, %reduce_max3A_633 masked %reduce_max3A_630 : vector<16xi32>, vector<16xi1> -> vector<16xi32>
      %reduce_max3A_635 = arith.xori %reduce_max3A_634, %reduce_max3A_632 : vector<16xi32>
      %reduce_max3A_636 = vector.extract %reduce_max3A_635[15] : i32 from vector<16xi32>
      %gt3A = arith.constant 0 : i32
      %gt3A_637 = arith.cmpi sgt, %reduce_max3A_636, %gt3A : i32
      %convert_element_type3A = arith.extui %gt3A_637 : i1 to i32
      %cond3A = arith.constant 0 : i32
      %cond3A_638 = arith.cmpi ne, %convert_element_type3A, %cond3A : i32
      scf.if %cond3A_638 {
        %mul3A_639 = arith.constant 16 : i32
        %mul3A_640 = arith.muli %scan3A_624, %mul3A_639 : i32
        %iota3A = tpu.iota {dimensions = array<i32: 0>} : vector<16xi32>
        %add3A_641 = vector.broadcast %mul3A_640 : i32 to vector<16xi32>
        %add3A_642 = arith.addi %add3A_641, %iota3A : vector<16xi32>
        %broadcast_in_dim3A = arith.constant 0.000000e+00 : f32
        %broadcast_in_dim3A_643 = vector.broadcast %broadcast_in_dim3A : f32 to vector<16xf32>
        %scan3A_644 = arith.constant 0 : i32
        %scan3A_645 = arith.constant 0 : i32
        %scan3A_646 = arith.constant 64 : i32
        %scan3A_647 = arith.addi %scan3A_645, %scan3A_646 : i32
        %scan3A_648 = arith.constant 1 : i32
        scf.for %scan3A_650 = %scan3A_645 to %scan3A_647 step %scan3A_648  : i32 {
          %broadcast_in_dim3A_651 = vector.broadcast %scan3A_650 : i32 to vector<16xi32>
          tpu.vector_store_idx %arg9[%add3A_642, %broadcast_in_dim3A_651], %broadcast_in_dim3A_643 masked %eq3A_629 : memref<128x64xf32, #tpu.memory_space<vmem>>[vector<16xi32>, vector<16xi32>], vector<16xf32>, vector<16xi1>
        }
        %scan3A_649 = arith.constant 64 : i32
      } else {
      }
    }
    %scan3A_316 = arith.constant 8 : i32
    %add3A_317 = arith.constant 1536 : i32
    %add3A_318 = arith.addi %mul3A_2, %add3A_317 : i32
    %dma_start3A_319 = arith.constant 0 : i32
    %dma_start3A_320 = tpu.memref_slice %arg4[%add3A_318, %dma_start3A_319] : memref<106496x64xf32, #tpu.memory_space<hbm>> -> memref<128x64xf32, #tpu.memory_space<hbm>>
    %dma_start3A_321 = arith.constant 0 : i32
    %dma_start3A_322 = tpu.memref_slice %arg4[%add3A_318, %dma_start3A_321] : memref<106496x64xf32, #tpu.memory_space<hbm>> -> memref<128x64xf32, #tpu.memory_space<hbm>>
    tpu.enqueue_dma source(%arg9 : memref<128x64xf32, #tpu.memory_space<vmem>>) target(%dma_start3A_322 : memref<128x64xf32, #tpu.memory_space<hbm>>) target_semaphore(%arg17 : memref<!tpu.dma_semaphore, #tpu.memory_space<semaphore_mem>>)
    %dma_wait3A_323 = arith.constant 0 : i32
    %dma_wait3A_324 = tpu.memref_slice %arg4[%add3A_318, %dma_wait3A_323] : memref<106496x64xf32, #tpu.memory_space<hbm>> -> memref<128x64xf32, #tpu.memory_space<hbm>>
    %dma_wait3A_325 = arith.constant 0 : i32
    %dma_wait3A_326 = tpu.memref_slice %arg4[%add3A_318, %dma_wait3A_325] : memref<106496x64xf32, #tpu.memory_space<hbm>> -> memref<128x64xf32, #tpu.memory_space<hbm>>
    tpu.wait_dma2 semaphore(%arg17 : memref<!tpu.dma_semaphore, #tpu.memory_space<semaphore_mem>>) src(%arg9 : memref<128x64xf32, #tpu.memory_space<vmem>>) dst(%dma_wait3A_326 : memref<128x64xf32, #tpu.memory_space<hbm>>)
    %add3A_327 = arith.constant 2048 : i32
    %add3A_328 = arith.addi %mul3A_2, %add3A_327 : i32
    "tpu.region"() ({
      %run_scoped3A = tpu.sem_alloc : memref<!tpu.dma_semaphore, #tpu.memory_space<semaphore_mem>>
      %dma_start3A_624 = tpu.memref_slice %arg2[%add3A_328] : memref<106496xi32, #tpu.memory_space<hbm>> -> memref<128xi32, #tpu.memory_space<hbm>>
      %dma_start3A_625 = tpu.memref_slice %arg2[%add3A_328] : memref<106496xi32, #tpu.memory_space<hbm>> -> memref<128xi32, #tpu.memory_space<hbm>>
      tpu.enqueue_dma source(%dma_start3A_625 : memref<128xi32, #tpu.memory_space<hbm>>) target(%arg5 : memref<128xi32, #tpu.memory_space<vmem>>) target_semaphore(%run_scoped3A : memref<!tpu.dma_semaphore, #tpu.memory_space<semaphore_mem>>)
      %dma_wait3A_626 = tpu.memref_slice %arg2[%add3A_328] : memref<106496xi32, #tpu.memory_space<hbm>> -> memref<128xi32, #tpu.memory_space<hbm>>
      %dma_wait3A_627 = tpu.memref_slice %arg2[%add3A_328] : memref<106496xi32, #tpu.memory_space<hbm>> -> memref<128xi32, #tpu.memory_space<hbm>>
      tpu.wait_dma2 semaphore(%run_scoped3A : memref<!tpu.dma_semaphore, #tpu.memory_space<semaphore_mem>>) src(%dma_wait3A_627 : memref<128xi32, #tpu.memory_space<hbm>>) dst(%arg5 : memref<128xi32, #tpu.memory_space<vmem>>)
      tpu.yield
    }) : () -> ()
    %dma_start3A_329 = arith.constant 0 : i32
    %dma_start3A_330 = arith.constant 0 : i32
    %dma_start3A_331 = tpu.memref_slice %arg3[%dma_start3A_329, %dma_start3A_330] : memref<1000000x64xf32, #tpu.memory_space<hbm>> -> memref<1000000x64xf32, #tpu.memory_space<hbm>>
    tpu.enqueue_indirect_dma source(%dma_start3A_331 : memref<1000000x64xf32, #tpu.memory_space<hbm>>) target(%arg9 : memref<128x64xf32, #tpu.memory_space<vmem>>) offsets(%arg5 : memref<128xi32, #tpu.memory_space<vmem>>) semaphore(%arg13 : memref<!tpu.dma_semaphore, #tpu.memory_space<semaphore_mem>>)
    %dma_wait3A_332 = arith.constant 0 : i32
    %dma_wait3A_333 = arith.constant 0 : i32
    %dma_wait3A_334 = tpu.memref_slice %arg3[%dma_wait3A_332, %dma_wait3A_333] : memref<1000000x64xf32, #tpu.memory_space<hbm>> -> memref<1000000x64xf32, #tpu.memory_space<hbm>>
    tpu.wait_indirect_dma semaphore(%arg14 : memref<!tpu.dma_semaphore, #tpu.memory_space<semaphore_mem>>) src(%dma_wait3A_334 : memref<1000000x64xf32, #tpu.memory_space<hbm>>) dst(%arg10 : memref<128x64xf32, #tpu.memory_space<vmem>>)
    %scan3A_335 = arith.constant 0 : i32
    %scan3A_336 = arith.constant 0 : i32
    %scan3A_337 = arith.constant 8 : i32
    %scan3A_338 = arith.addi %scan3A_336, %scan3A_337 : i32
    %scan3A_339 = arith.constant 1 : i32
    scf.for %scan3A_624 = %scan3A_336 to %scan3A_338 step %scan3A_339  : i32 {
      %mul3A_625 = arith.constant 16 : i32
      %mul3A_626 = arith.muli %scan3A_624, %mul3A_625 : i32
      %get3A = arith.index_cast %mul3A_626 : i32 to index
      %get3A_627 = tpu.vector_load %arg6[%get3A] {strides = array<i32>} : memref<128xi32, #tpu.memory_space<vmem>>, vector<16xi32>,
      %eq3A = arith.constant 0 : i32
      %eq3A_628 = vector.broadcast %eq3A : i32 to vector<16xi32>
      %eq3A_629 = arith.cmpi eq, %get3A_627, %eq3A_628 : vector<16xi32>
      %all_reduce_population_count3A = tpu.all_reduce %eq3A_629 {dim = 0 : i64, kind = #tpu.reduction_kind<sum>} : vector<16xi1> -> vector<16xi32>
      %reduce_max3A = arith.constant true
      %reduce_max3A_630 = vector.broadcast %reduce_max3A : i1 to vector<16xi1>
      %reduce_max3A_631 = arith.constant -2147483648 : i32
      %reduce_max3A_632 = vector.broadcast %reduce_max3A_631 : i32 to vector<16xi32>
      %reduce_max3A_633 = arith.xori %all_reduce_population_count3A, %reduce_max3A_632 : vector<16xi32>
      %reduce_max3A_634 = tpu.scan <max>, %reduce_max3A_633 masked %reduce_max3A_630 : vector<16xi32>, vector<16xi1> -> vector<16xi32>
      %reduce_max3A_635 = arith.xori %reduce_max3A_634, %reduce_max3A_632 : vector<16xi32>
      %reduce_max3A_636 = vector.extract %reduce_max3A_635[15] : i32 from vector<16xi32>
      %gt3A = arith.constant 0 : i32
      %gt3A_637 = arith.cmpi sgt, %reduce_max3A_636, %gt3A : i32
      %convert_element_type3A = arith.extui %gt3A_637 : i1 to i32
      %cond3A = arith.constant 0 : i32
      %cond3A_638 = arith.cmpi ne, %convert_element_type3A, %cond3A : i32
      scf.if %cond3A_638 {
        %mul3A_639 = arith.constant 16 : i32
        %mul3A_640 = arith.muli %scan3A_624, %mul3A_639 : i32
        %iota3A = tpu.iota {dimensions = array<i32: 0>} : vector<16xi32>
        %add3A_641 = vector.broadcast %mul3A_640 : i32 to vector<16xi32>
        %add3A_642 = arith.addi %add3A_641, %iota3A : vector<16xi32>
        %broadcast_in_dim3A = arith.constant 0.000000e+00 : f32
        %broadcast_in_dim3A_643 = vector.broadcast %broadcast_in_dim3A : f32 to vector<16xf32>
        %scan3A_644 = arith.constant 0 : i32
        %scan3A_645 = arith.constant 0 : i32
        %scan3A_646 = arith.constant 64 : i32
        %scan3A_647 = arith.addi %scan3A_645, %scan3A_646 : i32
        %scan3A_648 = arith.constant 1 : i32
        scf.for %scan3A_650 = %scan3A_645 to %scan3A_647 step %scan3A_648  : i32 {
          %broadcast_in_dim3A_651 = vector.broadcast %scan3A_650 : i32 to vector<16xi32>
          tpu.vector_store_idx %arg10[%add3A_642, %broadcast_in_dim3A_651], %broadcast_in_dim3A_643 masked %eq3A_629 : memref<128x64xf32, #tpu.memory_space<vmem>>[vector<16xi32>, vector<16xi32>], vector<16xf32>, vector<16xi1>
        }
        %scan3A_649 = arith.constant 64 : i32
      } else {
      }
    }
    %scan3A_340 = arith.constant 8 : i32
    %add3A_341 = arith.constant 1664 : i32
    %add3A_342 = arith.addi %mul3A_2, %add3A_341 : i32
    %dma_start3A_343 = arith.constant 0 : i32
    %dma_start3A_344 = tpu.memref_slice %arg4[%add3A_342, %dma_start3A_343] : memref<106496x64xf32, #tpu.memory_space<hbm>> -> memref<128x64xf32, #tpu.memory_space<hbm>>
    %dma_start3A_345 = arith.constant 0 : i32
    %dma_start3A_346 = tpu.memref_slice %arg4[%add3A_342, %dma_start3A_345] : memref<106496x64xf32, #tpu.memory_space<hbm>> -> memref<128x64xf32, #tpu.memory_space<hbm>>
    tpu.enqueue_dma source(%arg10 : memref<128x64xf32, #tpu.memory_space<vmem>>) target(%dma_start3A_346 : memref<128x64xf32, #tpu.memory_space<hbm>>) target_semaphore(%arg18 : memref<!tpu.dma_semaphore, #tpu.memory_space<semaphore_mem>>)
    %dma_wait3A_347 = arith.constant 0 : i32
    %dma_wait3A_348 = tpu.memref_slice %arg4[%add3A_342, %dma_wait3A_347] : memref<106496x64xf32, #tpu.memory_space<hbm>> -> memref<128x64xf32, #tpu.memory_space<hbm>>
    %dma_wait3A_349 = arith.constant 0 : i32
    %dma_wait3A_350 = tpu.memref_slice %arg4[%add3A_342, %dma_wait3A_349] : memref<106496x64xf32, #tpu.memory_space<hbm>> -> memref<128x64xf32, #tpu.memory_space<hbm>>
    tpu.wait_dma2 semaphore(%arg18 : memref<!tpu.dma_semaphore, #tpu.memory_space<semaphore_mem>>) src(%arg10 : memref<128x64xf32, #tpu.memory_space<vmem>>) dst(%dma_wait3A_350 : memref<128x64xf32, #tpu.memory_space<hbm>>)
    %add3A_351 = arith.constant 2176 : i32
    %add3A_352 = arith.addi %mul3A_2, %add3A_351 : i32
    "tpu.region"() ({
      %run_scoped3A = tpu.sem_alloc : memref<!tpu.dma_semaphore, #tpu.memory_space<semaphore_mem>>
      %dma_start3A_624 = tpu.memref_slice %arg2[%add3A_352] : memref<106496xi32, #tpu.memory_space<hbm>> -> memref<128xi32, #tpu.memory_space<hbm>>
      %dma_start3A_625 = tpu.memref_slice %arg2[%add3A_352] : memref<106496xi32, #tpu.memory_space<hbm>> -> memref<128xi32, #tpu.memory_space<hbm>>
      tpu.enqueue_dma source(%dma_start3A_625 : memref<128xi32, #tpu.memory_space<hbm>>) target(%arg6 : memref<128xi32, #tpu.memory_space<vmem>>) target_semaphore(%run_scoped3A : memref<!tpu.dma_semaphore, #tpu.memory_space<semaphore_mem>>)
      %dma_wait3A_626 = tpu.memref_slice %arg2[%add3A_352] : memref<106496xi32, #tpu.memory_space<hbm>> -> memref<128xi32, #tpu.memory_space<hbm>>
      %dma_wait3A_627 = tpu.memref_slice %arg2[%add3A_352] : memref<106496xi32, #tpu.memory_space<hbm>> -> memref<128xi32, #tpu.memory_space<hbm>>
      tpu.wait_dma2 semaphore(%run_scoped3A : memref<!tpu.dma_semaphore, #tpu.memory_space<semaphore_mem>>) src(%dma_wait3A_627 : memref<128xi32, #tpu.memory_space<hbm>>) dst(%arg6 : memref<128xi32, #tpu.memory_space<vmem>>)
      tpu.yield
    }) : () -> ()
    %dma_start3A_353 = arith.constant 0 : i32
    %dma_start3A_354 = arith.constant 0 : i32
    %dma_start3A_355 = tpu.memref_slice %arg3[%dma_start3A_353, %dma_start3A_354] : memref<1000000x64xf32, #tpu.memory_space<hbm>> -> memref<1000000x64xf32, #tpu.memory_space<hbm>>
    tpu.enqueue_indirect_dma source(%dma_start3A_355 : memref<1000000x64xf32, #tpu.memory_space<hbm>>) target(%arg10 : memref<128x64xf32, #tpu.memory_space<vmem>>) offsets(%arg6 : memref<128xi32, #tpu.memory_space<vmem>>) semaphore(%arg14 : memref<!tpu.dma_semaphore, #tpu.memory_space<semaphore_mem>>)
    %dma_wait3A_356 = arith.constant 0 : i32
    %dma_wait3A_357 = arith.constant 0 : i32
    %dma_wait3A_358 = tpu.memref_slice %arg3[%dma_wait3A_356, %dma_wait3A_357] : memref<1000000x64xf32, #tpu.memory_space<hbm>> -> memref<1000000x64xf32, #tpu.memory_space<hbm>>
    tpu.wait_indirect_dma semaphore(%arg15 : memref<!tpu.dma_semaphore, #tpu.memory_space<semaphore_mem>>) src(%dma_wait3A_358 : memref<1000000x64xf32, #tpu.memory_space<hbm>>) dst(%arg11 : memref<128x64xf32, #tpu.memory_space<vmem>>)
    %scan3A_359 = arith.constant 0 : i32
    %scan3A_360 = arith.constant 0 : i32
    %scan3A_361 = arith.constant 8 : i32
    %scan3A_362 = arith.addi %scan3A_360, %scan3A_361 : i32
    %scan3A_363 = arith.constant 1 : i32
    scf.for %scan3A_624 = %scan3A_360 to %scan3A_362 step %scan3A_363  : i32 {
      %mul3A_625 = arith.constant 16 : i32
      %mul3A_626 = arith.muli %scan3A_624, %mul3A_625 : i32
      %get3A = arith.index_cast %mul3A_626 : i32 to index
      %get3A_627 = tpu.vector_load %arg7[%get3A] {strides = array<i32>} : memref<128xi32, #tpu.memory_space<vmem>>, vector<16xi32>,
      %eq3A = arith.constant 0 : i32
      %eq3A_628 = vector.broadcast %eq3A : i32 to vector<16xi32>
      %eq3A_629 = arith.cmpi eq, %get3A_627, %eq3A_628 : vector<16xi32>
      %all_reduce_population_count3A = tpu.all_reduce %eq3A_629 {dim = 0 : i64, kind = #tpu.reduction_kind<sum>} : vector<16xi1> -> vector<16xi32>
      %reduce_max3A = arith.constant true
      %reduce_max3A_630 = vector.broadcast %reduce_max3A : i1 to vector<16xi1>
      %reduce_max3A_631 = arith.constant -2147483648 : i32
      %reduce_max3A_632 = vector.broadcast %reduce_max3A_631 : i32 to vector<16xi32>
      %reduce_max3A_633 = arith.xori %all_reduce_population_count3A, %reduce_max3A_632 : vector<16xi32>
      %reduce_max3A_634 = tpu.scan <max>, %reduce_max3A_633 masked %reduce_max3A_630 : vector<16xi32>, vector<16xi1> -> vector<16xi32>
      %reduce_max3A_635 = arith.xori %reduce_max3A_634, %reduce_max3A_632 : vector<16xi32>
      %reduce_max3A_636 = vector.extract %reduce_max3A_635[15] : i32 from vector<16xi32>
      %gt3A = arith.constant 0 : i32
      %gt3A_637 = arith.cmpi sgt, %reduce_max3A_636, %gt3A : i32
      %convert_element_type3A = arith.extui %gt3A_637 : i1 to i32
      %cond3A = arith.constant 0 : i32
      %cond3A_638 = arith.cmpi ne, %convert_element_type3A, %cond3A : i32
      scf.if %cond3A_638 {
        %mul3A_639 = arith.constant 16 : i32
        %mul3A_640 = arith.muli %scan3A_624, %mul3A_639 : i32
        %iota3A = tpu.iota {dimensions = array<i32: 0>} : vector<16xi32>
        %add3A_641 = vector.broadcast %mul3A_640 : i32 to vector<16xi32>
        %add3A_642 = arith.addi %add3A_641, %iota3A : vector<16xi32>
        %broadcast_in_dim3A = arith.constant 0.000000e+00 : f32
        %broadcast_in_dim3A_643 = vector.broadcast %broadcast_in_dim3A : f32 to vector<16xf32>
        %scan3A_644 = arith.constant 0 : i32
        %scan3A_645 = arith.constant 0 : i32
        %scan3A_646 = arith.constant 64 : i32
        %scan3A_647 = arith.addi %scan3A_645, %scan3A_646 : i32
        %scan3A_648 = arith.constant 1 : i32
        scf.for %scan3A_650 = %scan3A_645 to %scan3A_647 step %scan3A_648  : i32 {
          %broadcast_in_dim3A_651 = vector.broadcast %scan3A_650 : i32 to vector<16xi32>
          tpu.vector_store_idx %arg11[%add3A_642, %broadcast_in_dim3A_651], %broadcast_in_dim3A_643 masked %eq3A_629 : memref<128x64xf32, #tpu.memory_space<vmem>>[vector<16xi32>, vector<16xi32>], vector<16xf32>, vector<16xi1>
        }
        %scan3A_649 = arith.constant 64 : i32
      } else {
      }
    }
    %scan3A_364 = arith.constant 8 : i32
    %add3A_365 = arith.constant 1792 : i32
    %add3A_366 = arith.addi %mul3A_2, %add3A_365 : i32
    %dma_start3A_367 = arith.constant 0 : i32
    %dma_start3A_368 = tpu.memref_slice %arg4[%add3A_366, %dma_start3A_367] : memref<106496x64xf32, #tpu.memory_space<hbm>> -> memref<128x64xf32, #tpu.memory_space<hbm>>
    %dma_start3A_369 = arith.constant 0 : i32
    %dma_start3A_370 = tpu.memref_slice %arg4[%add3A_366, %dma_start3A_369] : memref<106496x64xf32, #tpu.memory_space<hbm>> -> memref<128x64xf32, #tpu.memory_space<hbm>>
    tpu.enqueue_dma source(%arg11 : memref<128x64xf32, #tpu.memory_space<vmem>>) target(%dma_start3A_370 : memref<128x64xf32, #tpu.memory_space<hbm>>) target_semaphore(%arg19 : memref<!tpu.dma_semaphore, #tpu.memory_space<semaphore_mem>>)
    %dma_wait3A_371 = arith.constant 0 : i32
    %dma_wait3A_372 = tpu.memref_slice %arg4[%add3A_366, %dma_wait3A_371] : memref<106496x64xf32, #tpu.memory_space<hbm>> -> memref<128x64xf32, #tpu.memory_space<hbm>>
    %dma_wait3A_373 = arith.constant 0 : i32
    %dma_wait3A_374 = tpu.memref_slice %arg4[%add3A_366, %dma_wait3A_373] : memref<106496x64xf32, #tpu.memory_space<hbm>> -> memref<128x64xf32, #tpu.memory_space<hbm>>
    tpu.wait_dma2 semaphore(%arg19 : memref<!tpu.dma_semaphore, #tpu.memory_space<semaphore_mem>>) src(%arg11 : memref<128x64xf32, #tpu.memory_space<vmem>>) dst(%dma_wait3A_374 : memref<128x64xf32, #tpu.memory_space<hbm>>)
    %add3A_375 = arith.constant 2304 : i32
    %add3A_376 = arith.addi %mul3A_2, %add3A_375 : i32
    "tpu.region"() ({
      %run_scoped3A = tpu.sem_alloc : memref<!tpu.dma_semaphore, #tpu.memory_space<semaphore_mem>>
      %dma_start3A_624 = tpu.memref_slice %arg2[%add3A_376] : memref<106496xi32, #tpu.memory_space<hbm>> -> memref<128xi32, #tpu.memory_space<hbm>>
      %dma_start3A_625 = tpu.memref_slice %arg2[%add3A_376] : memref<106496xi32, #tpu.memory_space<hbm>> -> memref<128xi32, #tpu.memory_space<hbm>>
      tpu.enqueue_dma source(%dma_start3A_625 : memref<128xi32, #tpu.memory_space<hbm>>) target(%arg7 : memref<128xi32, #tpu.memory_space<vmem>>) target_semaphore(%run_scoped3A : memref<!tpu.dma_semaphore, #tpu.memory_space<semaphore_mem>>)
      %dma_wait3A_626 = tpu.memref_slice %arg2[%add3A_376] : memref<106496xi32, #tpu.memory_space<hbm>> -> memref<128xi32, #tpu.memory_space<hbm>>
      %dma_wait3A_627 = tpu.memref_slice %arg2[%add3A_376] : memref<106496xi32, #tpu.memory_space<hbm>> -> memref<128xi32, #tpu.memory_space<hbm>>
      tpu.wait_dma2 semaphore(%run_scoped3A : memref<!tpu.dma_semaphore, #tpu.memory_space<semaphore_mem>>) src(%dma_wait3A_627 : memref<128xi32, #tpu.memory_space<hbm>>) dst(%arg7 : memref<128xi32, #tpu.memory_space<vmem>>)
      tpu.yield
    }) : () -> ()
    %dma_start3A_377 = arith.constant 0 : i32
    %dma_start3A_378 = arith.constant 0 : i32
    %dma_start3A_379 = tpu.memref_slice %arg3[%dma_start3A_377, %dma_start3A_378] : memref<1000000x64xf32, #tpu.memory_space<hbm>> -> memref<1000000x64xf32, #tpu.memory_space<hbm>>
    tpu.enqueue_indirect_dma source(%dma_start3A_379 : memref<1000000x64xf32, #tpu.memory_space<hbm>>) target(%arg11 : memref<128x64xf32, #tpu.memory_space<vmem>>) offsets(%arg7 : memref<128xi32, #tpu.memory_space<vmem>>) semaphore(%arg15 : memref<!tpu.dma_semaphore, #tpu.memory_space<semaphore_mem>>)
    %dma_wait3A_380 = arith.constant 0 : i32
    %dma_wait3A_381 = arith.constant 0 : i32
    %dma_wait3A_382 = tpu.memref_slice %arg3[%dma_wait3A_380, %dma_wait3A_381] : memref<1000000x64xf32, #tpu.memory_space<hbm>> -> memref<1000000x64xf32, #tpu.memory_space<hbm>>
    tpu.wait_indirect_dma semaphore(%arg16 : memref<!tpu.dma_semaphore, #tpu.memory_space<semaphore_mem>>) src(%dma_wait3A_382 : memref<1000000x64xf32, #tpu.memory_space<hbm>>) dst(%arg12 : memref<128x64xf32, #tpu.memory_space<vmem>>)
    %scan3A_383 = arith.constant 0 : i32
    %scan3A_384 = arith.constant 0 : i32
    %scan3A_385 = arith.constant 8 : i32
    %scan3A_386 = arith.addi %scan3A_384, %scan3A_385 : i32
    %scan3A_387 = arith.constant 1 : i32
    scf.for %scan3A_624 = %scan3A_384 to %scan3A_386 step %scan3A_387  : i32 {
      %mul3A_625 = arith.constant 16 : i32
      %mul3A_626 = arith.muli %scan3A_624, %mul3A_625 : i32
      %get3A = arith.index_cast %mul3A_626 : i32 to index
      %get3A_627 = tpu.vector_load %arg8[%get3A] {strides = array<i32>} : memref<128xi32, #tpu.memory_space<vmem>>, vector<16xi32>,
      %eq3A = arith.constant 0 : i32
      %eq3A_628 = vector.broadcast %eq3A : i32 to vector<16xi32>
      %eq3A_629 = arith.cmpi eq, %get3A_627, %eq3A_628 : vector<16xi32>
      %all_reduce_population_count3A = tpu.all_reduce %eq3A_629 {dim = 0 : i64, kind = #tpu.reduction_kind<sum>} : vector<16xi1> -> vector<16xi32>
      %reduce_max3A = arith.constant true
      %reduce_max3A_630 = vector.broadcast %reduce_max3A : i1 to vector<16xi1>
      %reduce_max3A_631 = arith.constant -2147483648 : i32
      %reduce_max3A_632 = vector.broadcast %reduce_max3A_631 : i32 to vector<16xi32>
      %reduce_max3A_633 = arith.xori %all_reduce_population_count3A, %reduce_max3A_632 : vector<16xi32>
      %reduce_max3A_634 = tpu.scan <max>, %reduce_max3A_633 masked %reduce_max3A_630 : vector<16xi32>, vector<16xi1> -> vector<16xi32>
      %reduce_max3A_635 = arith.xori %reduce_max3A_634, %reduce_max3A_632 : vector<16xi32>
      %reduce_max3A_636 = vector.extract %reduce_max3A_635[15] : i32 from vector<16xi32>
      %gt3A = arith.constant 0 : i32
      %gt3A_637 = arith.cmpi sgt, %reduce_max3A_636, %gt3A : i32
      %convert_element_type3A = arith.extui %gt3A_637 : i1 to i32
      %cond3A = arith.constant 0 : i32
      %cond3A_638 = arith.cmpi ne, %convert_element_type3A, %cond3A : i32
      scf.if %cond3A_638 {
        %mul3A_639 = arith.constant 16 : i32
        %mul3A_640 = arith.muli %scan3A_624, %mul3A_639 : i32
        %iota3A = tpu.iota {dimensions = array<i32: 0>} : vector<16xi32>
        %add3A_641 = vector.broadcast %mul3A_640 : i32 to vector<16xi32>
        %add3A_642 = arith.addi %add3A_641, %iota3A : vector<16xi32>
        %broadcast_in_dim3A = arith.constant 0.000000e+00 : f32
        %broadcast_in_dim3A_643 = vector.broadcast %broadcast_in_dim3A : f32 to vector<16xf32>
        %scan3A_644 = arith.constant 0 : i32
        %scan3A_645 = arith.constant 0 : i32
        %scan3A_646 = arith.constant 64 : i32
        %scan3A_647 = arith.addi %scan3A_645, %scan3A_646 : i32
        %scan3A_648 = arith.constant 1 : i32
        scf.for %scan3A_650 = %scan3A_645 to %scan3A_647 step %scan3A_648  : i32 {
          %broadcast_in_dim3A_651 = vector.broadcast %scan3A_650 : i32 to vector<16xi32>
          tpu.vector_store_idx %arg12[%add3A_642, %broadcast_in_dim3A_651], %broadcast_in_dim3A_643 masked %eq3A_629 : memref<128x64xf32, #tpu.memory_space<vmem>>[vector<16xi32>, vector<16xi32>], vector<16xf32>, vector<16xi1>
        }
        %scan3A_649 = arith.constant 64 : i32
      } else {
      }
    }
    %scan3A_388 = arith.constant 8 : i32
    %add3A_389 = arith.constant 1920 : i32
    %add3A_390 = arith.addi %mul3A_2, %add3A_389 : i32
    %dma_start3A_391 = arith.constant 0 : i32
    %dma_start3A_392 = tpu.memref_slice %arg4[%add3A_390, %dma_start3A_391] : memref<106496x64xf32, #tpu.memory_space<hbm>> -> memref<128x64xf32, #tpu.memory_space<hbm>>
    %dma_start3A_393 = arith.constant 0 : i32
    %dma_start3A_394 = tpu.memref_slice %arg4[%add3A_390, %dma_start3A_393] : memref<106496x64xf32, #tpu.memory_space<hbm>> -> memref<128x64xf32, #tpu.memory_space<hbm>>
    tpu.enqueue_dma source(%arg12 : memref<128x64xf32, #tpu.memory_space<vmem>>) target(%dma_start3A_394 : memref<128x64xf32, #tpu.memory_space<hbm>>) target_semaphore(%arg20 : memref<!tpu.dma_semaphore, #tpu.memory_space<semaphore_mem>>)
    %dma_wait3A_395 = arith.constant 0 : i32
    %dma_wait3A_396 = tpu.memref_slice %arg4[%add3A_390, %dma_wait3A_395] : memref<106496x64xf32, #tpu.memory_space<hbm>> -> memref<128x64xf32, #tpu.memory_space<hbm>>
    %dma_wait3A_397 = arith.constant 0 : i32
    %dma_wait3A_398 = tpu.memref_slice %arg4[%add3A_390, %dma_wait3A_397] : memref<106496x64xf32, #tpu.memory_space<hbm>> -> memref<128x64xf32, #tpu.memory_space<hbm>>
    tpu.wait_dma2 semaphore(%arg20 : memref<!tpu.dma_semaphore, #tpu.memory_space<semaphore_mem>>) src(%arg12 : memref<128x64xf32, #tpu.memory_space<vmem>>) dst(%dma_wait3A_398 : memref<128x64xf32, #tpu.memory_space<hbm>>)
    %add3A_399 = arith.constant 2432 : i32
    %add3A_400 = arith.addi %mul3A_2, %add3A_399 : i32
    "tpu.region"() ({
      %run_scoped3A = tpu.sem_alloc : memref<!tpu.dma_semaphore, #tpu.memory_space<semaphore_mem>>
      %dma_start3A_624 = tpu.memref_slice %arg2[%add3A_400] : memref<106496xi32, #tpu.memory_space<hbm>> -> memref<128xi32, #tpu.memory_space<hbm>>
      %dma_start3A_625 = tpu.memref_slice %arg2[%add3A_400] : memref<106496xi32, #tpu.memory_space<hbm>> -> memref<128xi32, #tpu.memory_space<hbm>>
      tpu.enqueue_dma source(%dma_start3A_625 : memref<128xi32, #tpu.memory_space<hbm>>) target(%arg8 : memref<128xi32, #tpu.memory_space<vmem>>) target_semaphore(%run_scoped3A : memref<!tpu.dma_semaphore, #tpu.memory_space<semaphore_mem>>)
      %dma_wait3A_626 = tpu.memref_slice %arg2[%add3A_400] : memref<106496xi32, #tpu.memory_space<hbm>> -> memref<128xi32, #tpu.memory_space<hbm>>
      %dma_wait3A_627 = tpu.memref_slice %arg2[%add3A_400] : memref<106496xi32, #tpu.memory_space<hbm>> -> memref<128xi32, #tpu.memory_space<hbm>>
      tpu.wait_dma2 semaphore(%run_scoped3A : memref<!tpu.dma_semaphore, #tpu.memory_space<semaphore_mem>>) src(%dma_wait3A_627 : memref<128xi32, #tpu.memory_space<hbm>>) dst(%arg8 : memref<128xi32, #tpu.memory_space<vmem>>)
      tpu.yield
    }) : () -> ()
    %dma_start3A_401 = arith.constant 0 : i32
    %dma_start3A_402 = arith.constant 0 : i32
    %dma_start3A_403 = tpu.memref_slice %arg3[%dma_start3A_401, %dma_start3A_402] : memref<1000000x64xf32, #tpu.memory_space<hbm>> -> memref<1000000x64xf32, #tpu.memory_space<hbm>>
    tpu.enqueue_indirect_dma source(%dma_start3A_403 : memref<1000000x64xf32, #tpu.memory_space<hbm>>) target(%arg12 : memref<128x64xf32, #tpu.memory_space<vmem>>) offsets(%arg8 : memref<128xi32, #tpu.memory_space<vmem>>) semaphore(%arg16 : memref<!tpu.dma_semaphore, #tpu.memory_space<semaphore_mem>>)
    %dma_wait3A_404 = arith.constant 0 : i32
    %dma_wait3A_405 = arith.constant 0 : i32
    %dma_wait3A_406 = tpu.memref_slice %arg3[%dma_wait3A_404, %dma_wait3A_405] : memref<1000000x64xf32, #tpu.memory_space<hbm>> -> memref<1000000x64xf32, #tpu.memory_space<hbm>>
    tpu.wait_indirect_dma semaphore(%arg13 : memref<!tpu.dma_semaphore, #tpu.memory_space<semaphore_mem>>) src(%dma_wait3A_406 : memref<1000000x64xf32, #tpu.memory_space<hbm>>) dst(%arg9 : memref<128x64xf32, #tpu.memory_space<vmem>>)
    %scan3A_407 = arith.constant 0 : i32
    %scan3A_408 = arith.constant 0 : i32
    %scan3A_409 = arith.constant 8 : i32
    %scan3A_410 = arith.addi %scan3A_408, %scan3A_409 : i32
    %scan3A_411 = arith.constant 1 : i32
    scf.for %scan3A_624 = %scan3A_408 to %scan3A_410 step %scan3A_411  : i32 {
      %mul3A_625 = arith.constant 16 : i32
      %mul3A_626 = arith.muli %scan3A_624, %mul3A_625 : i32
      %get3A = arith.index_cast %mul3A_626 : i32 to index
      %get3A_627 = tpu.vector_load %arg5[%get3A] {strides = array<i32>} : memref<128xi32, #tpu.memory_space<vmem>>, vector<16xi32>,
      %eq3A = arith.constant 0 : i32
      %eq3A_628 = vector.broadcast %eq3A : i32 to vector<16xi32>
      %eq3A_629 = arith.cmpi eq, %get3A_627, %eq3A_628 : vector<16xi32>
      %all_reduce_population_count3A = tpu.all_reduce %eq3A_629 {dim = 0 : i64, kind = #tpu.reduction_kind<sum>} : vector<16xi1> -> vector<16xi32>
      %reduce_max3A = arith.constant true
      %reduce_max3A_630 = vector.broadcast %reduce_max3A : i1 to vector<16xi1>
      %reduce_max3A_631 = arith.constant -2147483648 : i32
      %reduce_max3A_632 = vector.broadcast %reduce_max3A_631 : i32 to vector<16xi32>
      %reduce_max3A_633 = arith.xori %all_reduce_population_count3A, %reduce_max3A_632 : vector<16xi32>
      %reduce_max3A_634 = tpu.scan <max>, %reduce_max3A_633 masked %reduce_max3A_630 : vector<16xi32>, vector<16xi1> -> vector<16xi32>
      %reduce_max3A_635 = arith.xori %reduce_max3A_634, %reduce_max3A_632 : vector<16xi32>
      %reduce_max3A_636 = vector.extract %reduce_max3A_635[15] : i32 from vector<16xi32>
      %gt3A = arith.constant 0 : i32
      %gt3A_637 = arith.cmpi sgt, %reduce_max3A_636, %gt3A : i32
      %convert_element_type3A = arith.extui %gt3A_637 : i1 to i32
      %cond3A = arith.constant 0 : i32
      %cond3A_638 = arith.cmpi ne, %convert_element_type3A, %cond3A : i32
      scf.if %cond3A_638 {
        %mul3A_639 = arith.constant 16 : i32
        %mul3A_640 = arith.muli %scan3A_624, %mul3A_639 : i32
        %iota3A = tpu.iota {dimensions = array<i32: 0>} : vector<16xi32>
        %add3A_641 = vector.broadcast %mul3A_640 : i32 to vector<16xi32>
        %add3A_642 = arith.addi %add3A_641, %iota3A : vector<16xi32>
        %broadcast_in_dim3A = arith.constant 0.000000e+00 : f32
        %broadcast_in_dim3A_643 = vector.broadcast %broadcast_in_dim3A : f32 to vector<16xf32>
        %scan3A_644 = arith.constant 0 : i32
        %scan3A_645 = arith.constant 0 : i32
        %scan3A_646 = arith.constant 64 : i32
        %scan3A_647 = arith.addi %scan3A_645, %scan3A_646 : i32
        %scan3A_648 = arith.constant 1 : i32
        scf.for %scan3A_650 = %scan3A_645 to %scan3A_647 step %scan3A_648  : i32 {
          %broadcast_in_dim3A_651 = vector.broadcast %scan3A_650 : i32 to vector<16xi32>
          tpu.vector_store_idx %arg9[%add3A_642, %broadcast_in_dim3A_651], %broadcast_in_dim3A_643 masked %eq3A_629 : memref<128x64xf32, #tpu.memory_space<vmem>>[vector<16xi32>, vector<16xi32>], vector<16xf32>, vector<16xi1>
        }
        %scan3A_649 = arith.constant 64 : i32
      } else {
      }
    }
    %scan3A_412 = arith.constant 8 : i32
    %add3A_413 = arith.constant 2048 : i32
    %add3A_414 = arith.addi %mul3A_2, %add3A_413 : i32
    %dma_start3A_415 = arith.constant 0 : i32
    %dma_start3A_416 = tpu.memref_slice %arg4[%add3A_414, %dma_start3A_415] : memref<106496x64xf32, #tpu.memory_space<hbm>> -> memref<128x64xf32, #tpu.memory_space<hbm>>
    %dma_start3A_417 = arith.constant 0 : i32
    %dma_start3A_418 = tpu.memref_slice %arg4[%add3A_414, %dma_start3A_417] : memref<106496x64xf32, #tpu.memory_space<hbm>> -> memref<128x64xf32, #tpu.memory_space<hbm>>
    tpu.enqueue_dma source(%arg9 : memref<128x64xf32, #tpu.memory_space<vmem>>) target(%dma_start3A_418 : memref<128x64xf32, #tpu.memory_space<hbm>>) target_semaphore(%arg17 : memref<!tpu.dma_semaphore, #tpu.memory_space<semaphore_mem>>)
    %dma_wait3A_419 = arith.constant 0 : i32
    %dma_wait3A_420 = tpu.memref_slice %arg4[%add3A_414, %dma_wait3A_419] : memref<106496x64xf32, #tpu.memory_space<hbm>> -> memref<128x64xf32, #tpu.memory_space<hbm>>
    %dma_wait3A_421 = arith.constant 0 : i32
    %dma_wait3A_422 = tpu.memref_slice %arg4[%add3A_414, %dma_wait3A_421] : memref<106496x64xf32, #tpu.memory_space<hbm>> -> memref<128x64xf32, #tpu.memory_space<hbm>>
    tpu.wait_dma2 semaphore(%arg17 : memref<!tpu.dma_semaphore, #tpu.memory_space<semaphore_mem>>) src(%arg9 : memref<128x64xf32, #tpu.memory_space<vmem>>) dst(%dma_wait3A_422 : memref<128x64xf32, #tpu.memory_space<hbm>>)
    %add3A_423 = arith.constant 2560 : i32
    %add3A_424 = arith.addi %mul3A_2, %add3A_423 : i32
    "tpu.region"() ({
      %run_scoped3A = tpu.sem_alloc : memref<!tpu.dma_semaphore, #tpu.memory_space<semaphore_mem>>
      %dma_start3A_624 = tpu.memref_slice %arg2[%add3A_424] : memref<106496xi32, #tpu.memory_space<hbm>> -> memref<128xi32, #tpu.memory_space<hbm>>
      %dma_start3A_625 = tpu.memref_slice %arg2[%add3A_424] : memref<106496xi32, #tpu.memory_space<hbm>> -> memref<128xi32, #tpu.memory_space<hbm>>
      tpu.enqueue_dma source(%dma_start3A_625 : memref<128xi32, #tpu.memory_space<hbm>>) target(%arg5 : memref<128xi32, #tpu.memory_space<vmem>>) target_semaphore(%run_scoped3A : memref<!tpu.dma_semaphore, #tpu.memory_space<semaphore_mem>>)
      %dma_wait3A_626 = tpu.memref_slice %arg2[%add3A_424] : memref<106496xi32, #tpu.memory_space<hbm>> -> memref<128xi32, #tpu.memory_space<hbm>>
      %dma_wait3A_627 = tpu.memref_slice %arg2[%add3A_424] : memref<106496xi32, #tpu.memory_space<hbm>> -> memref<128xi32, #tpu.memory_space<hbm>>
      tpu.wait_dma2 semaphore(%run_scoped3A : memref<!tpu.dma_semaphore, #tpu.memory_space<semaphore_mem>>) src(%dma_wait3A_627 : memref<128xi32, #tpu.memory_space<hbm>>) dst(%arg5 : memref<128xi32, #tpu.memory_space<vmem>>)
      tpu.yield
    }) : () -> ()
    %dma_start3A_425 = arith.constant 0 : i32
    %dma_start3A_426 = arith.constant 0 : i32
    %dma_start3A_427 = tpu.memref_slice %arg3[%dma_start3A_425, %dma_start3A_426] : memref<1000000x64xf32, #tpu.memory_space<hbm>> -> memref<1000000x64xf32, #tpu.memory_space<hbm>>
    tpu.enqueue_indirect_dma source(%dma_start3A_427 : memref<1000000x64xf32, #tpu.memory_space<hbm>>) target(%arg9 : memref<128x64xf32, #tpu.memory_space<vmem>>) offsets(%arg5 : memref<128xi32, #tpu.memory_space<vmem>>) semaphore(%arg13 : memref<!tpu.dma_semaphore, #tpu.memory_space<semaphore_mem>>)
    %dma_wait3A_428 = arith.constant 0 : i32
    %dma_wait3A_429 = arith.constant 0 : i32
    %dma_wait3A_430 = tpu.memref_slice %arg3[%dma_wait3A_428, %dma_wait3A_429] : memref<1000000x64xf32, #tpu.memory_space<hbm>> -> memref<1000000x64xf32, #tpu.memory_space<hbm>>
    tpu.wait_indirect_dma semaphore(%arg14 : memref<!tpu.dma_semaphore, #tpu.memory_space<semaphore_mem>>) src(%dma_wait3A_430 : memref<1000000x64xf32, #tpu.memory_space<hbm>>) dst(%arg10 : memref<128x64xf32, #tpu.memory_space<vmem>>)
    %scan3A_431 = arith.constant 0 : i32
    %scan3A_432 = arith.constant 0 : i32
    %scan3A_433 = arith.constant 8 : i32
    %scan3A_434 = arith.addi %scan3A_432, %scan3A_433 : i32
    %scan3A_435 = arith.constant 1 : i32
    scf.for %scan3A_624 = %scan3A_432 to %scan3A_434 step %scan3A_435  : i32 {
      %mul3A_625 = arith.constant 16 : i32
      %mul3A_626 = arith.muli %scan3A_624, %mul3A_625 : i32
      %get3A = arith.index_cast %mul3A_626 : i32 to index
      %get3A_627 = tpu.vector_load %arg6[%get3A] {strides = array<i32>} : memref<128xi32, #tpu.memory_space<vmem>>, vector<16xi32>,
      %eq3A = arith.constant 0 : i32
      %eq3A_628 = vector.broadcast %eq3A : i32 to vector<16xi32>
      %eq3A_629 = arith.cmpi eq, %get3A_627, %eq3A_628 : vector<16xi32>
      %all_reduce_population_count3A = tpu.all_reduce %eq3A_629 {dim = 0 : i64, kind = #tpu.reduction_kind<sum>} : vector<16xi1> -> vector<16xi32>
      %reduce_max3A = arith.constant true
      %reduce_max3A_630 = vector.broadcast %reduce_max3A : i1 to vector<16xi1>
      %reduce_max3A_631 = arith.constant -2147483648 : i32
      %reduce_max3A_632 = vector.broadcast %reduce_max3A_631 : i32 to vector<16xi32>
      %reduce_max3A_633 = arith.xori %all_reduce_population_count3A, %reduce_max3A_632 : vector<16xi32>
      %reduce_max3A_634 = tpu.scan <max>, %reduce_max3A_633 masked %reduce_max3A_630 : vector<16xi32>, vector<16xi1> -> vector<16xi32>
      %reduce_max3A_635 = arith.xori %reduce_max3A_634, %reduce_max3A_632 : vector<16xi32>
      %reduce_max3A_636 = vector.extract %reduce_max3A_635[15] : i32 from vector<16xi32>
      %gt3A = arith.constant 0 : i32
      %gt3A_637 = arith.cmpi sgt, %reduce_max3A_636, %gt3A : i32
      %convert_element_type3A = arith.extui %gt3A_637 : i1 to i32
      %cond3A = arith.constant 0 : i32
      %cond3A_638 = arith.cmpi ne, %convert_element_type3A, %cond3A : i32
      scf.if %cond3A_638 {
        %mul3A_639 = arith.constant 16 : i32
        %mul3A_640 = arith.muli %scan3A_624, %mul3A_639 : i32
        %iota3A = tpu.iota {dimensions = array<i32: 0>} : vector<16xi32>
        %add3A_641 = vector.broadcast %mul3A_640 : i32 to vector<16xi32>
        %add3A_642 = arith.addi %add3A_641, %iota3A : vector<16xi32>
        %broadcast_in_dim3A = arith.constant 0.000000e+00 : f32
        %broadcast_in_dim3A_643 = vector.broadcast %broadcast_in_dim3A : f32 to vector<16xf32>
        %scan3A_644 = arith.constant 0 : i32
        %scan3A_645 = arith.constant 0 : i32
        %scan3A_646 = arith.constant 64 : i32
        %scan3A_647 = arith.addi %scan3A_645, %scan3A_646 : i32
        %scan3A_648 = arith.constant 1 : i32
        scf.for %scan3A_650 = %scan3A_645 to %scan3A_647 step %scan3A_648  : i32 {
          %broadcast_in_dim3A_651 = vector.broadcast %scan3A_650 : i32 to vector<16xi32>
          tpu.vector_store_idx %arg10[%add3A_642, %broadcast_in_dim3A_651], %broadcast_in_dim3A_643 masked %eq3A_629 : memref<128x64xf32, #tpu.memory_space<vmem>>[vector<16xi32>, vector<16xi32>], vector<16xf32>, vector<16xi1>
        }
        %scan3A_649 = arith.constant 64 : i32
      } else {
      }
    }
    %scan3A_436 = arith.constant 8 : i32
    %add3A_437 = arith.constant 2176 : i32
    %add3A_438 = arith.addi %mul3A_2, %add3A_437 : i32
    %dma_start3A_439 = arith.constant 0 : i32
    %dma_start3A_440 = tpu.memref_slice %arg4[%add3A_438, %dma_start3A_439] : memref<106496x64xf32, #tpu.memory_space<hbm>> -> memref<128x64xf32, #tpu.memory_space<hbm>>
    %dma_start3A_441 = arith.constant 0 : i32
    %dma_start3A_442 = tpu.memref_slice %arg4[%add3A_438, %dma_start3A_441] : memref<106496x64xf32, #tpu.memory_space<hbm>> -> memref<128x64xf32, #tpu.memory_space<hbm>>
    tpu.enqueue_dma source(%arg10 : memref<128x64xf32, #tpu.memory_space<vmem>>) target(%dma_start3A_442 : memref<128x64xf32, #tpu.memory_space<hbm>>) target_semaphore(%arg18 : memref<!tpu.dma_semaphore, #tpu.memory_space<semaphore_mem>>)
    %dma_wait3A_443 = arith.constant 0 : i32
    %dma_wait3A_444 = tpu.memref_slice %arg4[%add3A_438, %dma_wait3A_443] : memref<106496x64xf32, #tpu.memory_space<hbm>> -> memref<128x64xf32, #tpu.memory_space<hbm>>
    %dma_wait3A_445 = arith.constant 0 : i32
    %dma_wait3A_446 = tpu.memref_slice %arg4[%add3A_438, %dma_wait3A_445] : memref<106496x64xf32, #tpu.memory_space<hbm>> -> memref<128x64xf32, #tpu.memory_space<hbm>>
    tpu.wait_dma2 semaphore(%arg18 : memref<!tpu.dma_semaphore, #tpu.memory_space<semaphore_mem>>) src(%arg10 : memref<128x64xf32, #tpu.memory_space<vmem>>) dst(%dma_wait3A_446 : memref<128x64xf32, #tpu.memory_space<hbm>>)
    %add3A_447 = arith.constant 2688 : i32
    %add3A_448 = arith.addi %mul3A_2, %add3A_447 : i32
    "tpu.region"() ({
      %run_scoped3A = tpu.sem_alloc : memref<!tpu.dma_semaphore, #tpu.memory_space<semaphore_mem>>
      %dma_start3A_624 = tpu.memref_slice %arg2[%add3A_448] : memref<106496xi32, #tpu.memory_space<hbm>> -> memref<128xi32, #tpu.memory_space<hbm>>
      %dma_start3A_625 = tpu.memref_slice %arg2[%add3A_448] : memref<106496xi32, #tpu.memory_space<hbm>> -> memref<128xi32, #tpu.memory_space<hbm>>
      tpu.enqueue_dma source(%dma_start3A_625 : memref<128xi32, #tpu.memory_space<hbm>>) target(%arg6 : memref<128xi32, #tpu.memory_space<vmem>>) target_semaphore(%run_scoped3A : memref<!tpu.dma_semaphore, #tpu.memory_space<semaphore_mem>>)
      %dma_wait3A_626 = tpu.memref_slice %arg2[%add3A_448] : memref<106496xi32, #tpu.memory_space<hbm>> -> memref<128xi32, #tpu.memory_space<hbm>>
      %dma_wait3A_627 = tpu.memref_slice %arg2[%add3A_448] : memref<106496xi32, #tpu.memory_space<hbm>> -> memref<128xi32, #tpu.memory_space<hbm>>
      tpu.wait_dma2 semaphore(%run_scoped3A : memref<!tpu.dma_semaphore, #tpu.memory_space<semaphore_mem>>) src(%dma_wait3A_627 : memref<128xi32, #tpu.memory_space<hbm>>) dst(%arg6 : memref<128xi32, #tpu.memory_space<vmem>>)
      tpu.yield
    }) : () -> ()
    %dma_start3A_449 = arith.constant 0 : i32
    %dma_start3A_450 = arith.constant 0 : i32
    %dma_start3A_451 = tpu.memref_slice %arg3[%dma_start3A_449, %dma_start3A_450] : memref<1000000x64xf32, #tpu.memory_space<hbm>> -> memref<1000000x64xf32, #tpu.memory_space<hbm>>
    tpu.enqueue_indirect_dma source(%dma_start3A_451 : memref<1000000x64xf32, #tpu.memory_space<hbm>>) target(%arg10 : memref<128x64xf32, #tpu.memory_space<vmem>>) offsets(%arg6 : memref<128xi32, #tpu.memory_space<vmem>>) semaphore(%arg14 : memref<!tpu.dma_semaphore, #tpu.memory_space<semaphore_mem>>)
    %dma_wait3A_452 = arith.constant 0 : i32
    %dma_wait3A_453 = arith.constant 0 : i32
    %dma_wait3A_454 = tpu.memref_slice %arg3[%dma_wait3A_452, %dma_wait3A_453] : memref<1000000x64xf32, #tpu.memory_space<hbm>> -> memref<1000000x64xf32, #tpu.memory_space<hbm>>
    tpu.wait_indirect_dma semaphore(%arg15 : memref<!tpu.dma_semaphore, #tpu.memory_space<semaphore_mem>>) src(%dma_wait3A_454 : memref<1000000x64xf32, #tpu.memory_space<hbm>>) dst(%arg11 : memref<128x64xf32, #tpu.memory_space<vmem>>)
    %scan3A_455 = arith.constant 0 : i32
    %scan3A_456 = arith.constant 0 : i32
    %scan3A_457 = arith.constant 8 : i32
    %scan3A_458 = arith.addi %scan3A_456, %scan3A_457 : i32
    %scan3A_459 = arith.constant 1 : i32
    scf.for %scan3A_624 = %scan3A_456 to %scan3A_458 step %scan3A_459  : i32 {
      %mul3A_625 = arith.constant 16 : i32
      %mul3A_626 = arith.muli %scan3A_624, %mul3A_625 : i32
      %get3A = arith.index_cast %mul3A_626 : i32 to index
      %get3A_627 = tpu.vector_load %arg7[%get3A] {strides = array<i32>} : memref<128xi32, #tpu.memory_space<vmem>>, vector<16xi32>,
      %eq3A = arith.constant 0 : i32
      %eq3A_628 = vector.broadcast %eq3A : i32 to vector<16xi32>
      %eq3A_629 = arith.cmpi eq, %get3A_627, %eq3A_628 : vector<16xi32>
      %all_reduce_population_count3A = tpu.all_reduce %eq3A_629 {dim = 0 : i64, kind = #tpu.reduction_kind<sum>} : vector<16xi1> -> vector<16xi32>
      %reduce_max3A = arith.constant true
      %reduce_max3A_630 = vector.broadcast %reduce_max3A : i1 to vector<16xi1>
      %reduce_max3A_631 = arith.constant -2147483648 : i32
      %reduce_max3A_632 = vector.broadcast %reduce_max3A_631 : i32 to vector<16xi32>
      %reduce_max3A_633 = arith.xori %all_reduce_population_count3A, %reduce_max3A_632 : vector<16xi32>
      %reduce_max3A_634 = tpu.scan <max>, %reduce_max3A_633 masked %reduce_max3A_630 : vector<16xi32>, vector<16xi1> -> vector<16xi32>
      %reduce_max3A_635 = arith.xori %reduce_max3A_634, %reduce_max3A_632 : vector<16xi32>
      %reduce_max3A_636 = vector.extract %reduce_max3A_635[15] : i32 from vector<16xi32>
      %gt3A = arith.constant 0 : i32
      %gt3A_637 = arith.cmpi sgt, %reduce_max3A_636, %gt3A : i32
      %convert_element_type3A = arith.extui %gt3A_637 : i1 to i32
      %cond3A = arith.constant 0 : i32
      %cond3A_638 = arith.cmpi ne, %convert_element_type3A, %cond3A : i32
      scf.if %cond3A_638 {
        %mul3A_639 = arith.constant 16 : i32
        %mul3A_640 = arith.muli %scan3A_624, %mul3A_639 : i32
        %iota3A = tpu.iota {dimensions = array<i32: 0>} : vector<16xi32>
        %add3A_641 = vector.broadcast %mul3A_640 : i32 to vector<16xi32>
        %add3A_642 = arith.addi %add3A_641, %iota3A : vector<16xi32>
        %broadcast_in_dim3A = arith.constant 0.000000e+00 : f32
        %broadcast_in_dim3A_643 = vector.broadcast %broadcast_in_dim3A : f32 to vector<16xf32>
        %scan3A_644 = arith.constant 0 : i32
        %scan3A_645 = arith.constant 0 : i32
        %scan3A_646 = arith.constant 64 : i32
        %scan3A_647 = arith.addi %scan3A_645, %scan3A_646 : i32
        %scan3A_648 = arith.constant 1 : i32
        scf.for %scan3A_650 = %scan3A_645 to %scan3A_647 step %scan3A_648  : i32 {
          %broadcast_in_dim3A_651 = vector.broadcast %scan3A_650 : i32 to vector<16xi32>
          tpu.vector_store_idx %arg11[%add3A_642, %broadcast_in_dim3A_651], %broadcast_in_dim3A_643 masked %eq3A_629 : memref<128x64xf32, #tpu.memory_space<vmem>>[vector<16xi32>, vector<16xi32>], vector<16xf32>, vector<16xi1>
        }
        %scan3A_649 = arith.constant 64 : i32
      } else {
      }
    }
    %scan3A_460 = arith.constant 8 : i32
    %add3A_461 = arith.constant 2304 : i32
    %add3A_462 = arith.addi %mul3A_2, %add3A_461 : i32
    %dma_start3A_463 = arith.constant 0 : i32
    %dma_start3A_464 = tpu.memref_slice %arg4[%add3A_462, %dma_start3A_463] : memref<106496x64xf32, #tpu.memory_space<hbm>> -> memref<128x64xf32, #tpu.memory_space<hbm>>
    %dma_start3A_465 = arith.constant 0 : i32
    %dma_start3A_466 = tpu.memref_slice %arg4[%add3A_462, %dma_start3A_465] : memref<106496x64xf32, #tpu.memory_space<hbm>> -> memref<128x64xf32, #tpu.memory_space<hbm>>
    tpu.enqueue_dma source(%arg11 : memref<128x64xf32, #tpu.memory_space<vmem>>) target(%dma_start3A_466 : memref<128x64xf32, #tpu.memory_space<hbm>>) target_semaphore(%arg19 : memref<!tpu.dma_semaphore, #tpu.memory_space<semaphore_mem>>)
    %dma_wait3A_467 = arith.constant 0 : i32
    %dma_wait3A_468 = tpu.memref_slice %arg4[%add3A_462, %dma_wait3A_467] : memref<106496x64xf32, #tpu.memory_space<hbm>> -> memref<128x64xf32, #tpu.memory_space<hbm>>
    %dma_wait3A_469 = arith.constant 0 : i32
    %dma_wait3A_470 = tpu.memref_slice %arg4[%add3A_462, %dma_wait3A_469] : memref<106496x64xf32, #tpu.memory_space<hbm>> -> memref<128x64xf32, #tpu.memory_space<hbm>>
    tpu.wait_dma2 semaphore(%arg19 : memref<!tpu.dma_semaphore, #tpu.memory_space<semaphore_mem>>) src(%arg11 : memref<128x64xf32, #tpu.memory_space<vmem>>) dst(%dma_wait3A_470 : memref<128x64xf32, #tpu.memory_space<hbm>>)
    %add3A_471 = arith.constant 2816 : i32
    %add3A_472 = arith.addi %mul3A_2, %add3A_471 : i32
    "tpu.region"() ({
      %run_scoped3A = tpu.sem_alloc : memref<!tpu.dma_semaphore, #tpu.memory_space<semaphore_mem>>
      %dma_start3A_624 = tpu.memref_slice %arg2[%add3A_472] : memref<106496xi32, #tpu.memory_space<hbm>> -> memref<128xi32, #tpu.memory_space<hbm>>
      %dma_start3A_625 = tpu.memref_slice %arg2[%add3A_472] : memref<106496xi32, #tpu.memory_space<hbm>> -> memref<128xi32, #tpu.memory_space<hbm>>
      tpu.enqueue_dma source(%dma_start3A_625 : memref<128xi32, #tpu.memory_space<hbm>>) target(%arg7 : memref<128xi32, #tpu.memory_space<vmem>>) target_semaphore(%run_scoped3A : memref<!tpu.dma_semaphore, #tpu.memory_space<semaphore_mem>>)
      %dma_wait3A_626 = tpu.memref_slice %arg2[%add3A_472] : memref<106496xi32, #tpu.memory_space<hbm>> -> memref<128xi32, #tpu.memory_space<hbm>>
      %dma_wait3A_627 = tpu.memref_slice %arg2[%add3A_472] : memref<106496xi32, #tpu.memory_space<hbm>> -> memref<128xi32, #tpu.memory_space<hbm>>
      tpu.wait_dma2 semaphore(%run_scoped3A : memref<!tpu.dma_semaphore, #tpu.memory_space<semaphore_mem>>) src(%dma_wait3A_627 : memref<128xi32, #tpu.memory_space<hbm>>) dst(%arg7 : memref<128xi32, #tpu.memory_space<vmem>>)
      tpu.yield
    }) : () -> ()
    %dma_start3A_473 = arith.constant 0 : i32
    %dma_start3A_474 = arith.constant 0 : i32
    %dma_start3A_475 = tpu.memref_slice %arg3[%dma_start3A_473, %dma_start3A_474] : memref<1000000x64xf32, #tpu.memory_space<hbm>> -> memref<1000000x64xf32, #tpu.memory_space<hbm>>
    tpu.enqueue_indirect_dma source(%dma_start3A_475 : memref<1000000x64xf32, #tpu.memory_space<hbm>>) target(%arg11 : memref<128x64xf32, #tpu.memory_space<vmem>>) offsets(%arg7 : memref<128xi32, #tpu.memory_space<vmem>>) semaphore(%arg15 : memref<!tpu.dma_semaphore, #tpu.memory_space<semaphore_mem>>)
    %dma_wait3A_476 = arith.constant 0 : i32
    %dma_wait3A_477 = arith.constant 0 : i32
    %dma_wait3A_478 = tpu.memref_slice %arg3[%dma_wait3A_476, %dma_wait3A_477] : memref<1000000x64xf32, #tpu.memory_space<hbm>> -> memref<1000000x64xf32, #tpu.memory_space<hbm>>
    tpu.wait_indirect_dma semaphore(%arg16 : memref<!tpu.dma_semaphore, #tpu.memory_space<semaphore_mem>>) src(%dma_wait3A_478 : memref<1000000x64xf32, #tpu.memory_space<hbm>>) dst(%arg12 : memref<128x64xf32, #tpu.memory_space<vmem>>)
    %scan3A_479 = arith.constant 0 : i32
    %scan3A_480 = arith.constant 0 : i32
    %scan3A_481 = arith.constant 8 : i32
    %scan3A_482 = arith.addi %scan3A_480, %scan3A_481 : i32
    %scan3A_483 = arith.constant 1 : i32
    scf.for %scan3A_624 = %scan3A_480 to %scan3A_482 step %scan3A_483  : i32 {
      %mul3A_625 = arith.constant 16 : i32
      %mul3A_626 = arith.muli %scan3A_624, %mul3A_625 : i32
      %get3A = arith.index_cast %mul3A_626 : i32 to index
      %get3A_627 = tpu.vector_load %arg8[%get3A] {strides = array<i32>} : memref<128xi32, #tpu.memory_space<vmem>>, vector<16xi32>,
      %eq3A = arith.constant 0 : i32
      %eq3A_628 = vector.broadcast %eq3A : i32 to vector<16xi32>
      %eq3A_629 = arith.cmpi eq, %get3A_627, %eq3A_628 : vector<16xi32>
      %all_reduce_population_count3A = tpu.all_reduce %eq3A_629 {dim = 0 : i64, kind = #tpu.reduction_kind<sum>} : vector<16xi1> -> vector<16xi32>
      %reduce_max3A = arith.constant true
      %reduce_max3A_630 = vector.broadcast %reduce_max3A : i1 to vector<16xi1>
      %reduce_max3A_631 = arith.constant -2147483648 : i32
      %reduce_max3A_632 = vector.broadcast %reduce_max3A_631 : i32 to vector<16xi32>
      %reduce_max3A_633 = arith.xori %all_reduce_population_count3A, %reduce_max3A_632 : vector<16xi32>
      %reduce_max3A_634 = tpu.scan <max>, %reduce_max3A_633 masked %reduce_max3A_630 : vector<16xi32>, vector<16xi1> -> vector<16xi32>
      %reduce_max3A_635 = arith.xori %reduce_max3A_634, %reduce_max3A_632 : vector<16xi32>
      %reduce_max3A_636 = vector.extract %reduce_max3A_635[15] : i32 from vector<16xi32>
      %gt3A = arith.constant 0 : i32
      %gt3A_637 = arith.cmpi sgt, %reduce_max3A_636, %gt3A : i32
      %convert_element_type3A = arith.extui %gt3A_637 : i1 to i32
      %cond3A = arith.constant 0 : i32
      %cond3A_638 = arith.cmpi ne, %convert_element_type3A, %cond3A : i32
      scf.if %cond3A_638 {
        %mul3A_639 = arith.constant 16 : i32
        %mul3A_640 = arith.muli %scan3A_624, %mul3A_639 : i32
        %iota3A = tpu.iota {dimensions = array<i32: 0>} : vector<16xi32>
        %add3A_641 = vector.broadcast %mul3A_640 : i32 to vector<16xi32>
        %add3A_642 = arith.addi %add3A_641, %iota3A : vector<16xi32>
        %broadcast_in_dim3A = arith.constant 0.000000e+00 : f32
        %broadcast_in_dim3A_643 = vector.broadcast %broadcast_in_dim3A : f32 to vector<16xf32>
        %scan3A_644 = arith.constant 0 : i32
        %scan3A_645 = arith.constant 0 : i32
        %scan3A_646 = arith.constant 64 : i32
        %scan3A_647 = arith.addi %scan3A_645, %scan3A_646 : i32
        %scan3A_648 = arith.constant 1 : i32
        scf.for %scan3A_650 = %scan3A_645 to %scan3A_647 step %scan3A_648  : i32 {
          %broadcast_in_dim3A_651 = vector.broadcast %scan3A_650 : i32 to vector<16xi32>
          tpu.vector_store_idx %arg12[%add3A_642, %broadcast_in_dim3A_651], %broadcast_in_dim3A_643 masked %eq3A_629 : memref<128x64xf32, #tpu.memory_space<vmem>>[vector<16xi32>, vector<16xi32>], vector<16xf32>, vector<16xi1>
        }
        %scan3A_649 = arith.constant 64 : i32
      } else {
      }
    }
    %scan3A_484 = arith.constant 8 : i32
    %add3A_485 = arith.constant 2432 : i32
    %add3A_486 = arith.addi %mul3A_2, %add3A_485 : i32
    %dma_start3A_487 = arith.constant 0 : i32
    %dma_start3A_488 = tpu.memref_slice %arg4[%add3A_486, %dma_start3A_487] : memref<106496x64xf32, #tpu.memory_space<hbm>> -> memref<128x64xf32, #tpu.memory_space<hbm>>
    %dma_start3A_489 = arith.constant 0 : i32
    %dma_start3A_490 = tpu.memref_slice %arg4[%add3A_486, %dma_start3A_489] : memref<106496x64xf32, #tpu.memory_space<hbm>> -> memref<128x64xf32, #tpu.memory_space<hbm>>
    tpu.enqueue_dma source(%arg12 : memref<128x64xf32, #tpu.memory_space<vmem>>) target(%dma_start3A_490 : memref<128x64xf32, #tpu.memory_space<hbm>>) target_semaphore(%arg20 : memref<!tpu.dma_semaphore, #tpu.memory_space<semaphore_mem>>)
    %dma_wait3A_491 = arith.constant 0 : i32
    %dma_wait3A_492 = tpu.memref_slice %arg4[%add3A_486, %dma_wait3A_491] : memref<106496x64xf32, #tpu.memory_space<hbm>> -> memref<128x64xf32, #tpu.memory_space<hbm>>
    %dma_wait3A_493 = arith.constant 0 : i32
    %dma_wait3A_494 = tpu.memref_slice %arg4[%add3A_486, %dma_wait3A_493] : memref<106496x64xf32, #tpu.memory_space<hbm>> -> memref<128x64xf32, #tpu.memory_space<hbm>>
    tpu.wait_dma2 semaphore(%arg20 : memref<!tpu.dma_semaphore, #tpu.memory_space<semaphore_mem>>) src(%arg12 : memref<128x64xf32, #tpu.memory_space<vmem>>) dst(%dma_wait3A_494 : memref<128x64xf32, #tpu.memory_space<hbm>>)
    %add3A_495 = arith.constant 2944 : i32
    %add3A_496 = arith.addi %mul3A_2, %add3A_495 : i32
    "tpu.region"() ({
      %run_scoped3A = tpu.sem_alloc : memref<!tpu.dma_semaphore, #tpu.memory_space<semaphore_mem>>
      %dma_start3A_624 = tpu.memref_slice %arg2[%add3A_496] : memref<106496xi32, #tpu.memory_space<hbm>> -> memref<128xi32, #tpu.memory_space<hbm>>
      %dma_start3A_625 = tpu.memref_slice %arg2[%add3A_496] : memref<106496xi32, #tpu.memory_space<hbm>> -> memref<128xi32, #tpu.memory_space<hbm>>
      tpu.enqueue_dma source(%dma_start3A_625 : memref<128xi32, #tpu.memory_space<hbm>>) target(%arg8 : memref<128xi32, #tpu.memory_space<vmem>>) target_semaphore(%run_scoped3A : memref<!tpu.dma_semaphore, #tpu.memory_space<semaphore_mem>>)
      %dma_wait3A_626 = tpu.memref_slice %arg2[%add3A_496] : memref<106496xi32, #tpu.memory_space<hbm>> -> memref<128xi32, #tpu.memory_space<hbm>>
      %dma_wait3A_627 = tpu.memref_slice %arg2[%add3A_496] : memref<106496xi32, #tpu.memory_space<hbm>> -> memref<128xi32, #tpu.memory_space<hbm>>
      tpu.wait_dma2 semaphore(%run_scoped3A : memref<!tpu.dma_semaphore, #tpu.memory_space<semaphore_mem>>) src(%dma_wait3A_627 : memref<128xi32, #tpu.memory_space<hbm>>) dst(%arg8 : memref<128xi32, #tpu.memory_space<vmem>>)
      tpu.yield
    }) : () -> ()
    %dma_start3A_497 = arith.constant 0 : i32
    %dma_start3A_498 = arith.constant 0 : i32
    %dma_start3A_499 = tpu.memref_slice %arg3[%dma_start3A_497, %dma_start3A_498] : memref<1000000x64xf32, #tpu.memory_space<hbm>> -> memref<1000000x64xf32, #tpu.memory_space<hbm>>
    tpu.enqueue_indirect_dma source(%dma_start3A_499 : memref<1000000x64xf32, #tpu.memory_space<hbm>>) target(%arg12 : memref<128x64xf32, #tpu.memory_space<vmem>>) offsets(%arg8 : memref<128xi32, #tpu.memory_space<vmem>>) semaphore(%arg16 : memref<!tpu.dma_semaphore, #tpu.memory_space<semaphore_mem>>)
    %dma_wait3A_500 = arith.constant 0 : i32
    %dma_wait3A_501 = arith.constant 0 : i32
    %dma_wait3A_502 = tpu.memref_slice %arg3[%dma_wait3A_500, %dma_wait3A_501] : memref<1000000x64xf32, #tpu.memory_space<hbm>> -> memref<1000000x64xf32, #tpu.memory_space<hbm>>
    tpu.wait_indirect_dma semaphore(%arg13 : memref<!tpu.dma_semaphore, #tpu.memory_space<semaphore_mem>>) src(%dma_wait3A_502 : memref<1000000x64xf32, #tpu.memory_space<hbm>>) dst(%arg9 : memref<128x64xf32, #tpu.memory_space<vmem>>)
    %scan3A_503 = arith.constant 0 : i32
    %scan3A_504 = arith.constant 0 : i32
    %scan3A_505 = arith.constant 8 : i32
    %scan3A_506 = arith.addi %scan3A_504, %scan3A_505 : i32
    %scan3A_507 = arith.constant 1 : i32
    scf.for %scan3A_624 = %scan3A_504 to %scan3A_506 step %scan3A_507  : i32 {
      %mul3A_625 = arith.constant 16 : i32
      %mul3A_626 = arith.muli %scan3A_624, %mul3A_625 : i32
      %get3A = arith.index_cast %mul3A_626 : i32 to index
      %get3A_627 = tpu.vector_load %arg5[%get3A] {strides = array<i32>} : memref<128xi32, #tpu.memory_space<vmem>>, vector<16xi32>,
      %eq3A = arith.constant 0 : i32
      %eq3A_628 = vector.broadcast %eq3A : i32 to vector<16xi32>
      %eq3A_629 = arith.cmpi eq, %get3A_627, %eq3A_628 : vector<16xi32>
      %all_reduce_population_count3A = tpu.all_reduce %eq3A_629 {dim = 0 : i64, kind = #tpu.reduction_kind<sum>} : vector<16xi1> -> vector<16xi32>
      %reduce_max3A = arith.constant true
      %reduce_max3A_630 = vector.broadcast %reduce_max3A : i1 to vector<16xi1>
      %reduce_max3A_631 = arith.constant -2147483648 : i32
      %reduce_max3A_632 = vector.broadcast %reduce_max3A_631 : i32 to vector<16xi32>
      %reduce_max3A_633 = arith.xori %all_reduce_population_count3A, %reduce_max3A_632 : vector<16xi32>
      %reduce_max3A_634 = tpu.scan <max>, %reduce_max3A_633 masked %reduce_max3A_630 : vector<16xi32>, vector<16xi1> -> vector<16xi32>
      %reduce_max3A_635 = arith.xori %reduce_max3A_634, %reduce_max3A_632 : vector<16xi32>
      %reduce_max3A_636 = vector.extract %reduce_max3A_635[15] : i32 from vector<16xi32>
      %gt3A = arith.constant 0 : i32
      %gt3A_637 = arith.cmpi sgt, %reduce_max3A_636, %gt3A : i32
      %convert_element_type3A = arith.extui %gt3A_637 : i1 to i32
      %cond3A = arith.constant 0 : i32
      %cond3A_638 = arith.cmpi ne, %convert_element_type3A, %cond3A : i32
      scf.if %cond3A_638 {
        %mul3A_639 = arith.constant 16 : i32
        %mul3A_640 = arith.muli %scan3A_624, %mul3A_639 : i32
        %iota3A = tpu.iota {dimensions = array<i32: 0>} : vector<16xi32>
        %add3A_641 = vector.broadcast %mul3A_640 : i32 to vector<16xi32>
        %add3A_642 = arith.addi %add3A_641, %iota3A : vector<16xi32>
        %broadcast_in_dim3A = arith.constant 0.000000e+00 : f32
        %broadcast_in_dim3A_643 = vector.broadcast %broadcast_in_dim3A : f32 to vector<16xf32>
        %scan3A_644 = arith.constant 0 : i32
        %scan3A_645 = arith.constant 0 : i32
        %scan3A_646 = arith.constant 64 : i32
        %scan3A_647 = arith.addi %scan3A_645, %scan3A_646 : i32
        %scan3A_648 = arith.constant 1 : i32
        scf.for %scan3A_650 = %scan3A_645 to %scan3A_647 step %scan3A_648  : i32 {
          %broadcast_in_dim3A_651 = vector.broadcast %scan3A_650 : i32 to vector<16xi32>
          tpu.vector_store_idx %arg9[%add3A_642, %broadcast_in_dim3A_651], %broadcast_in_dim3A_643 masked %eq3A_629 : memref<128x64xf32, #tpu.memory_space<vmem>>[vector<16xi32>, vector<16xi32>], vector<16xf32>, vector<16xi1>
        }
        %scan3A_649 = arith.constant 64 : i32
      } else {
      }
    }
    %scan3A_508 = arith.constant 8 : i32
    %add3A_509 = arith.constant 2560 : i32
    %add3A_510 = arith.addi %mul3A_2, %add3A_509 : i32
    %dma_start3A_511 = arith.constant 0 : i32
    %dma_start3A_512 = tpu.memref_slice %arg4[%add3A_510, %dma_start3A_511] : memref<106496x64xf32, #tpu.memory_space<hbm>> -> memref<128x64xf32, #tpu.memory_space<hbm>>
    %dma_start3A_513 = arith.constant 0 : i32
    %dma_start3A_514 = tpu.memref_slice %arg4[%add3A_510, %dma_start3A_513] : memref<106496x64xf32, #tpu.memory_space<hbm>> -> memref<128x64xf32, #tpu.memory_space<hbm>>
    tpu.enqueue_dma source(%arg9 : memref<128x64xf32, #tpu.memory_space<vmem>>) target(%dma_start3A_514 : memref<128x64xf32, #tpu.memory_space<hbm>>) target_semaphore(%arg17 : memref<!tpu.dma_semaphore, #tpu.memory_space<semaphore_mem>>)
    %dma_wait3A_515 = arith.constant 0 : i32
    %dma_wait3A_516 = tpu.memref_slice %arg4[%add3A_510, %dma_wait3A_515] : memref<106496x64xf32, #tpu.memory_space<hbm>> -> memref<128x64xf32, #tpu.memory_space<hbm>>
    %dma_wait3A_517 = arith.constant 0 : i32
    %dma_wait3A_518 = tpu.memref_slice %arg4[%add3A_510, %dma_wait3A_517] : memref<106496x64xf32, #tpu.memory_space<hbm>> -> memref<128x64xf32, #tpu.memory_space<hbm>>
    tpu.wait_dma2 semaphore(%arg17 : memref<!tpu.dma_semaphore, #tpu.memory_space<semaphore_mem>>) src(%arg9 : memref<128x64xf32, #tpu.memory_space<vmem>>) dst(%dma_wait3A_518 : memref<128x64xf32, #tpu.memory_space<hbm>>)
    %add3A_519 = arith.constant 3072 : i32
    %add3A_520 = arith.addi %mul3A_2, %add3A_519 : i32
    "tpu.region"() ({
      %run_scoped3A = tpu.sem_alloc : memref<!tpu.dma_semaphore, #tpu.memory_space<semaphore_mem>>
      %dma_start3A_624 = tpu.memref_slice %arg2[%add3A_520] : memref<106496xi32, #tpu.memory_space<hbm>> -> memref<128xi32, #tpu.memory_space<hbm>>
      %dma_start3A_625 = tpu.memref_slice %arg2[%add3A_520] : memref<106496xi32, #tpu.memory_space<hbm>> -> memref<128xi32, #tpu.memory_space<hbm>>
      tpu.enqueue_dma source(%dma_start3A_625 : memref<128xi32, #tpu.memory_space<hbm>>) target(%arg5 : memref<128xi32, #tpu.memory_space<vmem>>) target_semaphore(%run_scoped3A : memref<!tpu.dma_semaphore, #tpu.memory_space<semaphore_mem>>)
      %dma_wait3A_626 = tpu.memref_slice %arg2[%add3A_520] : memref<106496xi32, #tpu.memory_space<hbm>> -> memref<128xi32, #tpu.memory_space<hbm>>
      %dma_wait3A_627 = tpu.memref_slice %arg2[%add3A_520] : memref<106496xi32, #tpu.memory_space<hbm>> -> memref<128xi32, #tpu.memory_space<hbm>>
      tpu.wait_dma2 semaphore(%run_scoped3A : memref<!tpu.dma_semaphore, #tpu.memory_space<semaphore_mem>>) src(%dma_wait3A_627 : memref<128xi32, #tpu.memory_space<hbm>>) dst(%arg5 : memref<128xi32, #tpu.memory_space<vmem>>)
      tpu.yield
    }) : () -> ()
    %dma_start3A_521 = arith.constant 0 : i32
    %dma_start3A_522 = arith.constant 0 : i32
    %dma_start3A_523 = tpu.memref_slice %arg3[%dma_start3A_521, %dma_start3A_522] : memref<1000000x64xf32, #tpu.memory_space<hbm>> -> memref<1000000x64xf32, #tpu.memory_space<hbm>>
    tpu.enqueue_indirect_dma source(%dma_start3A_523 : memref<1000000x64xf32, #tpu.memory_space<hbm>>) target(%arg9 : memref<128x64xf32, #tpu.memory_space<vmem>>) offsets(%arg5 : memref<128xi32, #tpu.memory_space<vmem>>) semaphore(%arg13 : memref<!tpu.dma_semaphore, #tpu.memory_space<semaphore_mem>>)
    %dma_wait3A_524 = arith.constant 0 : i32
    %dma_wait3A_525 = arith.constant 0 : i32
    %dma_wait3A_526 = tpu.memref_slice %arg3[%dma_wait3A_524, %dma_wait3A_525] : memref<1000000x64xf32, #tpu.memory_space<hbm>> -> memref<1000000x64xf32, #tpu.memory_space<hbm>>
    tpu.wait_indirect_dma semaphore(%arg14 : memref<!tpu.dma_semaphore, #tpu.memory_space<semaphore_mem>>) src(%dma_wait3A_526 : memref<1000000x64xf32, #tpu.memory_space<hbm>>) dst(%arg10 : memref<128x64xf32, #tpu.memory_space<vmem>>)
    %scan3A_527 = arith.constant 0 : i32
    %scan3A_528 = arith.constant 0 : i32
    %scan3A_529 = arith.constant 8 : i32
    %scan3A_530 = arith.addi %scan3A_528, %scan3A_529 : i32
    %scan3A_531 = arith.constant 1 : i32
    scf.for %scan3A_624 = %scan3A_528 to %scan3A_530 step %scan3A_531  : i32 {
      %mul3A_625 = arith.constant 16 : i32
      %mul3A_626 = arith.muli %scan3A_624, %mul3A_625 : i32
      %get3A = arith.index_cast %mul3A_626 : i32 to index
      %get3A_627 = tpu.vector_load %arg6[%get3A] {strides = array<i32>} : memref<128xi32, #tpu.memory_space<vmem>>, vector<16xi32>,
      %eq3A = arith.constant 0 : i32
      %eq3A_628 = vector.broadcast %eq3A : i32 to vector<16xi32>
      %eq3A_629 = arith.cmpi eq, %get3A_627, %eq3A_628 : vector<16xi32>
      %all_reduce_population_count3A = tpu.all_reduce %eq3A_629 {dim = 0 : i64, kind = #tpu.reduction_kind<sum>} : vector<16xi1> -> vector<16xi32>
      %reduce_max3A = arith.constant true
      %reduce_max3A_630 = vector.broadcast %reduce_max3A : i1 to vector<16xi1>
      %reduce_max3A_631 = arith.constant -2147483648 : i32
      %reduce_max3A_632 = vector.broadcast %reduce_max3A_631 : i32 to vector<16xi32>
      %reduce_max3A_633 = arith.xori %all_reduce_population_count3A, %reduce_max3A_632 : vector<16xi32>
      %reduce_max3A_634 = tpu.scan <max>, %reduce_max3A_633 masked %reduce_max3A_630 : vector<16xi32>, vector<16xi1> -> vector<16xi32>
      %reduce_max3A_635 = arith.xori %reduce_max3A_634, %reduce_max3A_632 : vector<16xi32>
      %reduce_max3A_636 = vector.extract %reduce_max3A_635[15] : i32 from vector<16xi32>
      %gt3A = arith.constant 0 : i32
      %gt3A_637 = arith.cmpi sgt, %reduce_max3A_636, %gt3A : i32
      %convert_element_type3A = arith.extui %gt3A_637 : i1 to i32
      %cond3A = arith.constant 0 : i32
      %cond3A_638 = arith.cmpi ne, %convert_element_type3A, %cond3A : i32
      scf.if %cond3A_638 {
        %mul3A_639 = arith.constant 16 : i32
        %mul3A_640 = arith.muli %scan3A_624, %mul3A_639 : i32
        %iota3A = tpu.iota {dimensions = array<i32: 0>} : vector<16xi32>
        %add3A_641 = vector.broadcast %mul3A_640 : i32 to vector<16xi32>
        %add3A_642 = arith.addi %add3A_641, %iota3A : vector<16xi32>
        %broadcast_in_dim3A = arith.constant 0.000000e+00 : f32
        %broadcast_in_dim3A_643 = vector.broadcast %broadcast_in_dim3A : f32 to vector<16xf32>
        %scan3A_644 = arith.constant 0 : i32
        %scan3A_645 = arith.constant 0 : i32
        %scan3A_646 = arith.constant 64 : i32
        %scan3A_647 = arith.addi %scan3A_645, %scan3A_646 : i32
        %scan3A_648 = arith.constant 1 : i32
        scf.for %scan3A_650 = %scan3A_645 to %scan3A_647 step %scan3A_648  : i32 {
          %broadcast_in_dim3A_651 = vector.broadcast %scan3A_650 : i32 to vector<16xi32>
          tpu.vector_store_idx %arg10[%add3A_642, %broadcast_in_dim3A_651], %broadcast_in_dim3A_643 masked %eq3A_629 : memref<128x64xf32, #tpu.memory_space<vmem>>[vector<16xi32>, vector<16xi32>], vector<16xf32>, vector<16xi1>
        }
        %scan3A_649 = arith.constant 64 : i32
      } else {
      }
    }
    %scan3A_532 = arith.constant 8 : i32
    %add3A_533 = arith.constant 2688 : i32
    %add3A_534 = arith.addi %mul3A_2, %add3A_533 : i32
    %dma_start3A_535 = arith.constant 0 : i32
    %dma_start3A_536 = tpu.memref_slice %arg4[%add3A_534, %dma_start3A_535] : memref<106496x64xf32, #tpu.memory_space<hbm>> -> memref<128x64xf32, #tpu.memory_space<hbm>>
    %dma_start3A_537 = arith.constant 0 : i32
    %dma_start3A_538 = tpu.memref_slice %arg4[%add3A_534, %dma_start3A_537] : memref<106496x64xf32, #tpu.memory_space<hbm>> -> memref<128x64xf32, #tpu.memory_space<hbm>>
    tpu.enqueue_dma source(%arg10 : memref<128x64xf32, #tpu.memory_space<vmem>>) target(%dma_start3A_538 : memref<128x64xf32, #tpu.memory_space<hbm>>) target_semaphore(%arg18 : memref<!tpu.dma_semaphore, #tpu.memory_space<semaphore_mem>>)
    %dma_wait3A_539 = arith.constant 0 : i32
    %dma_wait3A_540 = tpu.memref_slice %arg4[%add3A_534, %dma_wait3A_539] : memref<106496x64xf32, #tpu.memory_space<hbm>> -> memref<128x64xf32, #tpu.memory_space<hbm>>
    %dma_wait3A_541 = arith.constant 0 : i32
    %dma_wait3A_542 = tpu.memref_slice %arg4[%add3A_534, %dma_wait3A_541] : memref<106496x64xf32, #tpu.memory_space<hbm>> -> memref<128x64xf32, #tpu.memory_space<hbm>>
    tpu.wait_dma2 semaphore(%arg18 : memref<!tpu.dma_semaphore, #tpu.memory_space<semaphore_mem>>) src(%arg10 : memref<128x64xf32, #tpu.memory_space<vmem>>) dst(%dma_wait3A_542 : memref<128x64xf32, #tpu.memory_space<hbm>>)
    %add3A_543 = arith.constant 3200 : i32
    %add3A_544 = arith.addi %mul3A_2, %add3A_543 : i32
    "tpu.region"() ({
      %run_scoped3A = tpu.sem_alloc : memref<!tpu.dma_semaphore, #tpu.memory_space<semaphore_mem>>
      %dma_start3A_624 = tpu.memref_slice %arg2[%add3A_544] : memref<106496xi32, #tpu.memory_space<hbm>> -> memref<128xi32, #tpu.memory_space<hbm>>
      %dma_start3A_625 = tpu.memref_slice %arg2[%add3A_544] : memref<106496xi32, #tpu.memory_space<hbm>> -> memref<128xi32, #tpu.memory_space<hbm>>
      tpu.enqueue_dma source(%dma_start3A_625 : memref<128xi32, #tpu.memory_space<hbm>>) target(%arg6 : memref<128xi32, #tpu.memory_space<vmem>>) target_semaphore(%run_scoped3A : memref<!tpu.dma_semaphore, #tpu.memory_space<semaphore_mem>>)
      %dma_wait3A_626 = tpu.memref_slice %arg2[%add3A_544] : memref<106496xi32, #tpu.memory_space<hbm>> -> memref<128xi32, #tpu.memory_space<hbm>>
      %dma_wait3A_627 = tpu.memref_slice %arg2[%add3A_544] : memref<106496xi32, #tpu.memory_space<hbm>> -> memref<128xi32, #tpu.memory_space<hbm>>
      tpu.wait_dma2 semaphore(%run_scoped3A : memref<!tpu.dma_semaphore, #tpu.memory_space<semaphore_mem>>) src(%dma_wait3A_627 : memref<128xi32, #tpu.memory_space<hbm>>) dst(%arg6 : memref<128xi32, #tpu.memory_space<vmem>>)
      tpu.yield
    }) : () -> ()
    %dma_start3A_545 = arith.constant 0 : i32
    %dma_start3A_546 = arith.constant 0 : i32
    %dma_start3A_547 = tpu.memref_slice %arg3[%dma_start3A_545, %dma_start3A_546] : memref<1000000x64xf32, #tpu.memory_space<hbm>> -> memref<1000000x64xf32, #tpu.memory_space<hbm>>
    tpu.enqueue_indirect_dma source(%dma_start3A_547 : memref<1000000x64xf32, #tpu.memory_space<hbm>>) target(%arg10 : memref<128x64xf32, #tpu.memory_space<vmem>>) offsets(%arg6 : memref<128xi32, #tpu.memory_space<vmem>>) semaphore(%arg14 : memref<!tpu.dma_semaphore, #tpu.memory_space<semaphore_mem>>)
    %dma_wait3A_548 = arith.constant 0 : i32
    %dma_wait3A_549 = arith.constant 0 : i32
    %dma_wait3A_550 = tpu.memref_slice %arg3[%dma_wait3A_548, %dma_wait3A_549] : memref<1000000x64xf32, #tpu.memory_space<hbm>> -> memref<1000000x64xf32, #tpu.memory_space<hbm>>
    tpu.wait_indirect_dma semaphore(%arg15 : memref<!tpu.dma_semaphore, #tpu.memory_space<semaphore_mem>>) src(%dma_wait3A_550 : memref<1000000x64xf32, #tpu.memory_space<hbm>>) dst(%arg11 : memref<128x64xf32, #tpu.memory_space<vmem>>)
    %scan3A_551 = arith.constant 0 : i32
    %scan3A_552 = arith.constant 0 : i32
    %scan3A_553 = arith.constant 8 : i32
    %scan3A_554 = arith.addi %scan3A_552, %scan3A_553 : i32
    %scan3A_555 = arith.constant 1 : i32
    scf.for %scan3A_624 = %scan3A_552 to %scan3A_554 step %scan3A_555  : i32 {
      %mul3A_625 = arith.constant 16 : i32
      %mul3A_626 = arith.muli %scan3A_624, %mul3A_625 : i32
      %get3A = arith.index_cast %mul3A_626 : i32 to index
      %get3A_627 = tpu.vector_load %arg7[%get3A] {strides = array<i32>} : memref<128xi32, #tpu.memory_space<vmem>>, vector<16xi32>,
      %eq3A = arith.constant 0 : i32
      %eq3A_628 = vector.broadcast %eq3A : i32 to vector<16xi32>
      %eq3A_629 = arith.cmpi eq, %get3A_627, %eq3A_628 : vector<16xi32>
      %all_reduce_population_count3A = tpu.all_reduce %eq3A_629 {dim = 0 : i64, kind = #tpu.reduction_kind<sum>} : vector<16xi1> -> vector<16xi32>
      %reduce_max3A = arith.constant true
      %reduce_max3A_630 = vector.broadcast %reduce_max3A : i1 to vector<16xi1>
      %reduce_max3A_631 = arith.constant -2147483648 : i32
      %reduce_max3A_632 = vector.broadcast %reduce_max3A_631 : i32 to vector<16xi32>
      %reduce_max3A_633 = arith.xori %all_reduce_population_count3A, %reduce_max3A_632 : vector<16xi32>
      %reduce_max3A_634 = tpu.scan <max>, %reduce_max3A_633 masked %reduce_max3A_630 : vector<16xi32>, vector<16xi1> -> vector<16xi32>
      %reduce_max3A_635 = arith.xori %reduce_max3A_634, %reduce_max3A_632 : vector<16xi32>
      %reduce_max3A_636 = vector.extract %reduce_max3A_635[15] : i32 from vector<16xi32>
      %gt3A = arith.constant 0 : i32
      %gt3A_637 = arith.cmpi sgt, %reduce_max3A_636, %gt3A : i32
      %convert_element_type3A = arith.extui %gt3A_637 : i1 to i32
      %cond3A = arith.constant 0 : i32
      %cond3A_638 = arith.cmpi ne, %convert_element_type3A, %cond3A : i32
      scf.if %cond3A_638 {
        %mul3A_639 = arith.constant 16 : i32
        %mul3A_640 = arith.muli %scan3A_624, %mul3A_639 : i32
        %iota3A = tpu.iota {dimensions = array<i32: 0>} : vector<16xi32>
        %add3A_641 = vector.broadcast %mul3A_640 : i32 to vector<16xi32>
        %add3A_642 = arith.addi %add3A_641, %iota3A : vector<16xi32>
        %broadcast_in_dim3A = arith.constant 0.000000e+00 : f32
        %broadcast_in_dim3A_643 = vector.broadcast %broadcast_in_dim3A : f32 to vector<16xf32>
        %scan3A_644 = arith.constant 0 : i32
        %scan3A_645 = arith.constant 0 : i32
        %scan3A_646 = arith.constant 64 : i32
        %scan3A_647 = arith.addi %scan3A_645, %scan3A_646 : i32
        %scan3A_648 = arith.constant 1 : i32
        scf.for %scan3A_650 = %scan3A_645 to %scan3A_647 step %scan3A_648  : i32 {
          %broadcast_in_dim3A_651 = vector.broadcast %scan3A_650 : i32 to vector<16xi32>
          tpu.vector_store_idx %arg11[%add3A_642, %broadcast_in_dim3A_651], %broadcast_in_dim3A_643 masked %eq3A_629 : memref<128x64xf32, #tpu.memory_space<vmem>>[vector<16xi32>, vector<16xi32>], vector<16xf32>, vector<16xi1>
        }
        %scan3A_649 = arith.constant 64 : i32
      } else {
      }
    }
    %scan3A_556 = arith.constant 8 : i32
    %add3A_557 = arith.constant 2816 : i32
    %add3A_558 = arith.addi %mul3A_2, %add3A_557 : i32
    %dma_start3A_559 = arith.constant 0 : i32
    %dma_start3A_560 = tpu.memref_slice %arg4[%add3A_558, %dma_start3A_559] : memref<106496x64xf32, #tpu.memory_space<hbm>> -> memref<128x64xf32, #tpu.memory_space<hbm>>
    %dma_start3A_561 = arith.constant 0 : i32
    %dma_start3A_562 = tpu.memref_slice %arg4[%add3A_558, %dma_start3A_561] : memref<106496x64xf32, #tpu.memory_space<hbm>> -> memref<128x64xf32, #tpu.memory_space<hbm>>
    tpu.enqueue_dma source(%arg11 : memref<128x64xf32, #tpu.memory_space<vmem>>) target(%dma_start3A_562 : memref<128x64xf32, #tpu.memory_space<hbm>>) target_semaphore(%arg19 : memref<!tpu.dma_semaphore, #tpu.memory_space<semaphore_mem>>)
    %dma_wait3A_563 = arith.constant 0 : i32
    %dma_wait3A_564 = tpu.memref_slice %arg4[%add3A_558, %dma_wait3A_563] : memref<106496x64xf32, #tpu.memory_space<hbm>> -> memref<128x64xf32, #tpu.memory_space<hbm>>
    %dma_wait3A_565 = arith.constant 0 : i32
    %dma_wait3A_566 = tpu.memref_slice %arg4[%add3A_558, %dma_wait3A_565] : memref<106496x64xf32, #tpu.memory_space<hbm>> -> memref<128x64xf32, #tpu.memory_space<hbm>>
    tpu.wait_dma2 semaphore(%arg19 : memref<!tpu.dma_semaphore, #tpu.memory_space<semaphore_mem>>) src(%arg11 : memref<128x64xf32, #tpu.memory_space<vmem>>) dst(%dma_wait3A_566 : memref<128x64xf32, #tpu.memory_space<hbm>>)
    %dma_wait3A_567 = arith.constant 0 : i32
    %dma_wait3A_568 = arith.constant 0 : i32
    %dma_wait3A_569 = tpu.memref_slice %arg3[%dma_wait3A_567, %dma_wait3A_568] : memref<1000000x64xf32, #tpu.memory_space<hbm>> -> memref<1000000x64xf32, #tpu.memory_space<hbm>>
    tpu.wait_indirect_dma semaphore(%arg16 : memref<!tpu.dma_semaphore, #tpu.memory_space<semaphore_mem>>) src(%dma_wait3A_569 : memref<1000000x64xf32, #tpu.memory_space<hbm>>) dst(%arg12 : memref<128x64xf32, #tpu.memory_space<vmem>>)
    %scan3A_570 = arith.constant 0 : i32
    %scan3A_571 = arith.constant 0 : i32
    %scan3A_572 = arith.constant 8 : i32
    %scan3A_573 = arith.addi %scan3A_571, %scan3A_572 : i32
    %scan3A_574 = arith.constant 1 : i32
    scf.for %scan3A_624 = %scan3A_571 to %scan3A_573 step %scan3A_574  : i32 {
      %mul3A_625 = arith.constant 16 : i32
      %mul3A_626 = arith.muli %scan3A_624, %mul3A_625 : i32
      %get3A = arith.index_cast %mul3A_626 : i32 to index
      %get3A_627 = tpu.vector_load %arg8[%get3A] {strides = array<i32>} : memref<128xi32, #tpu.memory_space<vmem>>, vector<16xi32>,
      %eq3A = arith.constant 0 : i32
      %eq3A_628 = vector.broadcast %eq3A : i32 to vector<16xi32>
      %eq3A_629 = arith.cmpi eq, %get3A_627, %eq3A_628 : vector<16xi32>
      %all_reduce_population_count3A = tpu.all_reduce %eq3A_629 {dim = 0 : i64, kind = #tpu.reduction_kind<sum>} : vector<16xi1> -> vector<16xi32>
      %reduce_max3A = arith.constant true
      %reduce_max3A_630 = vector.broadcast %reduce_max3A : i1 to vector<16xi1>
      %reduce_max3A_631 = arith.constant -2147483648 : i32
      %reduce_max3A_632 = vector.broadcast %reduce_max3A_631 : i32 to vector<16xi32>
      %reduce_max3A_633 = arith.xori %all_reduce_population_count3A, %reduce_max3A_632 : vector<16xi32>
      %reduce_max3A_634 = tpu.scan <max>, %reduce_max3A_633 masked %reduce_max3A_630 : vector<16xi32>, vector<16xi1> -> vector<16xi32>
      %reduce_max3A_635 = arith.xori %reduce_max3A_634, %reduce_max3A_632 : vector<16xi32>
      %reduce_max3A_636 = vector.extract %reduce_max3A_635[15] : i32 from vector<16xi32>
      %gt3A = arith.constant 0 : i32
      %gt3A_637 = arith.cmpi sgt, %reduce_max3A_636, %gt3A : i32
      %convert_element_type3A = arith.extui %gt3A_637 : i1 to i32
      %cond3A = arith.constant 0 : i32
      %cond3A_638 = arith.cmpi ne, %convert_element_type3A, %cond3A : i32
      scf.if %cond3A_638 {
        %mul3A_639 = arith.constant 16 : i32
        %mul3A_640 = arith.muli %scan3A_624, %mul3A_639 : i32
        %iota3A = tpu.iota {dimensions = array<i32: 0>} : vector<16xi32>
        %add3A_641 = vector.broadcast %mul3A_640 : i32 to vector<16xi32>
        %add3A_642 = arith.addi %add3A_641, %iota3A : vector<16xi32>
        %broadcast_in_dim3A = arith.constant 0.000000e+00 : f32
        %broadcast_in_dim3A_643 = vector.broadcast %broadcast_in_dim3A : f32 to vector<16xf32>
        %scan3A_644 = arith.constant 0 : i32
        %scan3A_645 = arith.constant 0 : i32
        %scan3A_646 = arith.constant 64 : i32
        %scan3A_647 = arith.addi %scan3A_645, %scan3A_646 : i32
        %scan3A_648 = arith.constant 1 : i32
        scf.for %scan3A_650 = %scan3A_645 to %scan3A_647 step %scan3A_648  : i32 {
          %broadcast_in_dim3A_651 = vector.broadcast %scan3A_650 : i32 to vector<16xi32>
          tpu.vector_store_idx %arg12[%add3A_642, %broadcast_in_dim3A_651], %broadcast_in_dim3A_643 masked %eq3A_629 : memref<128x64xf32, #tpu.memory_space<vmem>>[vector<16xi32>, vector<16xi32>], vector<16xf32>, vector<16xi1>
        }
        %scan3A_649 = arith.constant 64 : i32
      } else {
      }
    }
    %scan3A_575 = arith.constant 8 : i32
    %add3A_576 = arith.constant 2944 : i32
    %add3A_577 = arith.addi %mul3A_2, %add3A_576 : i32
    %dma_start3A_578 = arith.constant 0 : i32
    %dma_start3A_579 = tpu.memref_slice %arg4[%add3A_577, %dma_start3A_578] : memref<106496x64xf32, #tpu.memory_space<hbm>> -> memref<128x64xf32, #tpu.memory_space<hbm>>
    %dma_start3A_580 = arith.constant 0 : i32
    %dma_start3A_581 = tpu.memref_slice %arg4[%add3A_577, %dma_start3A_580] : memref<106496x64xf32, #tpu.memory_space<hbm>> -> memref<128x64xf32, #tpu.memory_space<hbm>>
    tpu.enqueue_dma source(%arg12 : memref<128x64xf32, #tpu.memory_space<vmem>>) target(%dma_start3A_581 : memref<128x64xf32, #tpu.memory_space<hbm>>) target_semaphore(%arg20 : memref<!tpu.dma_semaphore, #tpu.memory_space<semaphore_mem>>)
    %dma_wait3A_582 = arith.constant 0 : i32
    %dma_wait3A_583 = tpu.memref_slice %arg4[%add3A_577, %dma_wait3A_582] : memref<106496x64xf32, #tpu.memory_space<hbm>> -> memref<128x64xf32, #tpu.memory_space<hbm>>
    %dma_wait3A_584 = arith.constant 0 : i32
    %dma_wait3A_585 = tpu.memref_slice %arg4[%add3A_577, %dma_wait3A_584] : memref<106496x64xf32, #tpu.memory_space<hbm>> -> memref<128x64xf32, #tpu.memory_space<hbm>>
    tpu.wait_dma2 semaphore(%arg20 : memref<!tpu.dma_semaphore, #tpu.memory_space<semaphore_mem>>) src(%arg12 : memref<128x64xf32, #tpu.memory_space<vmem>>) dst(%dma_wait3A_585 : memref<128x64xf32, #tpu.memory_space<hbm>>)
    %dma_wait3A_586 = arith.constant 0 : i32
    %dma_wait3A_587 = arith.constant 0 : i32
    %dma_wait3A_588 = tpu.memref_slice %arg3[%dma_wait3A_586, %dma_wait3A_587] : memref<1000000x64xf32, #tpu.memory_space<hbm>> -> memref<1000000x64xf32, #tpu.memory_space<hbm>>
    tpu.wait_indirect_dma semaphore(%arg13 : memref<!tpu.dma_semaphore, #tpu.memory_space<semaphore_mem>>) src(%dma_wait3A_588 : memref<1000000x64xf32, #tpu.memory_space<hbm>>) dst(%arg9 : memref<128x64xf32, #tpu.memory_space<vmem>>)
    %scan3A_589 = arith.constant 0 : i32
    %scan3A_590 = arith.constant 0 : i32
    %scan3A_591 = arith.constant 8 : i32
    %scan3A_592 = arith.addi %scan3A_590, %scan3A_591 : i32
    %scan3A_593 = arith.constant 1 : i32
    scf.for %scan3A_624 = %scan3A_590 to %scan3A_592 step %scan3A_593  : i32 {
      %mul3A_625 = arith.constant 16 : i32
      %mul3A_626 = arith.muli %scan3A_624, %mul3A_625 : i32
      %get3A = arith.index_cast %mul3A_626 : i32 to index
      %get3A_627 = tpu.vector_load %arg5[%get3A] {strides = array<i32>} : memref<128xi32, #tpu.memory_space<vmem>>, vector<16xi32>,
      %eq3A = arith.constant 0 : i32
      %eq3A_628 = vector.broadcast %eq3A : i32 to vector<16xi32>
      %eq3A_629 = arith.cmpi eq, %get3A_627, %eq3A_628 : vector<16xi32>
      %all_reduce_population_count3A = tpu.all_reduce %eq3A_629 {dim = 0 : i64, kind = #tpu.reduction_kind<sum>} : vector<16xi1> -> vector<16xi32>
      %reduce_max3A = arith.constant true
      %reduce_max3A_630 = vector.broadcast %reduce_max3A : i1 to vector<16xi1>
      %reduce_max3A_631 = arith.constant -2147483648 : i32
      %reduce_max3A_632 = vector.broadcast %reduce_max3A_631 : i32 to vector<16xi32>
      %reduce_max3A_633 = arith.xori %all_reduce_population_count3A, %reduce_max3A_632 : vector<16xi32>
      %reduce_max3A_634 = tpu.scan <max>, %reduce_max3A_633 masked %reduce_max3A_630 : vector<16xi32>, vector<16xi1> -> vector<16xi32>
      %reduce_max3A_635 = arith.xori %reduce_max3A_634, %reduce_max3A_632 : vector<16xi32>
      %reduce_max3A_636 = vector.extract %reduce_max3A_635[15] : i32 from vector<16xi32>
      %gt3A = arith.constant 0 : i32
      %gt3A_637 = arith.cmpi sgt, %reduce_max3A_636, %gt3A : i32
      %convert_element_type3A = arith.extui %gt3A_637 : i1 to i32
      %cond3A = arith.constant 0 : i32
      %cond3A_638 = arith.cmpi ne, %convert_element_type3A, %cond3A : i32
      scf.if %cond3A_638 {
        %mul3A_639 = arith.constant 16 : i32
        %mul3A_640 = arith.muli %scan3A_624, %mul3A_639 : i32
        %iota3A = tpu.iota {dimensions = array<i32: 0>} : vector<16xi32>
        %add3A_641 = vector.broadcast %mul3A_640 : i32 to vector<16xi32>
        %add3A_642 = arith.addi %add3A_641, %iota3A : vector<16xi32>
        %broadcast_in_dim3A = arith.constant 0.000000e+00 : f32
        %broadcast_in_dim3A_643 = vector.broadcast %broadcast_in_dim3A : f32 to vector<16xf32>
        %scan3A_644 = arith.constant 0 : i32
        %scan3A_645 = arith.constant 0 : i32
        %scan3A_646 = arith.constant 64 : i32
        %scan3A_647 = arith.addi %scan3A_645, %scan3A_646 : i32
        %scan3A_648 = arith.constant 1 : i32
        scf.for %scan3A_650 = %scan3A_645 to %scan3A_647 step %scan3A_648  : i32 {
          %broadcast_in_dim3A_651 = vector.broadcast %scan3A_650 : i32 to vector<16xi32>
          tpu.vector_store_idx %arg9[%add3A_642, %broadcast_in_dim3A_651], %broadcast_in_dim3A_643 masked %eq3A_629 : memref<128x64xf32, #tpu.memory_space<vmem>>[vector<16xi32>, vector<16xi32>], vector<16xf32>, vector<16xi1>
        }
        %scan3A_649 = arith.constant 64 : i32
      } else {
      }
    }
    %scan3A_594 = arith.constant 8 : i32
    %add3A_595 = arith.constant 3072 : i32
    %add3A_596 = arith.addi %mul3A_2, %add3A_595 : i32
    %dma_start3A_597 = arith.constant 0 : i32
    %dma_start3A_598 = tpu.memref_slice %arg4[%add3A_596, %dma_start3A_597] : memref<106496x64xf32, #tpu.memory_space<hbm>> -> memref<128x64xf32, #tpu.memory_space<hbm>>
    %dma_start3A_599 = arith.constant 0 : i32
    %dma_start3A_600 = tpu.memref_slice %arg4[%add3A_596, %dma_start3A_599] : memref<106496x64xf32, #tpu.memory_space<hbm>> -> memref<128x64xf32, #tpu.memory_space<hbm>>
    tpu.enqueue_dma source(%arg9 : memref<128x64xf32, #tpu.memory_space<vmem>>) target(%dma_start3A_600 : memref<128x64xf32, #tpu.memory_space<hbm>>) target_semaphore(%arg17 : memref<!tpu.dma_semaphore, #tpu.memory_space<semaphore_mem>>)
    %dma_wait3A_601 = arith.constant 0 : i32
    %dma_wait3A_602 = tpu.memref_slice %arg4[%add3A_596, %dma_wait3A_601] : memref<106496x64xf32, #tpu.memory_space<hbm>> -> memref<128x64xf32, #tpu.memory_space<hbm>>
    %dma_wait3A_603 = arith.constant 0 : i32
    %dma_wait3A_604 = tpu.memref_slice %arg4[%add3A_596, %dma_wait3A_603] : memref<106496x64xf32, #tpu.memory_space<hbm>> -> memref<128x64xf32, #tpu.memory_space<hbm>>
    tpu.wait_dma2 semaphore(%arg17 : memref<!tpu.dma_semaphore, #tpu.memory_space<semaphore_mem>>) src(%arg9 : memref<128x64xf32, #tpu.memory_space<vmem>>) dst(%dma_wait3A_604 : memref<128x64xf32, #tpu.memory_space<hbm>>)
    %dma_wait3A_605 = arith.constant 0 : i32
    %dma_wait3A_606 = arith.constant 0 : i32
    %dma_wait3A_607 = tpu.memref_slice %arg3[%dma_wait3A_605, %dma_wait3A_606] : memref<1000000x64xf32, #tpu.memory_space<hbm>> -> memref<1000000x64xf32, #tpu.memory_space<hbm>>
    tpu.wait_indirect_dma semaphore(%arg14 : memref<!tpu.dma_semaphore, #tpu.memory_space<semaphore_mem>>) src(%dma_wait3A_607 : memref<1000000x64xf32, #tpu.memory_space<hbm>>) dst(%arg10 : memref<128x64xf32, #tpu.memory_space<vmem>>)
    %scan3A_608 = arith.constant 0 : i32
    %scan3A_609 = arith.constant 0 : i32
    %scan3A_610 = arith.constant 8 : i32
    %scan3A_611 = arith.addi %scan3A_609, %scan3A_610 : i32
    %scan3A_612 = arith.constant 1 : i32
    scf.for %scan3A_624 = %scan3A_609 to %scan3A_611 step %scan3A_612  : i32 {
      %mul3A_625 = arith.constant 16 : i32
      %mul3A_626 = arith.muli %scan3A_624, %mul3A_625 : i32
      %get3A = arith.index_cast %mul3A_626 : i32 to index
      %get3A_627 = tpu.vector_load %arg6[%get3A] {strides = array<i32>} : memref<128xi32, #tpu.memory_space<vmem>>, vector<16xi32>,
      %eq3A = arith.constant 0 : i32
      %eq3A_628 = vector.broadcast %eq3A : i32 to vector<16xi32>
      %eq3A_629 = arith.cmpi eq, %get3A_627, %eq3A_628 : vector<16xi32>
      %all_reduce_population_count3A = tpu.all_reduce %eq3A_629 {dim = 0 : i64, kind = #tpu.reduction_kind<sum>} : vector<16xi1> -> vector<16xi32>
      %reduce_max3A = arith.constant true
      %reduce_max3A_630 = vector.broadcast %reduce_max3A : i1 to vector<16xi1>
      %reduce_max3A_631 = arith.constant -2147483648 : i32
      %reduce_max3A_632 = vector.broadcast %reduce_max3A_631 : i32 to vector<16xi32>
      %reduce_max3A_633 = arith.xori %all_reduce_population_count3A, %reduce_max3A_632 : vector<16xi32>
      %reduce_max3A_634 = tpu.scan <max>, %reduce_max3A_633 masked %reduce_max3A_630 : vector<16xi32>, vector<16xi1> -> vector<16xi32>
      %reduce_max3A_635 = arith.xori %reduce_max3A_634, %reduce_max3A_632 : vector<16xi32>
      %reduce_max3A_636 = vector.extract %reduce_max3A_635[15] : i32 from vector<16xi32>
      %gt3A = arith.constant 0 : i32
      %gt3A_637 = arith.cmpi sgt, %reduce_max3A_636, %gt3A : i32
      %convert_element_type3A = arith.extui %gt3A_637 : i1 to i32
      %cond3A = arith.constant 0 : i32
      %cond3A_638 = arith.cmpi ne, %convert_element_type3A, %cond3A : i32
      scf.if %cond3A_638 {
        %mul3A_639 = arith.constant 16 : i32
        %mul3A_640 = arith.muli %scan3A_624, %mul3A_639 : i32
        %iota3A = tpu.iota {dimensions = array<i32: 0>} : vector<16xi32>
        %add3A_641 = vector.broadcast %mul3A_640 : i32 to vector<16xi32>
        %add3A_642 = arith.addi %add3A_641, %iota3A : vector<16xi32>
        %broadcast_in_dim3A = arith.constant 0.000000e+00 : f32
        %broadcast_in_dim3A_643 = vector.broadcast %broadcast_in_dim3A : f32 to vector<16xf32>
        %scan3A_644 = arith.constant 0 : i32
        %scan3A_645 = arith.constant 0 : i32
        %scan3A_646 = arith.constant 64 : i32
        %scan3A_647 = arith.addi %scan3A_645, %scan3A_646 : i32
        %scan3A_648 = arith.constant 1 : i32
        scf.for %scan3A_650 = %scan3A_645 to %scan3A_647 step %scan3A_648  : i32 {
          %broadcast_in_dim3A_651 = vector.broadcast %scan3A_650 : i32 to vector<16xi32>
          tpu.vector_store_idx %arg10[%add3A_642, %broadcast_in_dim3A_651], %broadcast_in_dim3A_643 masked %eq3A_629 : memref<128x64xf32, #tpu.memory_space<vmem>>[vector<16xi32>, vector<16xi32>], vector<16xf32>, vector<16xi1>
        }
        %scan3A_649 = arith.constant 64 : i32
      } else {
      }
    }
    %scan3A_613 = arith.constant 8 : i32
    %add3A_614 = arith.constant 3200 : i32
    %add3A_615 = arith.addi %mul3A_2, %add3A_614 : i32
    %dma_start3A_616 = arith.constant 0 : i32
    %dma_start3A_617 = tpu.memref_slice %arg4[%add3A_615, %dma_start3A_616] : memref<106496x64xf32, #tpu.memory_space<hbm>> -> memref<128x64xf32, #tpu.memory_space<hbm>>
    %dma_start3A_618 = arith.constant 0 : i32
    %dma_start3A_619 = tpu.memref_slice %arg4[%add3A_615, %dma_start3A_618] : memref<106496x64xf32, #tpu.memory_space<hbm>> -> memref<128x64xf32, #tpu.memory_space<hbm>>
    tpu.enqueue_dma source(%arg10 : memref<128x64xf32, #tpu.memory_space<vmem>>) target(%dma_start3A_619 : memref<128x64xf32, #tpu.memory_space<hbm>>) target_semaphore(%arg18 : memref<!tpu.dma_semaphore, #tpu.memory_space<semaphore_mem>>)
    %dma_wait3A_620 = arith.constant 0 : i32
    %dma_wait3A_621 = tpu.memref_slice %arg4[%add3A_615, %dma_wait3A_620] : memref<106496x64xf32, #tpu.memory_space<hbm>> -> memref<128x64xf32, #tpu.memory_space<hbm>>
    %dma_wait3A_622 = arith.constant 0 : i32
    %dma_wait3A_623 = tpu.memref_slice %arg4[%add3A_615, %dma_wait3A_622] : memref<106496x64xf32, #tpu.memory_space<hbm>> -> memref<128x64xf32, #tpu.memory_space<hbm>>
    tpu.wait_dma2 semaphore(%arg18 : memref<!tpu.dma_semaphore, #tpu.memory_space<semaphore_mem>>) src(%arg10 : memref<128x64xf32, #tpu.memory_space<vmem>>) dst(%dma_wait3A_623 : memref<128x64xf32, #tpu.memory_space<hbm>>)
    return
  }
}

</mosaic_0001>

<sc_bundles>
// kernel: _lookup.3.cloned.1.call-start
scs
__scs_entry_jumppad:
0x0: {  	(pc) =	sbr.rel $0x88, $3  }
0x1: {  	(tag) =	ssettag $0x0;
	lr =	simm.s32 $0x1  }
0x2: {  	[smem:$0x3F9F] =	sst lr;
	_ =	strace $0xD0000000  }
0x3: {  	_ = 	snop  }
0x4: {  	_ = 	snop  }
0x5: {  	_ = 	snop  }
0x6: {  	_ = 	snop  }
0x7: {  	_ = 	snop  }
__scs_overlays_trampoline_lowered:
0x8: {  	[smem:$0x3FAE] =	sst s0  }
0x9: {  	[smem:$0x3FAF] =	sst s1  }
0xa: {  	[smem:$0x3FB0] =	sst s2  }
0xb: {  	[smem:$0x3FB1] =	sst s3  }
0xc: {  	[smem:$0x3FB2] =	sst s4  }
0xd: {  	[smem:$0x3FB3] =	sst s5  }
0xe: {  	[smem:$0x3FB4] =	sst s6  }
0xf: {  	[smem:$0x3FB5] =	sst s7  }
0x10: {  	[smem:$0x3FB6] =	sst s8  }
0x11: {  	[smem:$0x3FB7] =	sst s9;
	s0 =	simm.s32 @!p0 $0x0  }
0x12: {  	s1 =	sld [smem:$0x3F9D];
	s0 =	simm.s32 @p0 $0x1  }
0x13: {  	[smem:$0x3FB8] =	sst s0;
	s0 =	simm.s32 @!p1 $0x0  }
0x14: {  	s2 =	sld [smem:$0x3F9C];
	s0 =	simm.s32 @p1 $0x1  }
0x15: {  	[smem:$0x3FB9] =	sst s0;
	s0 =	simm.s32 @!p2 $0x0  }
0x16: {  	s3 =	sld [smem:$0x3FDB];
	s0 =	simm.s32 @p2 $0x1  }
0x17: {  	s4 =	simm.s32 $0x1BF5;
	[smem:$0x3FBB] =	sst s0  }
0x18: {  	s0 =	sld [smem:$0x3F9E];
	_ =	swait.ge [sflag:s4], $0x0  }
0x19: {  	s7 =	sld [smem:$0x3F9F]  }
0x1a: {  	s8 =	sadd.s32 $0xFFFFE003, lr  }
0x1b: {  	s9 =	sadd.s32 $0xFFFFFEF7, lr;
	s5 =	simm.s32 $0xFFFFFFFF;
	p2 =	slt.u32 s8, $0xFFFFF086  }
0x1c: {  	p1 =	slt.u32 s9, $0xF7A;
	s5 =	simm.s32 @!p2 $0x0  }
0x1d: {  	s5 =	simm.s32 @p1 $0x1;
	p0 =	seq.s32 s7, s2  }
0x1e: {  	s7 =	smul.u32 @!p0 $0xF7A, s2;
	p2 =	seq.s32 @!p0 s5, $0x0  }
0x1f: {  	s9 =	smul.u32 $0xF7A, s1;
	s8 =	simm.s32 @!p0 $0x1BF5;
	p2 =	por !p2, p0  }
0x20: {  	[sflag:s8] =	ssyncset.s32 @!p0 $0xFFFFF086;
	s6 =	sadd.s32 @!p0 s3, s7;
	s7 =	simm.s32 @!p0 $0x108  }
0x21: {  	s3 =	sadd.s32 s3, s9;
	s6 =	sadd.s32 @!p0 $0x88, s6;
	s7 =	simm.s32 @p2 $0x1082  }
0x22: {  	[simem:s7], [sflag:s8] =	dma.local @!p0 [hbm:s6], $0xF7A  }
0x23: {  	s9 =	sor.u32 $0xD0000000, s2;
	s6 =	simm.s32 $0x108;
	_ =	swait.ge @!p0 [sflag:s8], $0x0  }
0x24: {  	s3 =	sadd.s32 $0x88, s3;
	s6 =	simm.s32 @!p1 $0x1082;
	[sflag:s4] =	ssyncset.s32 $0xFFFFF086  }
0x25: {  	[simem:s6], [sflag:s4] =	dma.local [hbm:s3], $0xF7A  }
0x26: {  	[smem:$0x3F9F] =	sst s1;
	(tag) =	ssettag s2;
	_ =	strace s9  }
0x27: {  	s1 =	sld [smem:$0x3FAF]  }
0x28: {  	s2 =	sld [smem:$0x3FB0]  }
0x29: {  	s4 =	sld [smem:$0x3FB2]  }
0x2a: {  	p0 =	seq.s32 s5, $0x0;
	s5 =	sld [smem:$0x3FB3]  }
0x2b: {  	s6 =	sld [smem:$0x3FB4]  }
0x2c: {  	s7 =	sld [smem:$0x3FB5]  }
0x2d: {  	s3 =	simm.s32 $0x108;
	s8 =	sld [smem:$0x3FB6]  }
0x2e: {  	s3 =	simm.s32 @!p0 $0x1082;
	s9 =	sld [smem:$0x3FB7]  }
0x2f: {  	lr =	sadd.s32 s0, s3;
	s0 =	sld [smem:$0x3FAE]  }
0x30: {  	s3 =	sld [smem:$0x3FB1]  }
0x31: {  	[smem:$0x3FBA] =	sst s10  }
0x32: {  	s10 =	sld [smem:$0x3FB8];
	_ =	sdelay $0x3  }
0x33: {  	p0 =	seq.s32 s10, $0x1;
	s10 =	sld [smem:$0x3FBA];
	_ =	sdelay $0x3  }
0x34: {  	[smem:$0x3FBA] =	sst s10  }
0x35: {  	s10 =	sld [smem:$0x3FB9];
	_ =	sdelay $0x3  }
0x36: {  	p1 =	seq.s32 s10, $0x1;
	s10 =	sld [smem:$0x3FBA];
	_ =	sdelay $0x3  }
0x37: {  	[smem:$0x3FBA] =	sst s10  }
0x38: {  	s10 =	sld [smem:$0x3FBB]  }
0x39: {  	_ = 	snop;
	(pc) =	sbr.ind lr, $3  }
0x3a: {  	_ = 	snop  }
0x3b: {  	_ = 	snop  }
0x3c: {  	p2 =	seq.s32 s10, $0x1;
	s10 =	sld [smem:$0x3FBA]  }
0x3d: {  	_ =	shalt  }
0x3e: {  	_ =	shalt  }
0x3f: {  	_ =	shalt  }
0x40: {  	_ =	shalt  }
0x41: {  	_ =	shalt  }
0x42: {  	_ =	shalt  }
0x43: {  	_ =	shalt  }
0x44: {  	_ =	shalt  }
0x45: {  	_ =	shalt  }
0x46: {  	_ =	shalt  }
0x47: {  	_ =	shalt  }
0x48: {  	_ =	shalt  }
0x49: {  	_ =	shalt  }
0x4a: {  	_ =	shalt  }
0x4b: {  	_ =	shalt  }
0x4c: {  	_ =	shalt  }
0x4d: {  	_ =	shalt  }
0x4e: {  	_ =	shalt  }
0x4f: {  	_ =	shalt  }
0x50: {  	_ =	shalt  }
0x51: {  	_ =	shalt  }
0x52: {  	_ =	shalt  }
0x53: {  	_ =	shalt  }
0x54: {  	_ =	shalt  }
0x55: {  	_ =	shalt  }
0x56: {  	_ =	shalt  }
0x57: {  	_ =	shalt  }
0x58: {  	_ =	shalt  }
0x59: {  	_ =	shalt  }
0x5a: {  	_ =	shalt  }
0x5b: {  	_ =	shalt  }
0x5c: {  	_ =	shalt  }
0x5d: {  	_ =	shalt  }
0x5e: {  	_ =	shalt  }
0x5f: {  	_ =	shalt  }
0x60: {  	_ =	shalt  }
0x61: {  	_ =	shalt  }
0x62: {  	_ =	shalt  }
0x63: {  	_ =	shalt  }
0x64: {  	_ =	shalt  }
0x65: {  	_ =	shalt  }
0x66: {  	_ =	shalt  }
0x67: {  	_ =	shalt  }
0x68: {  	_ =	shalt  }
0x69: {  	_ =	shalt  }
0x6a: {  	_ =	shalt  }
0x6b: {  	_ =	shalt  }
0x6c: {  	_ =	shalt  }
0x6d: {  	_ =	shalt  }
0x6e: {  	_ =	shalt  }
0x6f: {  	_ =	shalt  }
0x70: {  	_ =	shalt  }
0x71: {  	_ =	shalt  }
0x72: {  	_ =	shalt  }
0x73: {  	_ =	shalt  }
0x74: {  	_ =	shalt  }
0x75: {  	_ =	shalt  }
0x76: {  	_ =	shalt  }
0x77: {  	_ =	shalt  }
0x78: {  	_ =	shalt  }
0x79: {  	_ =	shalt  }
0x7a: {  	_ =	shalt  }
0x7b: {  	_ =	shalt  }
0x7c: {  	_ =	shalt  }
0x7d: {  	_ =	shalt  }
0x7e: {  	_ =	shalt  }
0x7f: {  	_ =	shalt  }
0x80: {  	_ =	shalt  }
0x81: {  	_ =	shalt  }
0x82: {  	_ =	shalt  }
0x83: {  	_ =	shalt  }
0x84: {  	_ =	shalt  }
0x85: {  	_ =	shalt  }
0x86: {  	_ =	shalt  }
0x87: {  	_ =	shalt  }
.Lfunc_end0:
.L_simem_size_0:
called_computation_lowered:
.L_overlay_start_0:
0x88: {  	s2 =	sld [smem:$0x3FD9]  }
0x89: {  	s3 =	sld [smem:$0x3FFE];
	_ =	sdelay $0x1  }
0x8a: {  	s1 =	srdreg.scid  }
0x8b: {  	s0 =	sand.u32 $0x1, s1  }
0x8c: {  	s17 =	sshll.u32 s0, $0xA;
	s2 =	sadd.s32 s3, s2  }
0x8d: {  	s2 =	sadd.s32 s2, s17  }
0x8e: {  	[smem:$0x3FC6] =	sst s2  }
0x8f: {  	_ = 	snop  }
0x90: {  	s2 =	sld [smem:$0x3FC9]  }
0x91: {  	s18 =	sld [smem:$0x3FD0];
	(tm) =	ssettm $0x1  }
0x92: {  	s4 =	sld [smem:$0x3FFB];
	_ =	sdelay $0x3  }
0x93: {  	_ =	strace s4  }
0x94: {  	s4 =	sld [smem:$0x3FFC];
	_ =	sdelay $0x3  }
0x95: {  	_ =	strace s4  }
0x96: {  	s4 =	sld [smem:$0x3FFD];
	_ =	sdelay $0x3  }
0x97: {  	_ =	strace s4  }
0x98: {  	_ =	strace $0x8FFFFFFF  }
0x99: {  	s19 =	sld [smem:$0x3FDB];
	_ =	sdelay $0x1  }
0x9a: {  	s5 =	simm.s32 $_scs_section_size  }
0x9b: {  	s6 =	simm.s32 $_size__tile_overlayer_lowered;
	s7 =	simm.s32 $_tile_overlayer_lowered  }
0x9c: {  	s22 =	simm.s32 $0x1BFF;
	s21 =	sshll.u32 s7, $0x1;
	s4 =	sadd.s32 s5, s19  }
0x9d: {  	s8 =	simm.s32 $0x0;
	s20 =	sshll.u32 s6, $0x1;
	s6 =	sadd.s32 s21, s4  }
0x9e: {  	[timem:s8], [sflag:s22] =	dma.local [hbm:s6], s20  }
0x9f: {  	_ =	swait.ge [sflag:s22], s20  }
0xa0: {  	s5 =	ssub.s32 $0x0, s20;
	[sflag:s22] =	ssyncset.done $0x0  }
0xa1: {  	[sflag:s22] =	ssyncadd.s32 s5;
	_ =	sdelay $0x1  }
0xa2: {  	s23 =	simm.s32 $0x1B8B  }
0xa3: {  	_ =	swait.ge [sflag:s23], $0x1  }
0xa4: {  	[sflag:s23] =	ssyncset.done $0x0  }
0xa5: {  	s25 =	simm.s32 $0x1B8E;
	s24 =	sld [smem:$0x3FFE];
	[sflag:s23] =	ssyncadd.s32 $0xFFFFFFFF  }
0xa6: {  	s26 =	simm.s32 $execute0_lowered;
	[smem:$0x3FD2] =	sst s25  }
0xa7: {  	s6 =	sshll.u32 s26, $0x1;
	_ =	strace $0x80000046;
	[dreg:$0x1] =	wrdreg $0xFFFFFFFF  }
0xa8: {  	s28 =	simm.s32 $_size_execute0_lowered;
	s4 =	sadd.s32 s4, s6;
	[dreg:$0x0] =	wrdreg $0x0  }
0xa9: {  	s6 =	sshll.u32 s28, $0x1;
	[dreg:$0x2] =	wrdreg s4  }
0xaa: {  	[dreg:$0x3] =	wrdreg s6  }
0xab: {  	[dreg:$0x4] =	wrdreg $0xC0  }
0xac: {  	_ =	task [dreg:s8], $0x5FFFF  }
0xad: {  	[dreg:$0x1] =	wrdreg $0xFFFFFFFF  }
0xae: {  	[dreg:$0x0] =	wrdreg $0x60  }
0xaf: {  	[dreg:$0x2] =	wrdreg s2  }
0xb0: {  	[dreg:$0x3] =	wrdreg s24  }
0xb1: {  	[dreg:$0x4] =	wrdreg s18  }
0xb2: {  	[dreg:$0x5] =	wrdreg $0x9  }
0xb3: {  	_ =	task.clear_ibuf [dreg:s8], $0x6FFFF;
	_ =	strace $0x90000046  }
0xb4: {  	s29 =	simm.s32 $0x9;
	_ =	strace $0x80000048  }
0xb5: {  	_ =	swait.ge [sflag:s29], $0x1  }
0xb6: {  	[sflag:s29] =	ssyncadd.s32 $0xFFFFFFFF  }
0xb7: {  	_ =	strace $0x90000048  }
0xb8: {  	_ =	sfence  }
0xb9: {  	s30 =	sld [smem:$0x0];
	_ =	sdelay $0x2  }
0xba: {  	s31 =	sshll.u32 s1, $0xD;
	s1 =	sshrl.u32 s1, $0x2  }
0xbb: {  	s3 =	sand.u32 $0x4000, s31;
	s1 =	sadd.s32 s1, s30  }
0xbc: {  	s0 =	sor.u32 s3, s0;
	s1 =	sshll.u32 s1, $0x11  }
0xbd: {  	s0 =	sor.u32 s1, s0  }
0xbe: {  	s0 =	sadd.s32 $0x8F2B, s0  }
0xbf: {  	[sflag:s0] =	ssyncadd.remote.s32 $0x1  }
0xc0: {  	_ =	sfence.sel $0xFFFF  }
0xc1: {  	[dreg:$0x0] =	wrdreg $0xFFFFFFFF;
	(pc) =	sbr.abs _section_cstart, $3  }
0xc2: {  	[dreg:$0x1] =	wrdreg $0xFFFFFFFF  }
0xc3: {  	_ =	task.clear_ibuf [dreg:s8], $0x2FFFF;
	_ =	strace $0x9FFFFFFF  }
0xc4: {  	(tm) =	ssettm $0x7FFFFFFF  }
0xc5: {  	_ =	shalt  }
tec
execute0_lowered:
.L_overlay_start_1:
0x0: {  	(tag) =	ssettag $0x1  }
0x1: {  	s0 =	srdreg.scid;
	s1 =	stileid.u32  }
0x2: {  	s0 =	sand.u32 $0x1, s0;
	s1 =	sshll.u32 s1, $0x1  }
0x3: {  	s8 =	sor.u32 s0, s1  }
0x4: {  	s0 =	ssub.s32 $0x2, s0;
	s6 =	smul.u32 $0xD00, s8  }
0x5: {  	s2 =	rddreg [dreg:$0x0];
	s3 =	sshrl.u32 s0, $0x1  }
0x6: {  	s0 =	ssub.s32 s0, s3;
	s14 =	sshrl.u32 s6, $0x3;
	s4 =	sor.u32 $0x80, s6  }
0x7: {  	s10 =	sadd.s32 $0x380, s6;
	s13 =	sadd.s32 $0x500, s6;
	s25 =	sadd.s32 $0x980, s6  }
0x8: {  	s3 =	sadd.s32 s2, s14;
	s5 =	sshrl.u32 s4, $0x3;
	s14 =	smul.u32 $0x6800, s8  }
0x9: {  	[dreg:$0x4] =	wrdreg s3;
	s3 =	sadd.s32 $0x100, s6;
	s5 =	sadd.s32 s2, s5  }
0xa: {  	[dreg:$0x5] =	wrdreg s5;
	s7 =	sshrl.u32 s3, $0x3;
	s5 =	sadd.s32 $0x180, s6  }
0xb: {  	s17 =	sshrl.u32 s10, $0x3;
	s7 =	sadd.s32 s2, s7;
	s9 =	sshrl.u32 s5, $0x3  }
0xc: {  	[dreg:$0x6] =	wrdreg s7;
	s7 =	sadd.s32 $0x200, s6;
	s9 =	sadd.s32 s2, s9  }
0xd: {  	[dreg:$0x7] =	wrdreg s9;
	s15 =	sshrl.u32 s7, $0x3;
	s9 =	sadd.s32 $0x280, s6  }
0xe: {  	s19 =	sshrl.u32 s13, $0x3;
	s8 =	sadd.s32 s2, s15;
	s11 =	sshrl.u32 s9, $0x3  }
0xf: {  	[dreg:$0x8] =	wrdreg s8;
	s8 =	sadd.s32 $0x300, s6;
	s11 =	sadd.s32 s2, s11  }
0x10: {  	s12 =	sshrl.u32 s8, $0x3;
	[dreg:$0x9] =	wrdreg s11;
	s11 =	sadd.s32 s2, s17  }
0x11: {  	s17 =	sadd.s32 $0x680, s6;
	s16 =	sadd.s32 s2, s12;
	s12 =	sadd.s32 $0x400, s6  }
0x12: {  	[dreg:$0xb] =	wrdreg s11;
	s11 =	sadd.s32 $0x480, s6;
	s15 =	sshrl.u32 s12, $0x3  }
0x13: {  	[dreg:$0xa] =	wrdreg s16;
	s16 =	sshrl.u32 s11, $0x3;
	s15 =	sadd.s32 s2, s15  }
0x14: {  	s18 =	sadd.s32 s2, s16;
	s16 =	sadd.s32 $0x580, s6;
	[dreg:$0xc] =	wrdreg s15  }
0x15: {  	[dreg:$0xd] =	wrdreg s18;
	s15 =	sadd.s32 s2, s19;
	s18 =	sshrl.u32 s16, $0x3  }
0x16: {  	[dreg:$0xe] =	wrdreg s15;
	s15 =	sadd.s32 $0x600, s6;
	s18 =	sadd.s32 s2, s18  }
0x17: {  	s21 =	sshrl.u32 s17, $0x3;
	s19 =	sshrl.u32 s15, $0x3;
	[dreg:$0xf] =	wrdreg s18  }
0x18: {  	s18 =	sadd.s32 s2, s21;
	s20 =	sadd.s32 s2, s19;
	s19 =	sadd.s32 $0x700, s6  }
0x19: {  	[dreg:$0x10] =	wrdreg s20;
	s21 =	sshrl.u32 s19, $0x3;
	s20 =	sadd.s32 $0x800, s6  }
0x1a: {  	[dreg:$0x11] =	wrdreg s18;
	s21 =	sadd.s32 s2, s21;
	s23 =	sshrl.u32 s20, $0x3  }
0x1b: {  	s18 =	sadd.s32 $0x780, s6;
	[dreg:$0x12] =	wrdreg s21;
	s21 =	sadd.s32 s2, s23  }
0x1c: {  	s22 =	sshrl.u32 s18, $0x3;
	[dreg:$0x14] =	wrdreg s21;
	s21 =	sadd.s32 $0x880, s6  }
0x1d: {  	s26 =	sshrl.u32 s25, $0x3;
	s22 =	sadd.s32 s2, s22;
	s23 =	sshrl.u32 s21, $0x3  }
0x1e: {  	[dreg:$0x13] =	wrdreg s22;
	s22 =	sadd.s32 $0x900, s6;
	s23 =	sadd.s32 s2, s23  }
0x1f: {  	s24 =	sshrl.u32 s22, $0x3;
	[dreg:$0x15] =	wrdreg s23;
	s23 =	sadd.s32 s2, s26  }
0x20: {  	s24 =	sadd.s32 s2, s24;
	[dreg:$0x17] =	wrdreg s23;
	s23 =	sadd.s32 $0xA00, s6  }
0x21: {  	[dreg:$0x16] =	wrdreg s24;
	s24 =	sadd.s32 $0xA80, s6;
	s26 =	sshrl.u32 s23, $0x3  }
0x22: {  	s28 =	sshrl.u32 s24, $0x3;
	s26 =	sadd.s32 s2, s26  }
0x23: {  	s29 =	sadd.s32 $0xB00, s6;
	[dreg:$0x18] =	wrdreg s26;
	s26 =	sadd.s32 s2, s28  }
0x24: {  	[dreg:$0x19] =	wrdreg s26;
	s26 =	sshrl.u32 s29, $0x3  }
0x25: {  	s26 =	sadd.s32 s2, s26  }
0x26: {  	[dreg:$0x1a] =	wrdreg s26;
	s26 =	sadd.s32 $0xB80, s6  }
0x27: {  	s28 =	sadd.s32 $0xC00, s6;
	s30 =	sshrl.u32 s26, $0x3  }
0x28: {  	s31 =	sshrl.u32 s28, $0x3;
	s30 =	sadd.s32 s2, s30  }
0x29: {  	s6 =	sadd.s32 $0xC80, s6;
	[dreg:$0x1b] =	wrdreg s30;
	s30 =	sadd.s32 s2, s31  }
0x2a: {  	s1 =	simm.s32 $0x0;
	[dreg:$0x1c] =	wrdreg s30;
	s30 =	sshrl.u32 s6, $0x3  }
0x2b: {  	[smem:$0x7FF] =	sst s1;
	s2 =	sadd.s32 s2, s30  }
0x2c: {  	[dreg:$0x1d] =	wrdreg s2  }
0x2d: {  	s2 =	sshll.u32 s4, $0x3;
	s4 =	rddreg [dreg:$0x2]  }
0x2e: {  	s10 =	sshll.u32 s10, $0x3;
	s3 =	sshll.u32 s3, $0x3;
	s14 =	sadd.s32 s4, s14  }
0x2f: {  	s5 =	sshll.u32 s5, $0x3;
	s2 =	sadd.s32 s4, s2;
	[dreg:$0x1e] =	wrdreg s14  }
0x30: {  	s31 =	simm.s32 $0x100;
	s30 =	simm.s32 $0x2200;
	[dreg:$0x1f] =	wrdreg s2  }
0x31: {  	s2 =	sadd.s32 s4, s3;
	s14 =	sshll.u32 s7, $0x3;
	s7 =	sshll.u32 s9, $0x3  }
0x32: {  	s9 =	sshll.u32 s8, $0x3;
	s3 =	sshll.u32 s12, $0x3;
	[smem:$0x7EE] =	sst s2  }
0x33: {  	s2 =	sadd.s32 s4, s5;
	s5 =	sadd.s32 s4, s14;
	s14 =	sadd.s32 s4, s10  }
0x34: {  	s10 =	sshll.u32 s15, $0x3;
	s15 =	sshll.u32 s20, $0x3;
	s20 =	sshll.u32 s23, $0x3  }
0x35: {  	s23 =	sshll.u32 s26, $0x3;
	s26 =	sshll.u32 s6, $0x3;
	[smem:$0x7EF] =	sst s2  }
0x36: {  	s6 =	simm.s32 $0x2;
	[smem:$0x7F0] =	sst s5;
	s2 =	sadd.s32 s4, s7  }
0x37: {  	[smem:$0x7F3] =	sst s14;
	s5 =	sshll.u32 s11, $0x3;
	s7 =	sshll.u32 s13, $0x3  }
0x38: {  	s11 =	sshll.u32 s17, $0x3;
	s13 =	sshll.u32 s19, $0x3;
	s14 =	sshll.u32 s18, $0x3  }
0x39: {  	s17 =	sshll.u32 s21, $0x3;
	s18 =	sshll.u32 s22, $0x3;
	s19 =	sshll.u32 s25, $0x3  }
0x3a: {  	s21 =	sshll.u32 s24, $0x3;
	s22 =	sshll.u32 s29, $0x3;
	s24 =	sshll.u32 s28, $0x3  }
0x3b: {  	s25 =	rddreg [dreg:$0x1];
	s28 =	simm.s32 $0x80;
	s29 =	simm.s32 $0x200  }
0x3c: {  	[smem:$0x7F1] =	sst s2;
	s2 =	sadd.s32 s4, s9;
	s8 =	sadd.s32 s4, s7  }
0x3d: {  	s9 =	sshll.u32 s16, $0x3;
	s12 =	sadd.s32 s4, s11;
	[smem:$0x7F2] =	sst s2  }
0x3e: {  	s16 =	sadd.s32 s4, s15;
	s7 =	simm.s32 $0x6;
	[smem:$0x7F6] =	sst s8  }
0x3f: {  	s11 =	simm.s32 $0x8;
	s2 =	sadd.s32 s4, s3;
	[smem:$0x7F9] =	sst s12  }
0x40: {  	[smem:$0x7FC] =	sst s16;
	s16 =	sadd.s32 s4, s18;
	s18 =	sadd.s32 s4, s20  }
0x41: {  	s20 =	sadd.s32 s4, s22;
	s22 =	sadd.s32 s4, s24;
	s24 =	sadd.s32 $0xF42800, s25  }
0x42: {  	s25 =	smax.u32 s0, $0x1;
	s0 =	simm.s32 $0x4200;
	s3 =	simm.s32 $0x6200  }
0x43: {  	s8 =	simm.s32 $0x3;
	[smem:$0x7F4] =	sst s2;
	s2 =	sadd.s32 s4, s5  }
0x44: {  	s12 =	simm.s32 $0x0;
	[smem:$0x7F5] =	sst s2;
	s2 =	sadd.s32 s4, s9  }
0x45: {  	s5 =	simm.s32 $0x5;
	[smem:$0x7F7] =	sst s2;
	s2 =	sadd.s32 s4, s10  }
0x46: {  	s9 =	simm.s32 $0x7;
	[smem:$0x7F8] =	sst s2;
	s2 =	sadd.s32 s4, s13  }
.Ltmp0:
0x47: {  	[smem:$0x7FA] =	sst s2;
	s2 =	sadd.s32 s4, s14;
	(pc) =	sbr.rel .LBB2_1-.Ltmp0, $4  }
0x48: {  	s10 =	simm.s32 $0x4;
	[smem:$0x7FB] =	sst s2;
	s2 =	sadd.s32 s4, s17  }
0x49: {  	s17 =	sadd.s32 s4, s19;
	s19 =	sadd.s32 s4, s21;
	s21 =	sadd.s32 s4, s23  }
0x4a: {  	v0 =	vlaneseq.u32;
	s23 =	sadd.s32 s4, s26;
	s26 =	simm.s32 $0x9;
	[smem:$0x7FD] =	sst s2  }
0x4b: {  	v1 =	vimm.f32 $0.0e+00;
	v0 =	vmul.u32 $0x40, v0;
	s4 =	simm.s32 $0x1;
	s2 =	simm.s32 $0x180;
	_ =	strace $0x80000047  }
.LBB2_157:
0x4c: {  	s12 =	sadd.s32 $0x1, s12  }
0x4d: {  	p0 =	sne.s32 s12, s25  }
.Ltmp1:
0x4e: {  	_ = 	snop;
	(pc) =	sbr.rel @!p0 .LBB2_158-.Ltmp1, $4  }
0x4f: {  	[hbm4b:s23+s1] =	stream.linear.scatter [tilespmem:s30], [sflag:$0x6], $0x2000, $0x38;
	[tilespmem:$0x8200] =	vst v63  }
0x50: {  	_ =	swait.ge [sflag:s7], $0x2000  }
0x51: {  	[sflag:s7] =	ssyncset.done $0x0  }
0x52: {  	[sflag:s7] =	ssyncadd.s32 $0xFFFFE000  }
.LBB2_1:
0x53: {  	s13 =	rddreg [dreg:$0x4]  }
0x54: {  	[tilespmem:s1], [sflag:$0x9] =	stream.linear.gather [hbm4b:s13+s1], $0x80, $0x38;
	[tilespmem:$0x8200] =	vst v63  }
0x55: {  	_ =	swait.ge [sflag:s26], $0x80  }
0x56: {  	[sflag:s26] =	ssyncset.done $0x0  }
0x57: {  	[sflag:s26] =	ssyncadd.s32 $0xFFFFFF80  }
0x58: {  	[tilespmem:s29], [sflag:$0x1] =	stream.indirect.gather [hbm4b:s24+s28], $0x40, s1, s28, $0xb8;
	[tilespmem:$0x8200] =	vst v63  }
0x59: {  	s15 =	rddreg [dreg:$0x5]  }
0x5a: {  	[tilespmem:s28], [sflag:$0x9] =	stream.linear.gather [hbm4b:s15+s1], $0x80, $0x38;
	[tilespmem:$0x8200] =	vst v63  }
0x5b: {  	_ =	swait.ge [sflag:s26], $0x80  }
0x5c: {  	[sflag:s26] =	ssyncset.done $0x0  }
0x5d: {  	[sflag:s26] =	ssyncadd.s32 $0xFFFFFF80  }
0x5e: {  	[tilespmem:s30], [sflag:$0x2] =	stream.indirect.gather [hbm4b:s24+s28], $0x40, s28, s28, $0xb8;
	[tilespmem:$0x8200] =	vst v63  }
0x5f: {  	s14 =	rddreg [dreg:$0x6]  }
0x60: {  	[tilespmem:s31], [sflag:$0x9] =	stream.linear.gather [hbm4b:s14+s1], $0x80, $0x38;
	[tilespmem:$0x8200] =	vst v63  }
0x61: {  	_ =	swait.ge [sflag:s26], $0x80  }
0x62: {  	[sflag:s26] =	ssyncset.done $0x0  }
0x63: {  	[sflag:s26] =	ssyncadd.s32 $0xFFFFFF80  }
0x64: {  	[tilespmem:s0], [sflag:$0x3] =	stream.indirect.gather [hbm4b:s24+s28], $0x40, s31, s28, $0xb8;
	[tilespmem:$0x8200] =	vst v63  }
0x65: {  	s15 =	rddreg [dreg:$0x7]  }
0x66: {  	[tilespmem:s2], [sflag:$0x9] =	stream.linear.gather [hbm4b:s15+s1], $0x80, $0x38;
	[tilespmem:$0x8200] =	vst v63  }
0x67: {  	_ =	swait.ge [sflag:s26], $0x80  }
0x68: {  	[sflag:s26] =	ssyncset.done $0x0  }
.Ltmp2:
0x69: {  	[sflag:s26] =	ssyncadd.s32 $0xFFFFFF80;
	(pc) =	sbr.rel .LBB2_2-.Ltmp2, $4  }
0x6a: {  	[tilespmem:s3], [sflag:$0x4] =	stream.indirect.gather [hbm4b:s24+s28], $0x40, s2, s28, $0xb8;
	[tilespmem:$0x8200] =	vst v63  }
0x6b: {  	_ =	swait.ge [sflag:s4], $0x2000  }
0x6c: {  	[sflag:s4] =	ssyncset.done $0x0  }
0x6d: {  	s13 =	simm.s32 $0x0;
	[sflag:s4] =	ssyncadd.s32 $0xFFFFE000  }
.LBB2_6:
0x6e: {  	s13 =	sadd.s32 $0x1, s13  }
0x6f: {  	p0 =	sne.s32 s13, $0x8  }
.Ltmp3:
0x70: {  	_ = 	snop;
	(pc) =	sbr.rel @!p0 .LBB2_7-.Ltmp3, $1  }
0x71: {  	_ =	sdelay $0x3  }
.LBB2_2:
0x72: {  	s14 =	sshll.u32 s13, $0x4  }
0x73: {  	v2 =	vld [tilespmem:s14+$0x0];
	_ =	sdelay $0x4  }
0x74: {  	vm0 =	veq.s32 v2, $0x0  }
0x75: {  	v2 =	vmpcnt.ones.xlane vm0;
	_ =	sdelay $0x1  }
0x76: {  	v2 =	vxor.u32 $0x80000000, v2  }
0x77: {  	(xrf0) =	vmax.scan.msk.u32 $0xffff, v2;
	_ =	sdelay $0x5  }
0x78: {  	v2, _, _ =	vpop (xrf0)  }
0x79: {  	(v2sf) =	vpush v2, $0xF;
	_ =	sdelay $0xe  }
0x7a: {  	s15 =	spop (v2sf)  }
0x7b: {  	p0 =	slt.u32 s15, $0x80000001  }
.Ltmp4:
0x7c: {  	_ = 	snop;
	(pc) =	sbr.rel @p0 .LBB2_6-.Ltmp4, $1  }
0x7d: {  	_ =	sdelay $0x3  }
0x7e: {  	s15 =	simm.s32 $0x0  }
0x7f: {  	v2 =	vmov s15  }
0x80: {  	v3 =	vmov s14;
	v2 =	vand.u32 $0x3F, v2  }
0x81: {  	v3 =	vshll.u32 v3, $0x6;
	v4 =	vbroadcast v2, $0x0  }
0x82: {  	v2 =	vor.u32 v0, v3  }
0x83: {  	s14 =	simm.s32 $0x1;
	v3 =	vor.u32 v2, v4  }
.LBB2_4:
0x84: {  	p0 =	sne.s32 s14, $0x3F  }
.Ltmp5:
0x85: {  	v4 =	vmov s14;
	s14 =	sadd.s32 $0x1, s14;
	(pc) =	sbr.rel @p0 .LBB2_4-.Ltmp5, $4  }
0x86: {  	v4 =	vand.u32 $0x3F, v4  }
0x87: {  	v4 =	vbroadcast v4, $0x0  }
0x88: {  	[tilespmem:v3+s29+$0x0] =	vst.idx.msk vm0, v1  }
0x89: {  	v3 =	vor.u32 v2, v4  }
0x8a: {  	_ = 	snop  }
.Ltmp6:
0x8b: {  	_ = 	snop;
	(pc) =	sbr.rel .LBB2_6-.Ltmp6, $2  }
0x8c: {  	_ =	sdelay $0x2  }
0x8d: {  	[tilespmem:v3+s29+$0x0] =	vst.idx.msk vm0, v1  }
.LBB2_7:
0x8e: {  	s13 =	simm.s32 $0x0;
	s14 =	rddreg [dreg:$0x1e]  }
0x8f: {  	[hbm4b:s14+s13] =	stream.linear.scatter [tilespmem:s29], [sflag:$0x5], $0x2000, $0x38;
	[tilespmem:$0x8200] =	vst v63  }
0x90: {  	_ =	swait.ge [sflag:s5], $0x2000  }
0x91: {  	[sflag:s5] =	ssyncset.done $0x0  }
0x92: {  	s15 =	rddreg [dreg:$0x8];
	[sflag:s5] =	ssyncadd.s32 $0xFFFFE000  }
0x93: {  	[tilespmem:s13], [sflag:$0x9] =	stream.linear.gather [hbm4b:s15+s13], $0x80, $0x38;
	[tilespmem:$0x8200] =	vst v63  }
0x94: {  	_ =	swait.ge [sflag:s26], $0x80  }
0x95: {  	[sflag:s26] =	ssyncset.done $0x0  }
.Ltmp7:
0x96: {  	[sflag:s26] =	ssyncadd.s32 $0xFFFFFF80;
	(pc) =	sbr.rel .LBB2_8-.Ltmp7, $4  }
0x97: {  	[tilespmem:s29], [sflag:$0x1] =	stream.indirect.gather [hbm4b:s24+s28], $0x40, s13, s28, $0xb8;
	[tilespmem:$0x8200] =	vst v63  }
0x98: {  	_ =	swait.ge [sflag:s6], $0x2000  }
0x99: {  	[sflag:s6] =	ssyncset.done $0x0  }
0x9a: {  	[sflag:s6] =	ssyncadd.s32 $0xFFFFE000  }
.LBB2_12:
0x9b: {  	s13 =	sadd.s32 $0x1, s13  }
0x9c: {  	p0 =	sne.s32 s13, $0x8  }
.Ltmp8:
0x9d: {  	_ = 	snop;
	(pc) =	sbr.rel @!p0 .LBB2_13-.Ltmp8, $1  }
0x9e: {  	_ =	sdelay $0x3  }
.LBB2_8:
0x9f: {  	s14 =	sshll.u32 s13, $0x4  }
0xa0: {  	v2 =	vld [tilespmem:s14+$0x80];
	_ =	sdelay $0x4  }
0xa1: {  	vm0 =	veq.s32 v2, $0x0  }
0xa2: {  	v2 =	vmpcnt.ones.xlane vm0;
	_ =	sdelay $0x1  }
0xa3: {  	v2 =	vxor.u32 $0x80000000, v2  }
0xa4: {  	(xrf0) =	vmax.scan.msk.u32 $0xffff, v2;
	_ =	sdelay $0x5  }
0xa5: {  	v2, _, _ =	vpop (xrf0)  }
0xa6: {  	(v2sf) =	vpush v2, $0xF;
	_ =	sdelay $0xe  }
0xa7: {  	s15 =	spop (v2sf)  }
0xa8: {  	p0 =	slt.u32 s15, $0x80000001  }
.Ltmp9:
0xa9: {  	_ = 	snop;
	(pc) =	sbr.rel @p0 .LBB2_12-.Ltmp9, $1  }
0xaa: {  	_ =	sdelay $0x3  }
0xab: {  	s15 =	simm.s32 $0x0  }
0xac: {  	v2 =	vmov s15  }
0xad: {  	v3 =	vmov s14;
	v2 =	vand.u32 $0x3F, v2  }
0xae: {  	v3 =	vshll.u32 v3, $0x6;
	v4 =	vbroadcast v2, $0x0  }
0xaf: {  	v2 =	vor.u32 v0, v3  }
0xb0: {  	s14 =	simm.s32 $0x1;
	v3 =	vor.u32 v2, v4  }
.LBB2_10:
0xb1: {  	p0 =	sne.s32 s14, $0x3F  }
.Ltmp10:
0xb2: {  	v4 =	vmov s14;
	s14 =	sadd.s32 $0x1, s14;
	(pc) =	sbr.rel @p0 .LBB2_10-.Ltmp10, $4  }
0xb3: {  	v4 =	vand.u32 $0x3F, v4  }
0xb4: {  	v4 =	vbroadcast v4, $0x0  }
0xb5: {  	[tilespmem:v3+s30+$0x0] =	vst.idx.msk vm0, v1  }
0xb6: {  	v3 =	vor.u32 v2, v4  }
0xb7: {  	_ = 	snop  }
.Ltmp11:
0xb8: {  	_ = 	snop;
	(pc) =	sbr.rel .LBB2_12-.Ltmp11, $2  }
0xb9: {  	_ =	sdelay $0x2  }
0xba: {  	[tilespmem:v3+s30+$0x0] =	vst.idx.msk vm0, v1  }
.LBB2_13:
0xbb: {  	s13 =	simm.s32 $0x0;
	s14 =	rddreg [dreg:$0x1f]  }
0xbc: {  	[hbm4b:s14+s13] =	stream.linear.scatter [tilespmem:s30], [sflag:$0x6], $0x2000, $0x38;
	[tilespmem:$0x8200] =	vst v63  }
0xbd: {  	_ =	swait.ge [sflag:s7], $0x2000  }
0xbe: {  	[sflag:s7] =	ssyncset.done $0x0  }
0xbf: {  	s15 =	rddreg [dreg:$0x9];
	[sflag:s7] =	ssyncadd.s32 $0xFFFFE000  }
0xc0: {  	[tilespmem:s28], [sflag:$0x9] =	stream.linear.gather [hbm4b:s15+s13], $0x80, $0x38;
	[tilespmem:$0x8200] =	vst v63  }
0xc1: {  	_ =	swait.ge [sflag:s26], $0x80  }
0xc2: {  	[sflag:s26] =	ssyncset.done $0x0  }
.Ltmp12:
0xc3: {  	[sflag:s26] =	ssyncadd.s32 $0xFFFFFF80;
	(pc) =	sbr.rel .LBB2_14-.Ltmp12, $4  }
0xc4: {  	[tilespmem:s30], [sflag:$0x2] =	stream.indirect.gather [hbm4b:s24+s28], $0x40, s28, s28, $0xb8;
	[tilespmem:$0x8200] =	vst v63  }
0xc5: {  	_ =	swait.ge [sflag:s8], $0x2000  }
0xc6: {  	[sflag:s8] =	ssyncset.done $0x0  }
0xc7: {  	[sflag:s8] =	ssyncadd.s32 $0xFFFFE000  }
.LBB2_18:
0xc8: {  	s13 =	sadd.s32 $0x1, s13  }
0xc9: {  	p0 =	sne.s32 s13, $0x8  }
.Ltmp13:
0xca: {  	_ = 	snop;
	(pc) =	sbr.rel @!p0 .LBB2_19-.Ltmp13, $1  }
0xcb: {  	_ =	sdelay $0x3  }
.LBB2_14:
0xcc: {  	s14 =	sshll.u32 s13, $0x4  }
0xcd: {  	v2 =	vld [tilespmem:s14+$0x100];
	_ =	sdelay $0x4  }
0xce: {  	vm0 =	veq.s32 v2, $0x0  }
0xcf: {  	v2 =	vmpcnt.ones.xlane vm0;
	_ =	sdelay $0x1  }
0xd0: {  	v2 =	vxor.u32 $0x80000000, v2  }
0xd1: {  	(xrf0) =	vmax.scan.msk.u32 $0xffff, v2;
	_ =	sdelay $0x5  }
0xd2: {  	v2, _, _ =	vpop (xrf0)  }
0xd3: {  	(v2sf) =	vpush v2, $0xF;
	_ =	sdelay $0xe  }
0xd4: {  	s15 =	spop (v2sf)  }
0xd5: {  	p0 =	slt.u32 s15, $0x80000001  }
.Ltmp14:
0xd6: {  	_ = 	snop;
	(pc) =	sbr.rel @p0 .LBB2_18-.Ltmp14, $1  }
0xd7: {  	_ =	sdelay $0x3  }
0xd8: {  	s15 =	simm.s32 $0x0  }
0xd9: {  	v2 =	vmov s15  }
0xda: {  	v3 =	vmov s14;
	v2 =	vand.u32 $0x3F, v2  }
0xdb: {  	v3 =	vshll.u32 v3, $0x6;
	v4 =	vbroadcast v2, $0x0  }
0xdc: {  	v2 =	vor.u32 v0, v3  }
0xdd: {  	s14 =	simm.s32 $0x1;
	v3 =	vor.u32 v2, v4  }
.LBB2_16:
0xde: {  	p0 =	sne.s32 s14, $0x3F  }
.Ltmp15:
0xdf: {  	v4 =	vmov s14;
	s14 =	sadd.s32 $0x1, s14;
	(pc) =	sbr.rel @p0 .LBB2_16-.Ltmp15, $4  }
0xe0: {  	v4 =	vand.u32 $0x3F, v4  }
0xe1: {  	v4 =	vbroadcast v4, $0x0  }
0xe2: {  	[tilespmem:v3+s0+$0x0] =	vst.idx.msk vm0, v1  }
0xe3: {  	v3 =	vor.u32 v2, v4  }
0xe4: {  	_ = 	snop  }
.Ltmp16:
0xe5: {  	_ = 	snop;
	(pc) =	sbr.rel .LBB2_18-.Ltmp16, $2  }
0xe6: {  	_ =	sdelay $0x2  }
0xe7: {  	[tilespmem:v3+s0+$0x0] =	vst.idx.msk vm0, v1  }
.LBB2_19:
0xe8: {  	s14 =	sld [smem:$0x7EE];
	_ =	sdelay $0x1  }
0xe9: {  	s13 =	simm.s32 $0x0  }
0xea: {  	[hbm4b:s14+s13] =	stream.linear.scatter [tilespmem:s0], [sflag:$0x7], $0x2000, $0x38;
	[tilespmem:$0x8200] =	vst v63  }
0xeb: {  	_ =	swait.ge [sflag:s9], $0x2000  }
0xec: {  	[sflag:s9] =	ssyncset.done $0x0  }
0xed: {  	s15 =	rddreg [dreg:$0xa];
	[sflag:s9] =	ssyncadd.s32 $0xFFFFE000  }
0xee: {  	[tilespmem:s31], [sflag:$0x9] =	stream.linear.gather [hbm4b:s15+s13], $0x80, $0x38;
	[tilespmem:$0x8200] =	vst v63  }
0xef: {  	_ =	swait.ge [sflag:s26], $0x80  }
0xf0: {  	[sflag:s26] =	ssyncset.done $0x0  }
.Ltmp17:
0xf1: {  	[sflag:s26] =	ssyncadd.s32 $0xFFFFFF80;
	(pc) =	sbr.rel .LBB2_20-.Ltmp17, $4  }
0xf2: {  	[tilespmem:s0], [sflag:$0x3] =	stream.indirect.gather [hbm4b:s24+s28], $0x40, s31, s28, $0xb8;
	[tilespmem:$0x8200] =	vst v63  }
0xf3: {  	_ =	swait.ge [sflag:s10], $0x2000  }
0xf4: {  	[sflag:s10] =	ssyncset.done $0x0  }
0xf5: {  	[sflag:s10] =	ssyncadd.s32 $0xFFFFE000  }
.LBB2_24:
0xf6: {  	s13 =	sadd.s32 $0x1, s13  }
0xf7: {  	p0 =	sne.s32 s13, $0x8  }
.Ltmp18:
0xf8: {  	_ = 	snop;
	(pc) =	sbr.rel @!p0 .LBB2_25-.Ltmp18, $1  }
0xf9: {  	_ =	sdelay $0x3  }
.LBB2_20:
0xfa: {  	s14 =	sshll.u32 s13, $0x4  }
0xfb: {  	v2 =	vld [tilespmem:s14+$0x180];
	_ =	sdelay $0x4  }
0xfc: {  	vm0 =	veq.s32 v2, $0x0  }
0xfd: {  	v2 =	vmpcnt.ones.xlane vm0;
	_ =	sdelay $0x1  }
0xfe: {  	v2 =	vxor.u32 $0x80000000, v2  }
0xff: {  	(xrf0) =	vmax.scan.msk.u32 $0xffff, v2;
	_ =	sdelay $0x5  }
0x100: {  	v2, _, _ =	vpop (xrf0)  }
0x101: {  	(v2sf) =	vpush v2, $0xF;
	_ =	sdelay $0xe  }
0x102: {  	s15 =	spop (v2sf)  }
0x103: {  	p0 =	slt.u32 s15, $0x80000001  }
.Ltmp19:
0x104: {  	_ = 	snop;
	(pc) =	sbr.rel @p0 .LBB2_24-.Ltmp19, $1  }
0x105: {  	_ =	sdelay $0x3  }
0x106: {  	s15 =	simm.s32 $0x0  }
0x107: {  	v2 =	vmov s15  }
0x108: {  	v3 =	vmov s14;
	v2 =	vand.u32 $0x3F, v2  }
0x109: {  	v3 =	vshll.u32 v3, $0x6;
	v4 =	vbroadcast v2, $0x0  }
0x10a: {  	v2 =	vor.u32 v0, v3  }
0x10b: {  	s14 =	simm.s32 $0x1;
	v3 =	vor.u32 v2, v4  }
.LBB2_22:
0x10c: {  	p0 =	sne.s32 s14, $0x3F  }
.Ltmp20:
0x10d: {  	v4 =	vmov s14;
	s14 =	sadd.s32 $0x1, s14;
	(pc) =	sbr.rel @p0 .LBB2_22-.Ltmp20, $4  }
0x10e: {  	v4 =	vand.u32 $0x3F, v4  }
0x10f: {  	v4 =	vbroadcast v4, $0x0  }
0x110: {  	[tilespmem:v3+s3+$0x0] =	vst.idx.msk vm0, v1  }
0x111: {  	v3 =	vor.u32 v2, v4  }
0x112: {  	_ = 	snop  }
.Ltmp21:
0x113: {  	_ = 	snop;
	(pc) =	sbr.rel .LBB2_24-.Ltmp21, $2  }
0x114: {  	_ =	sdelay $0x2  }
0x115: {  	[tilespmem:v3+s3+$0x0] =	vst.idx.msk vm0, v1  }
.LBB2_25:
0x116: {  	s14 =	sld [smem:$0x7EF];
	_ =	sdelay $0x1  }
0x117: {  	s13 =	simm.s32 $0x0  }
0x118: {  	[hbm4b:s14+s13] =	stream.linear.scatter [tilespmem:s3], [sflag:$0x8], $0x2000, $0x38;
	[tilespmem:$0x8200] =	vst v63  }
0x119: {  	_ =	swait.ge [sflag:s11], $0x2000  }
0x11a: {  	[sflag:s11] =	ssyncset.done $0x0  }
0x11b: {  	s15 =	rddreg [dreg:$0xb];
	[sflag:s11] =	ssyncadd.s32 $0xFFFFE000  }
0x11c: {  	[tilespmem:s2], [sflag:$0x9] =	stream.linear.gather [hbm4b:s15+s13], $0x80, $0x38;
	[tilespmem:$0x8200] =	vst v63  }
0x11d: {  	_ =	swait.ge [sflag:s26], $0x80  }
0x11e: {  	[sflag:s26] =	ssyncset.done $0x0  }
.Ltmp22:
0x11f: {  	[sflag:s26] =	ssyncadd.s32 $0xFFFFFF80;
	(pc) =	sbr.rel .LBB2_26-.Ltmp22, $4  }
0x120: {  	[tilespmem:s3], [sflag:$0x4] =	stream.indirect.gather [hbm4b:s24+s28], $0x40, s2, s28, $0xb8;
	[tilespmem:$0x8200] =	vst v63  }
0x121: {  	_ =	swait.ge [sflag:s4], $0x2000  }
0x122: {  	[sflag:s4] =	ssyncset.done $0x0  }
0x123: {  	[sflag:s4] =	ssyncadd.s32 $0xFFFFE000  }
.LBB2_30:
0x124: {  	s13 =	sadd.s32 $0x1, s13  }
0x125: {  	p0 =	sne.s32 s13, $0x8  }
.Ltmp23:
0x126: {  	_ = 	snop;
	(pc) =	sbr.rel @!p0 .LBB2_31-.Ltmp23, $1  }
0x127: {  	_ =	sdelay $0x3  }
.LBB2_26:
0x128: {  	s14 =	sshll.u32 s13, $0x4  }
0x129: {  	v2 =	vld [tilespmem:s14+$0x0];
	_ =	sdelay $0x4  }
0x12a: {  	vm0 =	veq.s32 v2, $0x0  }
0x12b: {  	v2 =	vmpcnt.ones.xlane vm0;
	_ =	sdelay $0x1  }
0x12c: {  	v2 =	vxor.u32 $0x80000000, v2  }
0x12d: {  	(xrf0) =	vmax.scan.msk.u32 $0xffff, v2;
	_ =	sdelay $0x5  }
0x12e: {  	v2, _, _ =	vpop (xrf0)  }
0x12f: {  	(v2sf) =	vpush v2, $0xF;
	_ =	sdelay $0xe  }
0x130: {  	s15 =	spop (v2sf)  }
0x131: {  	p0 =	slt.u32 s15, $0x80000001  }
.Ltmp24:
0x132: {  	_ = 	snop;
	(pc) =	sbr.rel @p0 .LBB2_30-.Ltmp24, $1  }
0x133: {  	_ =	sdelay $0x3  }
0x134: {  	s15 =	simm.s32 $0x0  }
0x135: {  	v2 =	vmov s15  }
0x136: {  	v3 =	vmov s14;
	v2 =	vand.u32 $0x3F, v2  }
0x137: {  	v3 =	vshll.u32 v3, $0x6;
	v4 =	vbroadcast v2, $0x0  }
0x138: {  	v2 =	vor.u32 v0, v3  }
0x139: {  	s14 =	simm.s32 $0x1;
	v3 =	vor.u32 v2, v4  }
.LBB2_28:
0x13a: {  	p0 =	sne.s32 s14, $0x3F  }
.Ltmp25:
0x13b: {  	v4 =	vmov s14;
	s14 =	sadd.s32 $0x1, s14;
	(pc) =	sbr.rel @p0 .LBB2_28-.Ltmp25, $4  }
0x13c: {  	v4 =	vand.u32 $0x3F, v4  }
0x13d: {  	v4 =	vbroadcast v4, $0x0  }
0x13e: {  	[tilespmem:v3+s29+$0x0] =	vst.idx.msk vm0, v1  }
0x13f: {  	v3 =	vor.u32 v2, v4  }
0x140: {  	_ = 	snop  }
.Ltmp26:
0x141: {  	_ = 	snop;
	(pc) =	sbr.rel .LBB2_30-.Ltmp26, $2  }
0x142: {  	_ =	sdelay $0x2  }
0x143: {  	[tilespmem:v3+s29+$0x0] =	vst.idx.msk vm0, v1  }
.LBB2_31:
0x144: {  	s14 =	sld [smem:$0x7F0];
	_ =	sdelay $0x1  }
0x145: {  	s13 =	simm.s32 $0x0  }
0x146: {  	[hbm4b:s14+s13] =	stream.linear.scatter [tilespmem:s29], [sflag:$0x5], $0x2000, $0x38;
	[tilespmem:$0x8200] =	vst v63  }
0x147: {  	_ =	swait.ge [sflag:s5], $0x2000  }
0x148: {  	[sflag:s5] =	ssyncset.done $0x0  }
0x149: {  	s15 =	rddreg [dreg:$0xc];
	[sflag:s5] =	ssyncadd.s32 $0xFFFFE000  }
0x14a: {  	[tilespmem:s13], [sflag:$0x9] =	stream.linear.gather [hbm4b:s15+s13], $0x80, $0x38;
	[tilespmem:$0x8200] =	vst v63  }
0x14b: {  	_ =	swait.ge [sflag:s26], $0x80  }
0x14c: {  	[sflag:s26] =	ssyncset.done $0x0  }
.Ltmp27:
0x14d: {  	[sflag:s26] =	ssyncadd.s32 $0xFFFFFF80;
	(pc) =	sbr.rel .LBB2_32-.Ltmp27, $4  }
0x14e: {  	[tilespmem:s29], [sflag:$0x1] =	stream.indirect.gather [hbm4b:s24+s28], $0x40, s13, s28, $0xb8;
	[tilespmem:$0x8200] =	vst v63  }
0x14f: {  	_ =	swait.ge [sflag:s6], $0x2000  }
0x150: {  	[sflag:s6] =	ssyncset.done $0x0  }
0x151: {  	[sflag:s6] =	ssyncadd.s32 $0xFFFFE000  }
.LBB2_36:
0x152: {  	s13 =	sadd.s32 $0x1, s13  }
0x153: {  	p0 =	sne.s32 s13, $0x8  }
.Ltmp28:
0x154: {  	_ = 	snop;
	(pc) =	sbr.rel @!p0 .LBB2_37-.Ltmp28, $1  }
0x155: {  	_ =	sdelay $0x3  }
.LBB2_32:
0x156: {  	s14 =	sshll.u32 s13, $0x4  }
0x157: {  	v2 =	vld [tilespmem:s14+$0x80];
	_ =	sdelay $0x4  }
0x158: {  	vm0 =	veq.s32 v2, $0x0  }
0x159: {  	v2 =	vmpcnt.ones.xlane vm0;
	_ =	sdelay $0x1  }
0x15a: {  	v2 =	vxor.u32 $0x80000000, v2  }
0x15b: {  	(xrf0) =	vmax.scan.msk.u32 $0xffff, v2;
	_ =	sdelay $0x5  }
0x15c: {  	v2, _, _ =	vpop (xrf0)  }
0x15d: {  	(v2sf) =	vpush v2, $0xF;
	_ =	sdelay $0xe  }
0x15e: {  	s15 =	spop (v2sf)  }
0x15f: {  	p0 =	slt.u32 s15, $0x80000001  }
.Ltmp29:
0x160: {  	_ = 	snop;
	(pc) =	sbr.rel @p0 .LBB2_36-.Ltmp29, $1  }
0x161: {  	_ =	sdelay $0x3  }
0x162: {  	s15 =	simm.s32 $0x0  }
0x163: {  	v2 =	vmov s15  }
0x164: {  	v3 =	vmov s14;
	v2 =	vand.u32 $0x3F, v2  }
0x165: {  	v3 =	vshll.u32 v3, $0x6;
	v4 =	vbroadcast v2, $0x0  }
0x166: {  	v2 =	vor.u32 v0, v3  }
0x167: {  	s14 =	simm.s32 $0x1;
	v3 =	vor.u32 v2, v4  }
.LBB2_34:
0x168: {  	p0 =	sne.s32 s14, $0x3F  }
.Ltmp30:
0x169: {  	v4 =	vmov s14;
	s14 =	sadd.s32 $0x1, s14;
	(pc) =	sbr.rel @p0 .LBB2_34-.Ltmp30, $4  }
0x16a: {  	v4 =	vand.u32 $0x3F, v4  }
0x16b: {  	v4 =	vbroadcast v4, $0x0  }
0x16c: {  	[tilespmem:v3+s30+$0x0] =	vst.idx.msk vm0, v1  }
0x16d: {  	v3 =	vor.u32 v2, v4  }
0x16e: {  	_ = 	snop  }
.Ltmp31:
0x16f: {  	_ = 	snop;
	(pc) =	sbr.rel .LBB2_36-.Ltmp31, $2  }
0x170: {  	_ =	sdelay $0x2  }
0x171: {  	[tilespmem:v3+s30+$0x0] =	vst.idx.msk vm0, v1  }
.LBB2_37:
0x172: {  	s14 =	sld [smem:$0x7F1];
	_ =	sdelay $0x1  }
0x173: {  	s13 =	simm.s32 $0x0  }
0x174: {  	[hbm4b:s14+s13] =	stream.linear.scatter [tilespmem:s30], [sflag:$0x6], $0x2000, $0x38;
	[tilespmem:$0x8200] =	vst v63  }
0x175: {  	_ =	swait.ge [sflag:s7], $0x2000  }
0x176: {  	[sflag:s7] =	ssyncset.done $0x0  }
0x177: {  	s15 =	rddreg [dreg:$0xd];
	[sflag:s7] =	ssyncadd.s32 $0xFFFFE000  }
0x178: {  	[tilespmem:s28], [sflag:$0x9] =	stream.linear.gather [hbm4b:s15+s13], $0x80, $0x38;
	[tilespmem:$0x8200] =	vst v63  }
0x179: {  	_ =	swait.ge [sflag:s26], $0x80  }
0x17a: {  	[sflag:s26] =	ssyncset.done $0x0  }
.Ltmp32:
0x17b: {  	[sflag:s26] =	ssyncadd.s32 $0xFFFFFF80;
	(pc) =	sbr.rel .LBB2_38-.Ltmp32, $4  }
0x17c: {  	[tilespmem:s30], [sflag:$0x2] =	stream.indirect.gather [hbm4b:s24+s28], $0x40, s28, s28, $0xb8;
	[tilespmem:$0x8200] =	vst v63  }
0x17d: {  	_ =	swait.ge [sflag:s8], $0x2000  }
0x17e: {  	[sflag:s8] =	ssyncset.done $0x0  }
0x17f: {  	[sflag:s8] =	ssyncadd.s32 $0xFFFFE000  }
.LBB2_42:
0x180: {  	s13 =	sadd.s32 $0x1, s13  }
0x181: {  	p0 =	sne.s32 s13, $0x8  }
.Ltmp33:
0x182: {  	_ = 	snop;
	(pc) =	sbr.rel @!p0 .LBB2_43-.Ltmp33, $1  }
0x183: {  	_ =	sdelay $0x3  }
.LBB2_38:
0x184: {  	s14 =	sshll.u32 s13, $0x4  }
0x185: {  	v2 =	vld [tilespmem:s14+$0x100];
	_ =	sdelay $0x4  }
0x186: {  	vm0 =	veq.s32 v2, $0x0  }
0x187: {  	v2 =	vmpcnt.ones.xlane vm0;
	_ =	sdelay $0x1  }
0x188: {  	v2 =	vxor.u32 $0x80000000, v2  }
0x189: {  	(xrf0) =	vmax.scan.msk.u32 $0xffff, v2;
	_ =	sdelay $0x5  }
0x18a: {  	v2, _, _ =	vpop (xrf0)  }
0x18b: {  	(v2sf) =	vpush v2, $0xF;
	_ =	sdelay $0xe  }
0x18c: {  	s15 =	spop (v2sf)  }
0x18d: {  	p0 =	slt.u32 s15, $0x80000001  }
.Ltmp34:
0x18e: {  	_ = 	snop;
	(pc) =	sbr.rel @p0 .LBB2_42-.Ltmp34, $1  }
0x18f: {  	_ =	sdelay $0x3  }
0x190: {  	s15 =	simm.s32 $0x0  }
0x191: {  	v2 =	vmov s15  }
0x192: {  	v3 =	vmov s14;
	v2 =	vand.u32 $0x3F, v2  }
0x193: {  	v3 =	vshll.u32 v3, $0x6;
	v4 =	vbroadcast v2, $0x0  }
0x194: {  	v2 =	vor.u32 v0, v3  }
0x195: {  	s14 =	simm.s32 $0x1;
	v3 =	vor.u32 v2, v4  }
.LBB2_40:
0x196: {  	p0 =	sne.s32 s14, $0x3F  }
.Ltmp35:
0x197: {  	v4 =	vmov s14;
	s14 =	sadd.s32 $0x1, s14;
	(pc) =	sbr.rel @p0 .LBB2_40-.Ltmp35, $4  }
0x198: {  	v4 =	vand.u32 $0x3F, v4  }
0x199: {  	v4 =	vbroadcast v4, $0x0  }
0x19a: {  	[tilespmem:v3+s0+$0x0] =	vst.idx.msk vm0, v1  }
0x19b: {  	v3 =	vor.u32 v2, v4  }
0x19c: {  	_ = 	snop  }
.Ltmp36:
0x19d: {  	_ = 	snop;
	(pc) =	sbr.rel .LBB2_42-.Ltmp36, $2  }
0x19e: {  	_ =	sdelay $0x2  }
0x19f: {  	[tilespmem:v3+s0+$0x0] =	vst.idx.msk vm0, v1  }
.LBB2_43:
0x1a0: {  	s14 =	sld [smem:$0x7F2];
	_ =	sdelay $0x1  }
0x1a1: {  	s13 =	simm.s32 $0x0  }
0x1a2: {  	[hbm4b:s14+s13] =	stream.linear.scatter [tilespmem:s0], [sflag:$0x7], $0x2000, $0x38;
	[tilespmem:$0x8200] =	vst v63  }
0x1a3: {  	_ =	swait.ge [sflag:s9], $0x2000  }
0x1a4: {  	[sflag:s9] =	ssyncset.done $0x0  }
0x1a5: {  	s15 =	rddreg [dreg:$0xe];
	[sflag:s9] =	ssyncadd.s32 $0xFFFFE000  }
0x1a6: {  	[tilespmem:s31], [sflag:$0x9] =	stream.linear.gather [hbm4b:s15+s13], $0x80, $0x38;
	[tilespmem:$0x8200] =	vst v63  }
0x1a7: {  	_ =	swait.ge [sflag:s26], $0x80  }
0x1a8: {  	[sflag:s26] =	ssyncset.done $0x0  }
.Ltmp37:
0x1a9: {  	[sflag:s26] =	ssyncadd.s32 $0xFFFFFF80;
	(pc) =	sbr.rel .LBB2_44-.Ltmp37, $4  }
0x1aa: {  	[tilespmem:s0], [sflag:$0x3] =	stream.indirect.gather [hbm4b:s24+s28], $0x40, s31, s28, $0xb8;
	[tilespmem:$0x8200] =	vst v63  }
0x1ab: {  	_ =	swait.ge [sflag:s10], $0x2000  }
0x1ac: {  	[sflag:s10] =	ssyncset.done $0x0  }
0x1ad: {  	[sflag:s10] =	ssyncadd.s32 $0xFFFFE000  }
.LBB2_48:
0x1ae: {  	s13 =	sadd.s32 $0x1, s13  }
0x1af: {  	p0 =	sne.s32 s13, $0x8  }
.Ltmp38:
0x1b0: {  	_ = 	snop;
	(pc) =	sbr.rel @!p0 .LBB2_49-.Ltmp38, $1  }
0x1b1: {  	_ =	sdelay $0x3  }
.LBB2_44:
0x1b2: {  	s14 =	sshll.u32 s13, $0x4  }
0x1b3: {  	v2 =	vld [tilespmem:s14+$0x180];
	_ =	sdelay $0x4  }
0x1b4: {  	vm0 =	veq.s32 v2, $0x0  }
0x1b5: {  	v2 =	vmpcnt.ones.xlane vm0;
	_ =	sdelay $0x1  }
0x1b6: {  	v2 =	vxor.u32 $0x80000000, v2  }
0x1b7: {  	(xrf0) =	vmax.scan.msk.u32 $0xffff, v2;
	_ =	sdelay $0x5  }
0x1b8: {  	v2, _, _ =	vpop (xrf0)  }
0x1b9: {  	(v2sf) =	vpush v2, $0xF;
	_ =	sdelay $0xe  }
0x1ba: {  	s15 =	spop (v2sf)  }
0x1bb: {  	p0 =	slt.u32 s15, $0x80000001  }
.Ltmp39:
0x1bc: {  	_ = 	snop;
	(pc) =	sbr.rel @p0 .LBB2_48-.Ltmp39, $1  }
0x1bd: {  	_ =	sdelay $0x3  }
0x1be: {  	s15 =	simm.s32 $0x0  }
0x1bf: {  	v2 =	vmov s15  }
0x1c0: {  	v3 =	vmov s14;
	v2 =	vand.u32 $0x3F, v2  }
0x1c1: {  	v3 =	vshll.u32 v3, $0x6;
	v4 =	vbroadcast v2, $0x0  }
0x1c2: {  	v2 =	vor.u32 v0, v3  }
0x1c3: {  	s14 =	simm.s32 $0x1;
	v3 =	vor.u32 v2, v4  }
.LBB2_46:
0x1c4: {  	p0 =	sne.s32 s14, $0x3F  }
.Ltmp40:
0x1c5: {  	v4 =	vmov s14;
	s14 =	sadd.s32 $0x1, s14;
	(pc) =	sbr.rel @p0 .LBB2_46-.Ltmp40, $4  }
0x1c6: {  	v4 =	vand.u32 $0x3F, v4  }
0x1c7: {  	v4 =	vbroadcast v4, $0x0  }
0x1c8: {  	[tilespmem:v3+s3+$0x0] =	vst.idx.msk vm0, v1  }
0x1c9: {  	v3 =	vor.u32 v2, v4  }
0x1ca: {  	_ = 	snop  }
.Ltmp41:
0x1cb: {  	_ = 	snop;
	(pc) =	sbr.rel .LBB2_48-.Ltmp41, $2  }
0x1cc: {  	_ =	sdelay $0x2  }
0x1cd: {  	[tilespmem:v3+s3+$0x0] =	vst.idx.msk vm0, v1  }
.LBB2_49:
0x1ce: {  	s14 =	sld [smem:$0x7F3];
	_ =	sdelay $0x1  }
0x1cf: {  	s13 =	simm.s32 $0x0  }
0x1d0: {  	[hbm4b:s14+s13] =	stream.linear.scatter [tilespmem:s3], [sflag:$0x8], $0x2000, $0x38;
	[tilespmem:$0x8200] =	vst v63  }
0x1d1: {  	_ =	swait.ge [sflag:s11], $0x2000  }
0x1d2: {  	[sflag:s11] =	ssyncset.done $0x0  }
0x1d3: {  	s15 =	rddreg [dreg:$0xf];
	[sflag:s11] =	ssyncadd.s32 $0xFFFFE000  }
0x1d4: {  	[tilespmem:s2], [sflag:$0x9] =	stream.linear.gather [hbm4b:s15+s13], $0x80, $0x38;
	[tilespmem:$0x8200] =	vst v63  }
0x1d5: {  	_ =	swait.ge [sflag:s26], $0x80  }
0x1d6: {  	[sflag:s26] =	ssyncset.done $0x0  }
.Ltmp42:
0x1d7: {  	[sflag:s26] =	ssyncadd.s32 $0xFFFFFF80;
	(pc) =	sbr.rel .LBB2_50-.Ltmp42, $4  }
0x1d8: {  	[tilespmem:s3], [sflag:$0x4] =	stream.indirect.gather [hbm4b:s24+s28], $0x40, s2, s28, $0xb8;
	[tilespmem:$0x8200] =	vst v63  }
0x1d9: {  	_ =	swait.ge [sflag:s4], $0x2000  }
0x1da: {  	[sflag:s4] =	ssyncset.done $0x0  }
0x1db: {  	[sflag:s4] =	ssyncadd.s32 $0xFFFFE000  }
.LBB2_54:
0x1dc: {  	s13 =	sadd.s32 $0x1, s13  }
0x1dd: {  	p0 =	sne.s32 s13, $0x8  }
.Ltmp43:
0x1de: {  	_ = 	snop;
	(pc) =	sbr.rel @!p0 .LBB2_55-.Ltmp43, $1  }
0x1df: {  	_ =	sdelay $0x3  }
.LBB2_50:
0x1e0: {  	s14 =	sshll.u32 s13, $0x4  }
0x1e1: {  	v2 =	vld [tilespmem:s14+$0x0];
	_ =	sdelay $0x4  }
0x1e2: {  	vm0 =	veq.s32 v2, $0x0  }
0x1e3: {  	v2 =	vmpcnt.ones.xlane vm0;
	_ =	sdelay $0x1  }
0x1e4: {  	v2 =	vxor.u32 $0x80000000, v2  }
0x1e5: {  	(xrf0) =	vmax.scan.msk.u32 $0xffff, v2;
	_ =	sdelay $0x5  }
0x1e6: {  	v2, _, _ =	vpop (xrf0)  }
0x1e7: {  	(v2sf) =	vpush v2, $0xF;
	_ =	sdelay $0xe  }
0x1e8: {  	s15 =	spop (v2sf)  }
0x1e9: {  	p0 =	slt.u32 s15, $0x80000001  }
.Ltmp44:
0x1ea: {  	_ = 	snop;
	(pc) =	sbr.rel @p0 .LBB2_54-.Ltmp44, $1  }
0x1eb: {  	_ =	sdelay $0x3  }
0x1ec: {  	s15 =	simm.s32 $0x0  }
0x1ed: {  	v2 =	vmov s15  }
0x1ee: {  	v3 =	vmov s14;
	v2 =	vand.u32 $0x3F, v2  }
0x1ef: {  	v3 =	vshll.u32 v3, $0x6;
	v4 =	vbroadcast v2, $0x0  }
0x1f0: {  	v2 =	vor.u32 v0, v3  }
0x1f1: {  	s14 =	simm.s32 $0x1;
	v3 =	vor.u32 v2, v4  }
.LBB2_52:
0x1f2: {  	p0 =	sne.s32 s14, $0x3F  }
.Ltmp45:
0x1f3: {  	v4 =	vmov s14;
	s14 =	sadd.s32 $0x1, s14;
	(pc) =	sbr.rel @p0 .LBB2_52-.Ltmp45, $4  }
0x1f4: {  	v4 =	vand.u32 $0x3F, v4  }
0x1f5: {  	v4 =	vbroadcast v4, $0x0  }
0x1f6: {  	[tilespmem:v3+s29+$0x0] =	vst.idx.msk vm0, v1  }
0x1f7: {  	v3 =	vor.u32 v2, v4  }
0x1f8: {  	_ = 	snop  }
.Ltmp46:
0x1f9: {  	_ = 	snop;
	(pc) =	sbr.rel .LBB2_54-.Ltmp46, $2  }
0x1fa: {  	_ =	sdelay $0x2  }
0x1fb: {  	[tilespmem:v3+s29+$0x0] =	vst.idx.msk vm0, v1  }
.LBB2_55:
0x1fc: {  	s14 =	sld [smem:$0x7F4];
	_ =	sdelay $0x1  }
0x1fd: {  	s13 =	simm.s32 $0x0  }
0x1fe: {  	[hbm4b:s14+s13] =	stream.linear.scatter [tilespmem:s29], [sflag:$0x5], $0x2000, $0x38;
	[tilespmem:$0x8200] =	vst v63  }
0x1ff: {  	_ =	swait.ge [sflag:s5], $0x2000  }
0x200: {  	[sflag:s5] =	ssyncset.done $0x0  }
0x201: {  	s15 =	rddreg [dreg:$0x10];
	[sflag:s5] =	ssyncadd.s32 $0xFFFFE000  }
0x202: {  	[tilespmem:s13], [sflag:$0x9] =	stream.linear.gather [hbm4b:s15+s13], $0x80, $0x38;
	[tilespmem:$0x8200] =	vst v63  }
0x203: {  	_ =	swait.ge [sflag:s26], $0x80  }
0x204: {  	[sflag:s26] =	ssyncset.done $0x0  }
.Ltmp47:
0x205: {  	[sflag:s26] =	ssyncadd.s32 $0xFFFFFF80;
	(pc) =	sbr.rel .LBB2_56-.Ltmp47, $4  }
0x206: {  	[tilespmem:s29], [sflag:$0x1] =	stream.indirect.gather [hbm4b:s24+s28], $0x40, s13, s28, $0xb8;
	[tilespmem:$0x8200] =	vst v63  }
0x207: {  	_ =	swait.ge [sflag:s6], $0x2000  }
0x208: {  	[sflag:s6] =	ssyncset.done $0x0  }
0x209: {  	[sflag:s6] =	ssyncadd.s32 $0xFFFFE000  }
.LBB2_60:
0x20a: {  	s13 =	sadd.s32 $0x1, s13  }
0x20b: {  	p0 =	sne.s32 s13, $0x8  }
.Ltmp48:
0x20c: {  	_ = 	snop;
	(pc) =	sbr.rel @!p0 .LBB2_61-.Ltmp48, $1  }
0x20d: {  	_ =	sdelay $0x3  }
.LBB2_56:
0x20e: {  	s14 =	sshll.u32 s13, $0x4  }
0x20f: {  	v2 =	vld [tilespmem:s14+$0x80];
	_ =	sdelay $0x4  }
0x210: {  	vm0 =	veq.s32 v2, $0x0  }
0x211: {  	v2 =	vmpcnt.ones.xlane vm0;
	_ =	sdelay $0x1  }
0x212: {  	v2 =	vxor.u32 $0x80000000, v2  }
0x213: {  	(xrf0) =	vmax.scan.msk.u32 $0xffff, v2;
	_ =	sdelay $0x5  }
0x214: {  	v2, _, _ =	vpop (xrf0)  }
0x215: {  	(v2sf) =	vpush v2, $0xF;
	_ =	sdelay $0xe  }
0x216: {  	s15 =	spop (v2sf)  }
0x217: {  	p0 =	slt.u32 s15, $0x80000001  }
.Ltmp49:
0x218: {  	_ = 	snop;
	(pc) =	sbr.rel @p0 .LBB2_60-.Ltmp49, $1  }
0x219: {  	_ =	sdelay $0x3  }
0x21a: {  	s15 =	simm.s32 $0x0  }
0x21b: {  	v2 =	vmov s15  }
0x21c: {  	v3 =	vmov s14;
	v2 =	vand.u32 $0x3F, v2  }
0x21d: {  	v3 =	vshll.u32 v3, $0x6;
	v4 =	vbroadcast v2, $0x0  }
0x21e: {  	v2 =	vor.u32 v0, v3  }
0x21f: {  	s14 =	simm.s32 $0x1;
	v3 =	vor.u32 v2, v4  }
.LBB2_58:
0x220: {  	p0 =	sne.s32 s14, $0x3F  }
.Ltmp50:
0x221: {  	v4 =	vmov s14;
	s14 =	sadd.s32 $0x1, s14;
	(pc) =	sbr.rel @p0 .LBB2_58-.Ltmp50, $4  }
0x222: {  	v4 =	vand.u32 $0x3F, v4  }
0x223: {  	v4 =	vbroadcast v4, $0x0  }
0x224: {  	[tilespmem:v3+s30+$0x0] =	vst.idx.msk vm0, v1  }
0x225: {  	v3 =	vor.u32 v2, v4  }
0x226: {  	_ = 	snop  }
.Ltmp51:
0x227: {  	_ = 	snop;
	(pc) =	sbr.rel .LBB2_60-.Ltmp51, $2  }
0x228: {  	_ =	sdelay $0x2  }
0x229: {  	[tilespmem:v3+s30+$0x0] =	vst.idx.msk vm0, v1  }
.LBB2_61:
0x22a: {  	s14 =	sld [smem:$0x7F5];
	_ =	sdelay $0x1  }
0x22b: {  	s13 =	simm.s32 $0x0  }
0x22c: {  	[hbm4b:s14+s13] =	stream.linear.scatter [tilespmem:s30], [sflag:$0x6], $0x2000, $0x38;
	[tilespmem:$0x8200] =	vst v63  }
0x22d: {  	_ =	swait.ge [sflag:s7], $0x2000  }
0x22e: {  	[sflag:s7] =	ssyncset.done $0x0  }
0x22f: {  	s15 =	rddreg [dreg:$0x11];
	[sflag:s7] =	ssyncadd.s32 $0xFFFFE000  }
0x230: {  	[tilespmem:s28], [sflag:$0x9] =	stream.linear.gather [hbm4b:s15+s13], $0x80, $0x38;
	[tilespmem:$0x8200] =	vst v63  }
0x231: {  	_ =	swait.ge [sflag:s26], $0x80  }
0x232: {  	[sflag:s26] =	ssyncset.done $0x0  }
.Ltmp52:
0x233: {  	[sflag:s26] =	ssyncadd.s32 $0xFFFFFF80;
	(pc) =	sbr.rel .LBB2_62-.Ltmp52, $4  }
0x234: {  	[tilespmem:s30], [sflag:$0x2] =	stream.indirect.gather [hbm4b:s24+s28], $0x40, s28, s28, $0xb8;
	[tilespmem:$0x8200] =	vst v63  }
0x235: {  	_ =	swait.ge [sflag:s8], $0x2000  }
0x236: {  	[sflag:s8] =	ssyncset.done $0x0  }
0x237: {  	[sflag:s8] =	ssyncadd.s32 $0xFFFFE000  }
.LBB2_66:
0x238: {  	s13 =	sadd.s32 $0x1, s13  }
0x239: {  	p0 =	sne.s32 s13, $0x8  }
.Ltmp53:
0x23a: {  	_ = 	snop;
	(pc) =	sbr.rel @!p0 .LBB2_67-.Ltmp53, $1  }
0x23b: {  	_ =	sdelay $0x3  }
.LBB2_62:
0x23c: {  	s14 =	sshll.u32 s13, $0x4  }
0x23d: {  	v2 =	vld [tilespmem:s14+$0x100];
	_ =	sdelay $0x4  }
0x23e: {  	vm0 =	veq.s32 v2, $0x0  }
0x23f: {  	v2 =	vmpcnt.ones.xlane vm0;
	_ =	sdelay $0x1  }
0x240: {  	v2 =	vxor.u32 $0x80000000, v2  }
0x241: {  	(xrf0) =	vmax.scan.msk.u32 $0xffff, v2;
	_ =	sdelay $0x5  }
0x242: {  	v2, _, _ =	vpop (xrf0)  }
0x243: {  	(v2sf) =	vpush v2, $0xF;
	_ =	sdelay $0xe  }
0x244: {  	s15 =	spop (v2sf)  }
0x245: {  	p0 =	slt.u32 s15, $0x80000001  }
.Ltmp54:
0x246: {  	_ = 	snop;
	(pc) =	sbr.rel @p0 .LBB2_66-.Ltmp54, $1  }
0x247: {  	_ =	sdelay $0x3  }
0x248: {  	s15 =	simm.s32 $0x0  }
0x249: {  	v2 =	vmov s15  }
0x24a: {  	v3 =	vmov s14;
	v2 =	vand.u32 $0x3F, v2  }
0x24b: {  	v3 =	vshll.u32 v3, $0x6;
	v4 =	vbroadcast v2, $0x0  }
0x24c: {  	v2 =	vor.u32 v0, v3  }
0x24d: {  	s14 =	simm.s32 $0x1;
	v3 =	vor.u32 v2, v4  }
.LBB2_64:
0x24e: {  	p0 =	sne.s32 s14, $0x3F  }
.Ltmp55:
0x24f: {  	v4 =	vmov s14;
	s14 =	sadd.s32 $0x1, s14;
	(pc) =	sbr.rel @p0 .LBB2_64-.Ltmp55, $4  }
0x250: {  	v4 =	vand.u32 $0x3F, v4  }
0x251: {  	v4 =	vbroadcast v4, $0x0  }
0x252: {  	[tilespmem:v3+s0+$0x0] =	vst.idx.msk vm0, v1  }
0x253: {  	v3 =	vor.u32 v2, v4  }
0x254: {  	_ = 	snop  }
.Ltmp56:
0x255: {  	_ = 	snop;
	(pc) =	sbr.rel .LBB2_66-.Ltmp56, $2  }
0x256: {  	_ =	sdelay $0x2  }
0x257: {  	[tilespmem:v3+s0+$0x0] =	vst.idx.msk vm0, v1  }
.LBB2_67:
0x258: {  	s14 =	sld [smem:$0x7F6];
	_ =	sdelay $0x1  }
0x259: {  	s13 =	simm.s32 $0x0  }
0x25a: {  	[hbm4b:s14+s13] =	stream.linear.scatter [tilespmem:s0], [sflag:$0x7], $0x2000, $0x38;
	[tilespmem:$0x8200] =	vst v63  }
0x25b: {  	_ =	swait.ge [sflag:s9], $0x2000  }
0x25c: {  	[sflag:s9] =	ssyncset.done $0x0  }
0x25d: {  	s15 =	rddreg [dreg:$0x12];
	[sflag:s9] =	ssyncadd.s32 $0xFFFFE000  }
0x25e: {  	[tilespmem:s31], [sflag:$0x9] =	stream.linear.gather [hbm4b:s15+s13], $0x80, $0x38;
	[tilespmem:$0x8200] =	vst v63  }
0x25f: {  	_ =	swait.ge [sflag:s26], $0x80  }
0x260: {  	[sflag:s26] =	ssyncset.done $0x0  }
.Ltmp57:
0x261: {  	[sflag:s26] =	ssyncadd.s32 $0xFFFFFF80;
	(pc) =	sbr.rel .LBB2_68-.Ltmp57, $4  }
0x262: {  	[tilespmem:s0], [sflag:$0x3] =	stream.indirect.gather [hbm4b:s24+s28], $0x40, s31, s28, $0xb8;
	[tilespmem:$0x8200] =	vst v63  }
0x263: {  	_ =	swait.ge [sflag:s10], $0x2000  }
0x264: {  	[sflag:s10] =	ssyncset.done $0x0  }
0x265: {  	[sflag:s10] =	ssyncadd.s32 $0xFFFFE000  }
.LBB2_72:
0x266: {  	s13 =	sadd.s32 $0x1, s13  }
0x267: {  	p0 =	sne.s32 s13, $0x8  }
.Ltmp58:
0x268: {  	_ = 	snop;
	(pc) =	sbr.rel @!p0 .LBB2_73-.Ltmp58, $1  }
0x269: {  	_ =	sdelay $0x3  }
.LBB2_68:
0x26a: {  	s14 =	sshll.u32 s13, $0x4  }
0x26b: {  	v2 =	vld [tilespmem:s14+$0x180];
	_ =	sdelay $0x4  }
0x26c: {  	vm0 =	veq.s32 v2, $0x0  }
0x26d: {  	v2 =	vmpcnt.ones.xlane vm0;
	_ =	sdelay $0x1  }
0x26e: {  	v2 =	vxor.u32 $0x80000000, v2  }
0x26f: {  	(xrf0) =	vmax.scan.msk.u32 $0xffff, v2;
	_ =	sdelay $0x5  }
0x270: {  	v2, _, _ =	vpop (xrf0)  }
0x271: {  	(v2sf) =	vpush v2, $0xF;
	_ =	sdelay $0xe  }
0x272: {  	s15 =	spop (v2sf)  }
0x273: {  	p0 =	slt.u32 s15, $0x80000001  }
.Ltmp59:
0x274: {  	_ = 	snop;
	(pc) =	sbr.rel @p0 .LBB2_72-.Ltmp59, $1  }
0x275: {  	_ =	sdelay $0x3  }
0x276: {  	s15 =	simm.s32 $0x0  }
0x277: {  	v2 =	vmov s15  }
0x278: {  	v3 =	vmov s14;
	v2 =	vand.u32 $0x3F, v2  }
0x279: {  	v3 =	vshll.u32 v3, $0x6;
	v4 =	vbroadcast v2, $0x0  }
0x27a: {  	v2 =	vor.u32 v0, v3  }
0x27b: {  	s14 =	simm.s32 $0x1;
	v3 =	vor.u32 v2, v4  }
.LBB2_70:
0x27c: {  	p0 =	sne.s32 s14, $0x3F  }
.Ltmp60:
0x27d: {  	v4 =	vmov s14;
	s14 =	sadd.s32 $0x1, s14;
	(pc) =	sbr.rel @p0 .LBB2_70-.Ltmp60, $4  }
0x27e: {  	v4 =	vand.u32 $0x3F, v4  }
0x27f: {  	v4 =	vbroadcast v4, $0x0  }
0x280: {  	[tilespmem:v3+s3+$0x0] =	vst.idx.msk vm0, v1  }
0x281: {  	v3 =	vor.u32 v2, v4  }
0x282: {  	_ = 	snop  }
.Ltmp61:
0x283: {  	_ = 	snop;
	(pc) =	sbr.rel .LBB2_72-.Ltmp61, $2  }
0x284: {  	_ =	sdelay $0x2  }
0x285: {  	[tilespmem:v3+s3+$0x0] =	vst.idx.msk vm0, v1  }
.LBB2_73:
0x286: {  	s14 =	sld [smem:$0x7F7];
	_ =	sdelay $0x1  }
0x287: {  	s13 =	simm.s32 $0x0  }
0x288: {  	[hbm4b:s14+s13] =	stream.linear.scatter [tilespmem:s3], [sflag:$0x8], $0x2000, $0x38;
	[tilespmem:$0x8200] =	vst v63  }
0x289: {  	_ =	swait.ge [sflag:s11], $0x2000  }
0x28a: {  	[sflag:s11] =	ssyncset.done $0x0  }
0x28b: {  	s15 =	rddreg [dreg:$0x13];
	[sflag:s11] =	ssyncadd.s32 $0xFFFFE000  }
0x28c: {  	[tilespmem:s2], [sflag:$0x9] =	stream.linear.gather [hbm4b:s15+s13], $0x80, $0x38;
	[tilespmem:$0x8200] =	vst v63  }
0x28d: {  	_ =	swait.ge [sflag:s26], $0x80  }
0x28e: {  	[sflag:s26] =	ssyncset.done $0x0  }
.Ltmp62:
0x28f: {  	[sflag:s26] =	ssyncadd.s32 $0xFFFFFF80;
	(pc) =	sbr.rel .LBB2_74-.Ltmp62, $4  }
0x290: {  	[tilespmem:s3], [sflag:$0x4] =	stream.indirect.gather [hbm4b:s24+s28], $0x40, s2, s28, $0xb8;
	[tilespmem:$0x8200] =	vst v63  }
0x291: {  	_ =	swait.ge [sflag:s4], $0x2000  }
0x292: {  	[sflag:s4] =	ssyncset.done $0x0  }
0x293: {  	[sflag:s4] =	ssyncadd.s32 $0xFFFFE000  }
.LBB2_78:
0x294: {  	s13 =	sadd.s32 $0x1, s13  }
0x295: {  	p0 =	sne.s32 s13, $0x8  }
.Ltmp63:
0x296: {  	_ = 	snop;
	(pc) =	sbr.rel @!p0 .LBB2_79-.Ltmp63, $1  }
0x297: {  	_ =	sdelay $0x3  }
.LBB2_74:
0x298: {  	s14 =	sshll.u32 s13, $0x4  }
0x299: {  	v2 =	vld [tilespmem:s14+$0x0];
	_ =	sdelay $0x4  }
0x29a: {  	vm0 =	veq.s32 v2, $0x0  }
0x29b: {  	v2 =	vmpcnt.ones.xlane vm0;
	_ =	sdelay $0x1  }
0x29c: {  	v2 =	vxor.u32 $0x80000000, v2  }
0x29d: {  	(xrf0) =	vmax.scan.msk.u32 $0xffff, v2;
	_ =	sdelay $0x5  }
0x29e: {  	v2, _, _ =	vpop (xrf0)  }
0x29f: {  	(v2sf) =	vpush v2, $0xF;
	_ =	sdelay $0xe  }
0x2a0: {  	s15 =	spop (v2sf)  }
0x2a1: {  	p0 =	slt.u32 s15, $0x80000001  }
.Ltmp64:
0x2a2: {  	_ = 	snop;
	(pc) =	sbr.rel @p0 .LBB2_78-.Ltmp64, $1  }
0x2a3: {  	_ =	sdelay $0x3  }
0x2a4: {  	s15 =	simm.s32 $0x0  }
0x2a5: {  	v2 =	vmov s15  }
0x2a6: {  	v3 =	vmov s14;
	v2 =	vand.u32 $0x3F, v2  }
0x2a7: {  	v3 =	vshll.u32 v3, $0x6;
	v4 =	vbroadcast v2, $0x0  }
0x2a8: {  	v2 =	vor.u32 v0, v3  }
0x2a9: {  	s14 =	simm.s32 $0x1;
	v3 =	vor.u32 v2, v4  }
.LBB2_76:
0x2aa: {  	p0 =	sne.s32 s14, $0x3F  }
.Ltmp65:
0x2ab: {  	v4 =	vmov s14;
	s14 =	sadd.s32 $0x1, s14;
	(pc) =	sbr.rel @p0 .LBB2_76-.Ltmp65, $4  }
0x2ac: {  	v4 =	vand.u32 $0x3F, v4  }
0x2ad: {  	v4 =	vbroadcast v4, $0x0  }
0x2ae: {  	[tilespmem:v3+s29+$0x0] =	vst.idx.msk vm0, v1  }
0x2af: {  	v3 =	vor.u32 v2, v4  }
0x2b0: {  	_ = 	snop  }
.Ltmp66:
0x2b1: {  	_ = 	snop;
	(pc) =	sbr.rel .LBB2_78-.Ltmp66, $2  }
0x2b2: {  	_ =	sdelay $0x2  }
0x2b3: {  	[tilespmem:v3+s29+$0x0] =	vst.idx.msk vm0, v1  }
.LBB2_79:
0x2b4: {  	s14 =	sld [smem:$0x7F8];
	_ =	sdelay $0x1  }
0x2b5: {  	s13 =	simm.s32 $0x0  }
0x2b6: {  	[hbm4b:s14+s13] =	stream.linear.scatter [tilespmem:s29], [sflag:$0x5], $0x2000, $0x38;
	[tilespmem:$0x8200] =	vst v63  }
0x2b7: {  	_ =	swait.ge [sflag:s5], $0x2000  }
0x2b8: {  	[sflag:s5] =	ssyncset.done $0x0  }
0x2b9: {  	s15 =	rddreg [dreg:$0x14];
	[sflag:s5] =	ssyncadd.s32 $0xFFFFE000  }
0x2ba: {  	[tilespmem:s13], [sflag:$0x9] =	stream.linear.gather [hbm4b:s15+s13], $0x80, $0x38;
	[tilespmem:$0x8200] =	vst v63  }
0x2bb: {  	_ =	swait.ge [sflag:s26], $0x80  }
0x2bc: {  	[sflag:s26] =	ssyncset.done $0x0  }
.Ltmp67:
0x2bd: {  	[sflag:s26] =	ssyncadd.s32 $0xFFFFFF80;
	(pc) =	sbr.rel .LBB2_80-.Ltmp67, $4  }
0x2be: {  	[tilespmem:s29], [sflag:$0x1] =	stream.indirect.gather [hbm4b:s24+s28], $0x40, s13, s28, $0xb8;
	[tilespmem:$0x8200] =	vst v63  }
0x2bf: {  	_ =	swait.ge [sflag:s6], $0x2000  }
0x2c0: {  	[sflag:s6] =	ssyncset.done $0x0  }
0x2c1: {  	[sflag:s6] =	ssyncadd.s32 $0xFFFFE000  }
.LBB2_84:
0x2c2: {  	s13 =	sadd.s32 $0x1, s13  }
0x2c3: {  	p0 =	sne.s32 s13, $0x8  }
.Ltmp68:
0x2c4: {  	_ = 	snop;
	(pc) =	sbr.rel @!p0 .LBB2_85-.Ltmp68, $1  }
0x2c5: {  	_ =	sdelay $0x3  }
.LBB2_80:
0x2c6: {  	s14 =	sshll.u32 s13, $0x4  }
0x2c7: {  	v2 =	vld [tilespmem:s14+$0x80];
	_ =	sdelay $0x4  }
0x2c8: {  	vm0 =	veq.s32 v2, $0x0  }
0x2c9: {  	v2 =	vmpcnt.ones.xlane vm0;
	_ =	sdelay $0x1  }
0x2ca: {  	v2 =	vxor.u32 $0x80000000, v2  }
0x2cb: {  	(xrf0) =	vmax.scan.msk.u32 $0xffff, v2;
	_ =	sdelay $0x5  }
0x2cc: {  	v2, _, _ =	vpop (xrf0)  }
0x2cd: {  	(v2sf) =	vpush v2, $0xF;
	_ =	sdelay $0xe  }
0x2ce: {  	s15 =	spop (v2sf)  }
0x2cf: {  	p0 =	slt.u32 s15, $0x80000001  }
.Ltmp69:
0x2d0: {  	_ = 	snop;
	(pc) =	sbr.rel @p0 .LBB2_84-.Ltmp69, $1  }
0x2d1: {  	_ =	sdelay $0x3  }
0x2d2: {  	s15 =	simm.s32 $0x0  }
0x2d3: {  	v2 =	vmov s15  }
0x2d4: {  	v3 =	vmov s14;
	v2 =	vand.u32 $0x3F, v2  }
0x2d5: {  	v3 =	vshll.u32 v3, $0x6;
	v4 =	vbroadcast v2, $0x0  }
0x2d6: {  	v2 =	vor.u32 v0, v3  }
0x2d7: {  	s14 =	simm.s32 $0x1;
	v3 =	vor.u32 v2, v4  }
.LBB2_82:
0x2d8: {  	p0 =	sne.s32 s14, $0x3F  }
.Ltmp70:
0x2d9: {  	v4 =	vmov s14;
	s14 =	sadd.s32 $0x1, s14;
	(pc) =	sbr.rel @p0 .LBB2_82-.Ltmp70, $4  }
0x2da: {  	v4 =	vand.u32 $0x3F, v4  }
0x2db: {  	v4 =	vbroadcast v4, $0x0  }
0x2dc: {  	[tilespmem:v3+s30+$0x0] =	vst.idx.msk vm0, v1  }
0x2dd: {  	v3 =	vor.u32 v2, v4  }
0x2de: {  	_ = 	snop  }
.Ltmp71:
0x2df: {  	_ = 	snop;
	(pc) =	sbr.rel .LBB2_84-.Ltmp71, $2  }
0x2e0: {  	_ =	sdelay $0x2  }
0x2e1: {  	[tilespmem:v3+s30+$0x0] =	vst.idx.msk vm0, v1  }
.LBB2_85:
0x2e2: {  	s14 =	sld [smem:$0x7F9];
	_ =	sdelay $0x1  }
0x2e3: {  	s13 =	simm.s32 $0x0  }
0x2e4: {  	[hbm4b:s14+s13] =	stream.linear.scatter [tilespmem:s30], [sflag:$0x6], $0x2000, $0x38;
	[tilespmem:$0x8200] =	vst v63  }
0x2e5: {  	_ =	swait.ge [sflag:s7], $0x2000  }
0x2e6: {  	[sflag:s7] =	ssyncset.done $0x0  }
0x2e7: {  	s15 =	rddreg [dreg:$0x15];
	[sflag:s7] =	ssyncadd.s32 $0xFFFFE000  }
0x2e8: {  	[tilespmem:s28], [sflag:$0x9] =	stream.linear.gather [hbm4b:s15+s13], $0x80, $0x38;
	[tilespmem:$0x8200] =	vst v63  }
0x2e9: {  	_ =	swait.ge [sflag:s26], $0x80  }
0x2ea: {  	[sflag:s26] =	ssyncset.done $0x0  }
.Ltmp72:
0x2eb: {  	[sflag:s26] =	ssyncadd.s32 $0xFFFFFF80;
	(pc) =	sbr.rel .LBB2_86-.Ltmp72, $4  }
0x2ec: {  	[tilespmem:s30], [sflag:$0x2] =	stream.indirect.gather [hbm4b:s24+s28], $0x40, s28, s28, $0xb8;
	[tilespmem:$0x8200] =	vst v63  }
0x2ed: {  	_ =	swait.ge [sflag:s8], $0x2000  }
0x2ee: {  	[sflag:s8] =	ssyncset.done $0x0  }
0x2ef: {  	[sflag:s8] =	ssyncadd.s32 $0xFFFFE000  }
.LBB2_90:
0x2f0: {  	s13 =	sadd.s32 $0x1, s13  }
0x2f1: {  	p0 =	sne.s32 s13, $0x8  }
.Ltmp73:
0x2f2: {  	_ = 	snop;
	(pc) =	sbr.rel @!p0 .LBB2_91-.Ltmp73, $1  }
0x2f3: {  	_ =	sdelay $0x3  }
.LBB2_86:
0x2f4: {  	s14 =	sshll.u32 s13, $0x4  }
0x2f5: {  	v2 =	vld [tilespmem:s14+$0x100];
	_ =	sdelay $0x4  }
0x2f6: {  	vm0 =	veq.s32 v2, $0x0  }
0x2f7: {  	v2 =	vmpcnt.ones.xlane vm0;
	_ =	sdelay $0x1  }
0x2f8: {  	v2 =	vxor.u32 $0x80000000, v2  }
0x2f9: {  	(xrf0) =	vmax.scan.msk.u32 $0xffff, v2;
	_ =	sdelay $0x5  }
0x2fa: {  	v2, _, _ =	vpop (xrf0)  }
0x2fb: {  	(v2sf) =	vpush v2, $0xF;
	_ =	sdelay $0xe  }
0x2fc: {  	s15 =	spop (v2sf)  }
0x2fd: {  	p0 =	slt.u32 s15, $0x80000001  }
.Ltmp74:
0x2fe: {  	_ = 	snop;
	(pc) =	sbr.rel @p0 .LBB2_90-.Ltmp74, $1  }
0x2ff: {  	_ =	sdelay $0x3  }
0x300: {  	s15 =	simm.s32 $0x0  }
0x301: {  	v2 =	vmov s15  }
0x302: {  	v3 =	vmov s14;
	v2 =	vand.u32 $0x3F, v2  }
0x303: {  	v3 =	vshll.u32 v3, $0x6;
	v4 =	vbroadcast v2, $0x0  }
0x304: {  	v2 =	vor.u32 v0, v3  }
0x305: {  	s14 =	simm.s32 $0x1;
	v3 =	vor.u32 v2, v4  }
.LBB2_88:
0x306: {  	p0 =	sne.s32 s14, $0x3F  }
.Ltmp75:
0x307: {  	v4 =	vmov s14;
	s14 =	sadd.s32 $0x1, s14;
	(pc) =	sbr.rel @p0 .LBB2_88-.Ltmp75, $4  }
0x308: {  	v4 =	vand.u32 $0x3F, v4  }
0x309: {  	v4 =	vbroadcast v4, $0x0  }
0x30a: {  	[tilespmem:v3+s0+$0x0] =	vst.idx.msk vm0, v1  }
0x30b: {  	v3 =	vor.u32 v2, v4  }
0x30c: {  	_ = 	snop  }
.Ltmp76:
0x30d: {  	_ = 	snop;
	(pc) =	sbr.rel .LBB2_90-.Ltmp76, $2  }
0x30e: {  	_ =	sdelay $0x2  }
0x30f: {  	[tilespmem:v3+s0+$0x0] =	vst.idx.msk vm0, v1  }
.LBB2_91:
0x310: {  	s14 =	sld [smem:$0x7FA];
	_ =	sdelay $0x1  }
0x311: {  	s13 =	simm.s32 $0x0  }
0x312: {  	[hbm4b:s14+s13] =	stream.linear.scatter [tilespmem:s0], [sflag:$0x7], $0x2000, $0x38;
	[tilespmem:$0x8200] =	vst v63  }
0x313: {  	_ =	swait.ge [sflag:s9], $0x2000  }
0x314: {  	[sflag:s9] =	ssyncset.done $0x0  }
0x315: {  	s15 =	rddreg [dreg:$0x16];
	[sflag:s9] =	ssyncadd.s32 $0xFFFFE000  }
0x316: {  	[tilespmem:s31], [sflag:$0x9] =	stream.linear.gather [hbm4b:s15+s13], $0x80, $0x38;
	[tilespmem:$0x8200] =	vst v63  }
0x317: {  	_ =	swait.ge [sflag:s26], $0x80  }
0x318: {  	[sflag:s26] =	ssyncset.done $0x0  }
.Ltmp77:
0x319: {  	[sflag:s26] =	ssyncadd.s32 $0xFFFFFF80;
	(pc) =	sbr.rel .LBB2_92-.Ltmp77, $4  }
0x31a: {  	[tilespmem:s0], [sflag:$0x3] =	stream.indirect.gather [hbm4b:s24+s28], $0x40, s31, s28, $0xb8;
	[tilespmem:$0x8200] =	vst v63  }
0x31b: {  	_ =	swait.ge [sflag:s10], $0x2000  }
0x31c: {  	[sflag:s10] =	ssyncset.done $0x0  }
0x31d: {  	[sflag:s10] =	ssyncadd.s32 $0xFFFFE000  }
.LBB2_96:
0x31e: {  	s13 =	sadd.s32 $0x1, s13  }
0x31f: {  	p0 =	sne.s32 s13, $0x8  }
.Ltmp78:
0x320: {  	_ = 	snop;
	(pc) =	sbr.rel @!p0 .LBB2_97-.Ltmp78, $1  }
0x321: {  	_ =	sdelay $0x3  }
.LBB2_92:
0x322: {  	s14 =	sshll.u32 s13, $0x4  }
0x323: {  	v2 =	vld [tilespmem:s14+$0x180];
	_ =	sdelay $0x4  }
0x324: {  	vm0 =	veq.s32 v2, $0x0  }
0x325: {  	v2 =	vmpcnt.ones.xlane vm0;
	_ =	sdelay $0x1  }
0x326: {  	v2 =	vxor.u32 $0x80000000, v2  }
0x327: {  	(xrf0) =	vmax.scan.msk.u32 $0xffff, v2;
	_ =	sdelay $0x5  }
0x328: {  	v2, _, _ =	vpop (xrf0)  }
0x329: {  	(v2sf) =	vpush v2, $0xF;
	_ =	sdelay $0xe  }
0x32a: {  	s15 =	spop (v2sf)  }
0x32b: {  	p0 =	slt.u32 s15, $0x80000001  }
.Ltmp79:
0x32c: {  	_ = 	snop;
	(pc) =	sbr.rel @p0 .LBB2_96-.Ltmp79, $1  }
0x32d: {  	_ =	sdelay $0x3  }
0x32e: {  	s15 =	simm.s32 $0x0  }
0x32f: {  	v2 =	vmov s15  }
0x330: {  	v3 =	vmov s14;
	v2 =	vand.u32 $0x3F, v2  }
0x331: {  	v3 =	vshll.u32 v3, $0x6;
	v4 =	vbroadcast v2, $0x0  }
0x332: {  	v2 =	vor.u32 v0, v3  }
0x333: {  	s14 =	simm.s32 $0x1;
	v3 =	vor.u32 v2, v4  }
.LBB2_94:
0x334: {  	p0 =	sne.s32 s14, $0x3F  }
.Ltmp80:
0x335: {  	v4 =	vmov s14;
	s14 =	sadd.s32 $0x1, s14;
	(pc) =	sbr.rel @p0 .LBB2_94-.Ltmp80, $4  }
0x336: {  	v4 =	vand.u32 $0x3F, v4  }
0x337: {  	v4 =	vbroadcast v4, $0x0  }
0x338: {  	[tilespmem:v3+s3+$0x0] =	vst.idx.msk vm0, v1  }
0x339: {  	v3 =	vor.u32 v2, v4  }
0x33a: {  	_ = 	snop  }
.Ltmp81:
0x33b: {  	_ = 	snop;
	(pc) =	sbr.rel .LBB2_96-.Ltmp81, $2  }
0x33c: {  	_ =	sdelay $0x2  }
0x33d: {  	[tilespmem:v3+s3+$0x0] =	vst.idx.msk vm0, v1  }
.LBB2_97:
0x33e: {  	s14 =	sld [smem:$0x7FB];
	_ =	sdelay $0x1  }
0x33f: {  	s13 =	simm.s32 $0x0  }
0x340: {  	[hbm4b:s14+s13] =	stream.linear.scatter [tilespmem:s3], [sflag:$0x8], $0x2000, $0x38;
	[tilespmem:$0x8200] =	vst v63  }
0x341: {  	_ =	swait.ge [sflag:s11], $0x2000  }
0x342: {  	[sflag:s11] =	ssyncset.done $0x0  }
0x343: {  	s15 =	rddreg [dreg:$0x17];
	[sflag:s11] =	ssyncadd.s32 $0xFFFFE000  }
0x344: {  	[tilespmem:s2], [sflag:$0x9] =	stream.linear.gather [hbm4b:s15+s13], $0x80, $0x38;
	[tilespmem:$0x8200] =	vst v63  }
0x345: {  	_ =	swait.ge [sflag:s26], $0x80  }
0x346: {  	[sflag:s26] =	ssyncset.done $0x0  }
.Ltmp82:
0x347: {  	[sflag:s26] =	ssyncadd.s32 $0xFFFFFF80;
	(pc) =	sbr.rel .LBB2_98-.Ltmp82, $4  }
0x348: {  	[tilespmem:s3], [sflag:$0x4] =	stream.indirect.gather [hbm4b:s24+s28], $0x40, s2, s28, $0xb8;
	[tilespmem:$0x8200] =	vst v63  }
0x349: {  	_ =	swait.ge [sflag:s4], $0x2000  }
0x34a: {  	[sflag:s4] =	ssyncset.done $0x0  }
0x34b: {  	[sflag:s4] =	ssyncadd.s32 $0xFFFFE000  }
.LBB2_102:
0x34c: {  	s13 =	sadd.s32 $0x1, s13  }
0x34d: {  	p0 =	sne.s32 s13, $0x8  }
.Ltmp83:
0x34e: {  	_ = 	snop;
	(pc) =	sbr.rel @!p0 .LBB2_103-.Ltmp83, $1  }
0x34f: {  	_ =	sdelay $0x3  }
.LBB2_98:
0x350: {  	s14 =	sshll.u32 s13, $0x4  }
0x351: {  	v2 =	vld [tilespmem:s14+$0x0];
	_ =	sdelay $0x4  }
0x352: {  	vm0 =	veq.s32 v2, $0x0  }
0x353: {  	v2 =	vmpcnt.ones.xlane vm0;
	_ =	sdelay $0x1  }
0x354: {  	v2 =	vxor.u32 $0x80000000, v2  }
0x355: {  	(xrf0) =	vmax.scan.msk.u32 $0xffff, v2;
	_ =	sdelay $0x5  }
0x356: {  	v2, _, _ =	vpop (xrf0)  }
0x357: {  	(v2sf) =	vpush v2, $0xF;
	_ =	sdelay $0xe  }
0x358: {  	s15 =	spop (v2sf)  }
0x359: {  	p0 =	slt.u32 s15, $0x80000001  }
.Ltmp84:
0x35a: {  	_ = 	snop;
	(pc) =	sbr.rel @p0 .LBB2_102-.Ltmp84, $1  }
0x35b: {  	_ =	sdelay $0x3  }
0x35c: {  	s15 =	simm.s32 $0x0  }
0x35d: {  	v2 =	vmov s15  }
0x35e: {  	v3 =	vmov s14;
	v2 =	vand.u32 $0x3F, v2  }
0x35f: {  	v3 =	vshll.u32 v3, $0x6;
	v4 =	vbroadcast v2, $0x0  }
0x360: {  	v2 =	vor.u32 v0, v3  }
0x361: {  	s14 =	simm.s32 $0x1;
	v3 =	vor.u32 v2, v4  }
.LBB2_100:
0x362: {  	p0 =	sne.s32 s14, $0x3F  }
.Ltmp85:
0x363: {  	v4 =	vmov s14;
	s14 =	sadd.s32 $0x1, s14;
	(pc) =	sbr.rel @p0 .LBB2_100-.Ltmp85, $4  }
0x364: {  	v4 =	vand.u32 $0x3F, v4  }
0x365: {  	v4 =	vbroadcast v4, $0x0  }
0x366: {  	[tilespmem:v3+s29+$0x0] =	vst.idx.msk vm0, v1  }
0x367: {  	v3 =	vor.u32 v2, v4  }
0x368: {  	_ = 	snop  }
.Ltmp86:
0x369: {  	_ = 	snop;
	(pc) =	sbr.rel .LBB2_102-.Ltmp86, $2  }
0x36a: {  	_ =	sdelay $0x2  }
0x36b: {  	[tilespmem:v3+s29+$0x0] =	vst.idx.msk vm0, v1  }
.LBB2_103:
0x36c: {  	s14 =	sld [smem:$0x7FC];
	_ =	sdelay $0x1  }
0x36d: {  	s13 =	simm.s32 $0x0  }
0x36e: {  	[hbm4b:s14+s13] =	stream.linear.scatter [tilespmem:s29], [sflag:$0x5], $0x2000, $0x38;
	[tilespmem:$0x8200] =	vst v63  }
0x36f: {  	_ =	swait.ge [sflag:s5], $0x2000  }
0x370: {  	[sflag:s5] =	ssyncset.done $0x0  }
0x371: {  	s15 =	rddreg [dreg:$0x18];
	[sflag:s5] =	ssyncadd.s32 $0xFFFFE000  }
0x372: {  	[tilespmem:s13], [sflag:$0x9] =	stream.linear.gather [hbm4b:s15+s13], $0x80, $0x38;
	[tilespmem:$0x8200] =	vst v63  }
0x373: {  	_ =	swait.ge [sflag:s26], $0x80  }
0x374: {  	[sflag:s26] =	ssyncset.done $0x0  }
.Ltmp87:
0x375: {  	[sflag:s26] =	ssyncadd.s32 $0xFFFFFF80;
	(pc) =	sbr.rel .LBB2_104-.Ltmp87, $4  }
0x376: {  	[tilespmem:s29], [sflag:$0x1] =	stream.indirect.gather [hbm4b:s24+s28], $0x40, s13, s28, $0xb8;
	[tilespmem:$0x8200] =	vst v63  }
0x377: {  	_ =	swait.ge [sflag:s6], $0x2000  }
0x378: {  	[sflag:s6] =	ssyncset.done $0x0  }
0x379: {  	[sflag:s6] =	ssyncadd.s32 $0xFFFFE000  }
.LBB2_108:
0x37a: {  	s13 =	sadd.s32 $0x1, s13  }
0x37b: {  	p0 =	sne.s32 s13, $0x8  }
.Ltmp88:
0x37c: {  	_ = 	snop;
	(pc) =	sbr.rel @!p0 .LBB2_109-.Ltmp88, $1  }
0x37d: {  	_ =	sdelay $0x3  }
.LBB2_104:
0x37e: {  	s14 =	sshll.u32 s13, $0x4  }
0x37f: {  	v2 =	vld [tilespmem:s14+$0x80];
	_ =	sdelay $0x4  }
0x380: {  	vm0 =	veq.s32 v2, $0x0  }
0x381: {  	v2 =	vmpcnt.ones.xlane vm0;
	_ =	sdelay $0x1  }
0x382: {  	v2 =	vxor.u32 $0x80000000, v2  }
0x383: {  	(xrf0) =	vmax.scan.msk.u32 $0xffff, v2;
	_ =	sdelay $0x5  }
0x384: {  	v2, _, _ =	vpop (xrf0)  }
0x385: {  	(v2sf) =	vpush v2, $0xF;
	_ =	sdelay $0xe  }
0x386: {  	s15 =	spop (v2sf)  }
0x387: {  	p0 =	slt.u32 s15, $0x80000001  }
.Ltmp89:
0x388: {  	_ = 	snop;
	(pc) =	sbr.rel @p0 .LBB2_108-.Ltmp89, $1  }
0x389: {  	_ =	sdelay $0x3  }
0x38a: {  	s15 =	simm.s32 $0x0  }
0x38b: {  	v2 =	vmov s15  }
0x38c: {  	v3 =	vmov s14;
	v2 =	vand.u32 $0x3F, v2  }
0x38d: {  	v3 =	vshll.u32 v3, $0x6;
	v4 =	vbroadcast v2, $0x0  }
0x38e: {  	v2 =	vor.u32 v0, v3  }
0x38f: {  	s14 =	simm.s32 $0x1;
	v3 =	vor.u32 v2, v4  }
.LBB2_106:
0x390: {  	p0 =	sne.s32 s14, $0x3F  }
.Ltmp90:
0x391: {  	v4 =	vmov s14;
	s14 =	sadd.s32 $0x1, s14;
	(pc) =	sbr.rel @p0 .LBB2_106-.Ltmp90, $4  }
0x392: {  	v4 =	vand.u32 $0x3F, v4  }
0x393: {  	v4 =	vbroadcast v4, $0x0  }
0x394: {  	[tilespmem:v3+s30+$0x0] =	vst.idx.msk vm0, v1  }
0x395: {  	v3 =	vor.u32 v2, v4  }
0x396: {  	_ = 	snop  }
.Ltmp91:
0x397: {  	_ = 	snop;
	(pc) =	sbr.rel .LBB2_108-.Ltmp91, $2  }
0x398: {  	_ =	sdelay $0x2  }
0x399: {  	[tilespmem:v3+s30+$0x0] =	vst.idx.msk vm0, v1  }
.LBB2_109:
0x39a: {  	s14 =	sld [smem:$0x7FD];
	_ =	sdelay $0x1  }
0x39b: {  	s13 =	simm.s32 $0x0  }
0x39c: {  	[hbm4b:s14+s13] =	stream.linear.scatter [tilespmem:s30], [sflag:$0x6], $0x2000, $0x38;
	[tilespmem:$0x8200] =	vst v63  }
0x39d: {  	_ =	swait.ge [sflag:s7], $0x2000  }
0x39e: {  	[sflag:s7] =	ssyncset.done $0x0  }
0x39f: {  	s15 =	rddreg [dreg:$0x19];
	[sflag:s7] =	ssyncadd.s32 $0xFFFFE000  }
0x3a0: {  	[tilespmem:s28], [sflag:$0x9] =	stream.linear.gather [hbm4b:s15+s13], $0x80, $0x38;
	[tilespmem:$0x8200] =	vst v63  }
0x3a1: {  	_ =	swait.ge [sflag:s26], $0x80  }
0x3a2: {  	[sflag:s26] =	ssyncset.done $0x0  }
.Ltmp92:
0x3a3: {  	[sflag:s26] =	ssyncadd.s32 $0xFFFFFF80;
	(pc) =	sbr.rel .LBB2_110-.Ltmp92, $4  }
0x3a4: {  	[tilespmem:s30], [sflag:$0x2] =	stream.indirect.gather [hbm4b:s24+s28], $0x40, s28, s28, $0xb8;
	[tilespmem:$0x8200] =	vst v63  }
0x3a5: {  	_ =	swait.ge [sflag:s8], $0x2000  }
0x3a6: {  	[sflag:s8] =	ssyncset.done $0x0  }
0x3a7: {  	[sflag:s8] =	ssyncadd.s32 $0xFFFFE000  }
.LBB2_114:
0x3a8: {  	s13 =	sadd.s32 $0x1, s13  }
0x3a9: {  	p0 =	sne.s32 s13, $0x8  }
.Ltmp93:
0x3aa: {  	_ = 	snop;
	(pc) =	sbr.rel @!p0 .LBB2_115-.Ltmp93, $1  }
0x3ab: {  	_ =	sdelay $0x3  }
.LBB2_110:
0x3ac: {  	s14 =	sshll.u32 s13, $0x4  }
0x3ad: {  	v2 =	vld [tilespmem:s14+$0x100];
	_ =	sdelay $0x4  }
0x3ae: {  	vm0 =	veq.s32 v2, $0x0  }
0x3af: {  	v2 =	vmpcnt.ones.xlane vm0;
	_ =	sdelay $0x1  }
0x3b0: {  	v2 =	vxor.u32 $0x80000000, v2  }
0x3b1: {  	(xrf0) =	vmax.scan.msk.u32 $0xffff, v2;
	_ =	sdelay $0x5  }
0x3b2: {  	v2, _, _ =	vpop (xrf0)  }
0x3b3: {  	(v2sf) =	vpush v2, $0xF;
	_ =	sdelay $0xe  }
0x3b4: {  	s15 =	spop (v2sf)  }
0x3b5: {  	p0 =	slt.u32 s15, $0x80000001  }
.Ltmp94:
0x3b6: {  	_ = 	snop;
	(pc) =	sbr.rel @p0 .LBB2_114-.Ltmp94, $1  }
0x3b7: {  	_ =	sdelay $0x3  }
0x3b8: {  	s15 =	simm.s32 $0x0  }
0x3b9: {  	v2 =	vmov s15  }
0x3ba: {  	v3 =	vmov s14;
	v2 =	vand.u32 $0x3F, v2  }
0x3bb: {  	v3 =	vshll.u32 v3, $0x6;
	v4 =	vbroadcast v2, $0x0  }
0x3bc: {  	v2 =	vor.u32 v0, v3  }
0x3bd: {  	s14 =	simm.s32 $0x1;
	v3 =	vor.u32 v2, v4  }
.LBB2_112:
0x3be: {  	p0 =	sne.s32 s14, $0x3F  }
.Ltmp95:
0x3bf: {  	v4 =	vmov s14;
	s14 =	sadd.s32 $0x1, s14;
	(pc) =	sbr.rel @p0 .LBB2_112-.Ltmp95, $4  }
0x3c0: {  	v4 =	vand.u32 $0x3F, v4  }
0x3c1: {  	v4 =	vbroadcast v4, $0x0  }
0x3c2: {  	[tilespmem:v3+s0+$0x0] =	vst.idx.msk vm0, v1  }
0x3c3: {  	v3 =	vor.u32 v2, v4  }
0x3c4: {  	_ = 	snop  }
.Ltmp96:
0x3c5: {  	_ = 	snop;
	(pc) =	sbr.rel .LBB2_114-.Ltmp96, $2  }
0x3c6: {  	_ =	sdelay $0x2  }
0x3c7: {  	[tilespmem:v3+s0+$0x0] =	vst.idx.msk vm0, v1  }
.LBB2_115:
0x3c8: {  	s13 =	simm.s32 $0x0  }
0x3c9: {  	[hbm4b:s16+s13] =	stream.linear.scatter [tilespmem:s0], [sflag:$0x7], $0x2000, $0x38;
	[tilespmem:$0x8200] =	vst v63  }
0x3ca: {  	_ =	swait.ge [sflag:s9], $0x2000  }
0x3cb: {  	[sflag:s9] =	ssyncset.done $0x0  }
0x3cc: {  	s14 =	rddreg [dreg:$0x1a];
	[sflag:s9] =	ssyncadd.s32 $0xFFFFE000  }
0x3cd: {  	[tilespmem:s31], [sflag:$0x9] =	stream.linear.gather [hbm4b:s14+s13], $0x80, $0x38;
	[tilespmem:$0x8200] =	vst v63  }
0x3ce: {  	_ =	swait.ge [sflag:s26], $0x80  }
0x3cf: {  	[sflag:s26] =	ssyncset.done $0x0  }
.Ltmp97:
0x3d0: {  	[sflag:s26] =	ssyncadd.s32 $0xFFFFFF80;
	(pc) =	sbr.rel .LBB2_116-.Ltmp97, $4  }
0x3d1: {  	[tilespmem:s0], [sflag:$0x3] =	stream.indirect.gather [hbm4b:s24+s28], $0x40, s31, s28, $0xb8;
	[tilespmem:$0x8200] =	vst v63  }
0x3d2: {  	_ =	swait.ge [sflag:s10], $0x2000  }
0x3d3: {  	[sflag:s10] =	ssyncset.done $0x0  }
0x3d4: {  	[sflag:s10] =	ssyncadd.s32 $0xFFFFE000  }
.LBB2_120:
0x3d5: {  	s13 =	sadd.s32 $0x1, s13  }
0x3d6: {  	p0 =	sne.s32 s13, $0x8  }
.Ltmp98:
0x3d7: {  	_ = 	snop;
	(pc) =	sbr.rel @!p0 .LBB2_121-.Ltmp98, $1  }
0x3d8: {  	_ =	sdelay $0x3  }
.LBB2_116:
0x3d9: {  	s14 =	sshll.u32 s13, $0x4  }
0x3da: {  	v2 =	vld [tilespmem:s14+$0x180];
	_ =	sdelay $0x4  }
0x3db: {  	vm0 =	veq.s32 v2, $0x0  }
0x3dc: {  	v2 =	vmpcnt.ones.xlane vm0;
	_ =	sdelay $0x1  }
0x3dd: {  	v2 =	vxor.u32 $0x80000000, v2  }
0x3de: {  	(xrf0) =	vmax.scan.msk.u32 $0xffff, v2;
	_ =	sdelay $0x5  }
0x3df: {  	v2, _, _ =	vpop (xrf0)  }
0x3e0: {  	(v2sf) =	vpush v2, $0xF;
	_ =	sdelay $0xe  }
0x3e1: {  	s15 =	spop (v2sf)  }
0x3e2: {  	p0 =	slt.u32 s15, $0x80000001  }
.Ltmp99:
0x3e3: {  	_ = 	snop;
	(pc) =	sbr.rel @p0 .LBB2_120-.Ltmp99, $1  }
0x3e4: {  	_ =	sdelay $0x3  }
0x3e5: {  	s15 =	simm.s32 $0x0  }
0x3e6: {  	v2 =	vmov s15  }
0x3e7: {  	v3 =	vmov s14;
	v2 =	vand.u32 $0x3F, v2  }
0x3e8: {  	v3 =	vshll.u32 v3, $0x6;
	v4 =	vbroadcast v2, $0x0  }
0x3e9: {  	v2 =	vor.u32 v0, v3  }
0x3ea: {  	s14 =	simm.s32 $0x1;
	v3 =	vor.u32 v2, v4  }
.LBB2_118:
0x3eb: {  	p0 =	sne.s32 s14, $0x3F  }
.Ltmp100:
0x3ec: {  	v4 =	vmov s14;
	s14 =	sadd.s32 $0x1, s14;
	(pc) =	sbr.rel @p0 .LBB2_118-.Ltmp100, $4  }
0x3ed: {  	v4 =	vand.u32 $0x3F, v4  }
0x3ee: {  	v4 =	vbroadcast v4, $0x0  }
0x3ef: {  	[tilespmem:v3+s3+$0x0] =	vst.idx.msk vm0, v1  }
0x3f0: {  	v3 =	vor.u32 v2, v4  }
0x3f1: {  	_ = 	snop  }
.Ltmp101:
0x3f2: {  	_ = 	snop;
	(pc) =	sbr.rel .LBB2_120-.Ltmp101, $2  }
0x3f3: {  	_ =	sdelay $0x2  }
0x3f4: {  	[tilespmem:v3+s3+$0x0] =	vst.idx.msk vm0, v1  }
.LBB2_121:
0x3f5: {  	s13 =	simm.s32 $0x0  }
0x3f6: {  	[hbm4b:s17+s13] =	stream.linear.scatter [tilespmem:s3], [sflag:$0x8], $0x2000, $0x38;
	[tilespmem:$0x8200] =	vst v63  }
0x3f7: {  	_ =	swait.ge [sflag:s11], $0x2000  }
0x3f8: {  	[sflag:s11] =	ssyncset.done $0x0  }
0x3f9: {  	s14 =	rddreg [dreg:$0x1b];
	[sflag:s11] =	ssyncadd.s32 $0xFFFFE000  }
0x3fa: {  	[tilespmem:s2], [sflag:$0x9] =	stream.linear.gather [hbm4b:s14+s13], $0x80, $0x38;
	[tilespmem:$0x8200] =	vst v63  }
0x3fb: {  	_ =	swait.ge [sflag:s26], $0x80  }
0x3fc: {  	[sflag:s26] =	ssyncset.done $0x0  }
.Ltmp102:
0x3fd: {  	[sflag:s26] =	ssyncadd.s32 $0xFFFFFF80;
	(pc) =	sbr.rel .LBB2_122-.Ltmp102, $4  }
0x3fe: {  	[tilespmem:s3], [sflag:$0x4] =	stream.indirect.gather [hbm4b:s24+s28], $0x40, s2, s28, $0xb8;
	[tilespmem:$0x8200] =	vst v63  }
0x3ff: {  	_ =	swait.ge [sflag:s4], $0x2000  }
0x400: {  	[sflag:s4] =	ssyncset.done $0x0  }
0x401: {  	[sflag:s4] =	ssyncadd.s32 $0xFFFFE000  }
.LBB2_126:
0x402: {  	s13 =	sadd.s32 $0x1, s13  }
0x403: {  	p0 =	sne.s32 s13, $0x8  }
.Ltmp103:
0x404: {  	_ = 	snop;
	(pc) =	sbr.rel @!p0 .LBB2_127-.Ltmp103, $1  }
0x405: {  	_ =	sdelay $0x3  }
.LBB2_122:
0x406: {  	s14 =	sshll.u32 s13, $0x4  }
0x407: {  	v2 =	vld [tilespmem:s14+$0x0];
	_ =	sdelay $0x4  }
0x408: {  	vm0 =	veq.s32 v2, $0x0  }
0x409: {  	v2 =	vmpcnt.ones.xlane vm0;
	_ =	sdelay $0x1  }
0x40a: {  	v2 =	vxor.u32 $0x80000000, v2  }
0x40b: {  	(xrf0) =	vmax.scan.msk.u32 $0xffff, v2;
	_ =	sdelay $0x5  }
0x40c: {  	v2, _, _ =	vpop (xrf0)  }
0x40d: {  	(v2sf) =	vpush v2, $0xF;
	_ =	sdelay $0xe  }
0x40e: {  	s15 =	spop (v2sf)  }
0x40f: {  	p0 =	slt.u32 s15, $0x80000001  }
.Ltmp104:
0x410: {  	_ = 	snop;
	(pc) =	sbr.rel @p0 .LBB2_126-.Ltmp104, $1  }
0x411: {  	_ =	sdelay $0x3  }
0x412: {  	s15 =	simm.s32 $0x0  }
0x413: {  	v2 =	vmov s15  }
0x414: {  	v3 =	vmov s14;
	v2 =	vand.u32 $0x3F, v2  }
0x415: {  	v3 =	vshll.u32 v3, $0x6;
	v4 =	vbroadcast v2, $0x0  }
0x416: {  	v2 =	vor.u32 v0, v3  }
0x417: {  	s14 =	simm.s32 $0x1;
	v3 =	vor.u32 v2, v4  }
.LBB2_124:
0x418: {  	p0 =	sne.s32 s14, $0x3F  }
.Ltmp105:
0x419: {  	v4 =	vmov s14;
	s14 =	sadd.s32 $0x1, s14;
	(pc) =	sbr.rel @p0 .LBB2_124-.Ltmp105, $4  }
0x41a: {  	v4 =	vand.u32 $0x3F, v4  }
0x41b: {  	v4 =	vbroadcast v4, $0x0  }
0x41c: {  	[tilespmem:v3+s29+$0x0] =	vst.idx.msk vm0, v1  }
0x41d: {  	v3 =	vor.u32 v2, v4  }
0x41e: {  	_ = 	snop  }
.Ltmp106:
0x41f: {  	_ = 	snop;
	(pc) =	sbr.rel .LBB2_126-.Ltmp106, $2  }
0x420: {  	_ =	sdelay $0x2  }
0x421: {  	[tilespmem:v3+s29+$0x0] =	vst.idx.msk vm0, v1  }
.LBB2_127:
0x422: {  	s13 =	simm.s32 $0x0  }
0x423: {  	[hbm4b:s18+s13] =	stream.linear.scatter [tilespmem:s29], [sflag:$0x5], $0x2000, $0x38;
	[tilespmem:$0x8200] =	vst v63  }
0x424: {  	_ =	swait.ge [sflag:s5], $0x2000  }
0x425: {  	[sflag:s5] =	ssyncset.done $0x0  }
0x426: {  	s14 =	rddreg [dreg:$0x1c];
	[sflag:s5] =	ssyncadd.s32 $0xFFFFE000  }
0x427: {  	[tilespmem:s13], [sflag:$0x9] =	stream.linear.gather [hbm4b:s14+s13], $0x80, $0x38;
	[tilespmem:$0x8200] =	vst v63  }
0x428: {  	_ =	swait.ge [sflag:s26], $0x80  }
0x429: {  	[sflag:s26] =	ssyncset.done $0x0  }
.Ltmp107:
0x42a: {  	[sflag:s26] =	ssyncadd.s32 $0xFFFFFF80;
	(pc) =	sbr.rel .LBB2_128-.Ltmp107, $4  }
0x42b: {  	[tilespmem:s29], [sflag:$0x1] =	stream.indirect.gather [hbm4b:s24+s28], $0x40, s13, s28, $0xb8;
	[tilespmem:$0x8200] =	vst v63  }
0x42c: {  	_ =	swait.ge [sflag:s6], $0x2000  }
0x42d: {  	[sflag:s6] =	ssyncset.done $0x0  }
0x42e: {  	[sflag:s6] =	ssyncadd.s32 $0xFFFFE000  }
.LBB2_132:
0x42f: {  	s13 =	sadd.s32 $0x1, s13  }
0x430: {  	p0 =	sne.s32 s13, $0x8  }
.Ltmp108:
0x431: {  	_ = 	snop;
	(pc) =	sbr.rel @!p0 .LBB2_133-.Ltmp108, $1  }
0x432: {  	_ =	sdelay $0x3  }
.LBB2_128:
0x433: {  	s14 =	sshll.u32 s13, $0x4  }
0x434: {  	v2 =	vld [tilespmem:s14+$0x80];
	_ =	sdelay $0x4  }
0x435: {  	vm0 =	veq.s32 v2, $0x0  }
0x436: {  	v2 =	vmpcnt.ones.xlane vm0;
	_ =	sdelay $0x1  }
0x437: {  	v2 =	vxor.u32 $0x80000000, v2  }
0x438: {  	(xrf0) =	vmax.scan.msk.u32 $0xffff, v2;
	_ =	sdelay $0x5  }
0x439: {  	v2, _, _ =	vpop (xrf0)  }
0x43a: {  	(v2sf) =	vpush v2, $0xF;
	_ =	sdelay $0xe  }
0x43b: {  	s15 =	spop (v2sf)  }
0x43c: {  	p0 =	slt.u32 s15, $0x80000001  }
.Ltmp109:
0x43d: {  	_ = 	snop;
	(pc) =	sbr.rel @p0 .LBB2_132-.Ltmp109, $1  }
0x43e: {  	_ =	sdelay $0x3  }
0x43f: {  	s15 =	simm.s32 $0x0  }
0x440: {  	v2 =	vmov s15  }
0x441: {  	v3 =	vmov s14;
	v2 =	vand.u32 $0x3F, v2  }
0x442: {  	v3 =	vshll.u32 v3, $0x6;
	v4 =	vbroadcast v2, $0x0  }
0x443: {  	v2 =	vor.u32 v0, v3  }
0x444: {  	s14 =	simm.s32 $0x1;
	v3 =	vor.u32 v2, v4  }
.LBB2_130:
0x445: {  	p0 =	sne.s32 s14, $0x3F  }
.Ltmp110:
0x446: {  	v4 =	vmov s14;
	s14 =	sadd.s32 $0x1, s14;
	(pc) =	sbr.rel @p0 .LBB2_130-.Ltmp110, $4  }
0x447: {  	v4 =	vand.u32 $0x3F, v4  }
0x448: {  	v4 =	vbroadcast v4, $0x0  }
0x449: {  	[tilespmem:v3+s30+$0x0] =	vst.idx.msk vm0, v1  }
0x44a: {  	v3 =	vor.u32 v2, v4  }
0x44b: {  	_ = 	snop  }
.Ltmp111:
0x44c: {  	_ = 	snop;
	(pc) =	sbr.rel .LBB2_132-.Ltmp111, $2  }
0x44d: {  	_ =	sdelay $0x2  }
0x44e: {  	[tilespmem:v3+s30+$0x0] =	vst.idx.msk vm0, v1  }
.LBB2_133:
0x44f: {  	s13 =	simm.s32 $0x0  }
0x450: {  	[hbm4b:s19+s13] =	stream.linear.scatter [tilespmem:s30], [sflag:$0x6], $0x2000, $0x38;
	[tilespmem:$0x8200] =	vst v63  }
0x451: {  	_ =	swait.ge [sflag:s7], $0x2000  }
0x452: {  	[sflag:s7] =	ssyncset.done $0x0  }
0x453: {  	s14 =	rddreg [dreg:$0x1d];
	[sflag:s7] =	ssyncadd.s32 $0xFFFFE000  }
0x454: {  	[tilespmem:s28], [sflag:$0x9] =	stream.linear.gather [hbm4b:s14+s13], $0x80, $0x38;
	[tilespmem:$0x8200] =	vst v63  }
0x455: {  	_ =	swait.ge [sflag:s26], $0x80  }
0x456: {  	[sflag:s26] =	ssyncset.done $0x0  }
.Ltmp112:
0x457: {  	[sflag:s26] =	ssyncadd.s32 $0xFFFFFF80;
	(pc) =	sbr.rel .LBB2_134-.Ltmp112, $4  }
0x458: {  	[tilespmem:s30], [sflag:$0x2] =	stream.indirect.gather [hbm4b:s24+s28], $0x40, s28, s28, $0xb8;
	[tilespmem:$0x8200] =	vst v63  }
0x459: {  	_ =	swait.ge [sflag:s8], $0x2000  }
0x45a: {  	[sflag:s8] =	ssyncset.done $0x0  }
0x45b: {  	[sflag:s8] =	ssyncadd.s32 $0xFFFFE000  }
.LBB2_138:
0x45c: {  	s13 =	sadd.s32 $0x1, s13  }
0x45d: {  	p0 =	sne.s32 s13, $0x8  }
.Ltmp113:
0x45e: {  	_ = 	snop;
	(pc) =	sbr.rel @!p0 .LBB2_139-.Ltmp113, $1  }
0x45f: {  	_ =	sdelay $0x3  }
.LBB2_134:
0x460: {  	s14 =	sshll.u32 s13, $0x4  }
0x461: {  	v2 =	vld [tilespmem:s14+$0x100];
	_ =	sdelay $0x4  }
0x462: {  	vm0 =	veq.s32 v2, $0x0  }
0x463: {  	v2 =	vmpcnt.ones.xlane vm0;
	_ =	sdelay $0x1  }
0x464: {  	v2 =	vxor.u32 $0x80000000, v2  }
0x465: {  	(xrf0) =	vmax.scan.msk.u32 $0xffff, v2;
	_ =	sdelay $0x5  }
0x466: {  	v2, _, _ =	vpop (xrf0)  }
0x467: {  	(v2sf) =	vpush v2, $0xF;
	_ =	sdelay $0xe  }
0x468: {  	s15 =	spop (v2sf)  }
0x469: {  	p0 =	slt.u32 s15, $0x80000001  }
.Ltmp114:
0x46a: {  	_ = 	snop;
	(pc) =	sbr.rel @p0 .LBB2_138-.Ltmp114, $1  }
0x46b: {  	_ =	sdelay $0x3  }
0x46c: {  	s15 =	simm.s32 $0x0  }
0x46d: {  	v2 =	vmov s15  }
0x46e: {  	v3 =	vmov s14;
	v2 =	vand.u32 $0x3F, v2  }
0x46f: {  	v3 =	vshll.u32 v3, $0x6;
	v4 =	vbroadcast v2, $0x0  }
0x470: {  	v2 =	vor.u32 v0, v3  }
0x471: {  	s14 =	simm.s32 $0x1;
	v3 =	vor.u32 v2, v4  }
.LBB2_136:
0x472: {  	p0 =	sne.s32 s14, $0x3F  }
.Ltmp115:
0x473: {  	v4 =	vmov s14;
	s14 =	sadd.s32 $0x1, s14;
	(pc) =	sbr.rel @p0 .LBB2_136-.Ltmp115, $4  }
0x474: {  	v4 =	vand.u32 $0x3F, v4  }
0x475: {  	v4 =	vbroadcast v4, $0x0  }
0x476: {  	[tilespmem:v3+s0+$0x0] =	vst.idx.msk vm0, v1  }
0x477: {  	v3 =	vor.u32 v2, v4  }
0x478: {  	_ = 	snop  }
.Ltmp116:
0x479: {  	_ = 	snop;
	(pc) =	sbr.rel .LBB2_138-.Ltmp116, $2  }
0x47a: {  	_ =	sdelay $0x2  }
0x47b: {  	[tilespmem:v3+s0+$0x0] =	vst.idx.msk vm0, v1  }
.LBB2_139:
0x47c: {  	s13 =	simm.s32 $0x0  }
0x47d: {  	[hbm4b:s20+s13] =	stream.linear.scatter [tilespmem:s0], [sflag:$0x7], $0x2000, $0x38;
	[tilespmem:$0x8200] =	vst v63  }
0x47e: {  	_ =	swait.ge [sflag:s9], $0x2000  }
.Ltmp117:
0x47f: {  	[sflag:s9] =	ssyncset.done $0x0;
	(pc) =	sbr.rel .LBB2_140-.Ltmp117, $4  }
0x480: {  	[sflag:s9] =	ssyncadd.s32 $0xFFFFE000  }
0x481: {  	_ =	swait.ge [sflag:s10], $0x2000  }
0x482: {  	[sflag:s10] =	ssyncset.done $0x0  }
0x483: {  	[sflag:s10] =	ssyncadd.s32 $0xFFFFE000  }
.LBB2_144:
0x484: {  	s13 =	sadd.s32 $0x1, s13  }
0x485: {  	p0 =	sne.s32 s13, $0x8  }
.Ltmp118:
0x486: {  	_ = 	snop;
	(pc) =	sbr.rel @!p0 .LBB2_145-.Ltmp118, $1  }
0x487: {  	_ =	sdelay $0x3  }
.LBB2_140:
0x488: {  	s14 =	sshll.u32 s13, $0x4  }
0x489: {  	v2 =	vld [tilespmem:s14+$0x180];
	_ =	sdelay $0x4  }
0x48a: {  	vm0 =	veq.s32 v2, $0x0  }
0x48b: {  	v2 =	vmpcnt.ones.xlane vm0;
	_ =	sdelay $0x1  }
0x48c: {  	v2 =	vxor.u32 $0x80000000, v2  }
0x48d: {  	(xrf0) =	vmax.scan.msk.u32 $0xffff, v2;
	_ =	sdelay $0x5  }
0x48e: {  	v2, _, _ =	vpop (xrf0)  }
0x48f: {  	(v2sf) =	vpush v2, $0xF;
	_ =	sdelay $0xe  }
0x490: {  	s15 =	spop (v2sf)  }
0x491: {  	p0 =	slt.u32 s15, $0x80000001  }
.Ltmp119:
0x492: {  	_ = 	snop;
	(pc) =	sbr.rel @p0 .LBB2_144-.Ltmp119, $1  }
0x493: {  	_ =	sdelay $0x3  }
0x494: {  	s15 =	simm.s32 $0x0  }
0x495: {  	v2 =	vmov s15  }
0x496: {  	v3 =	vmov s14;
	v2 =	vand.u32 $0x3F, v2  }
0x497: {  	v3 =	vshll.u32 v3, $0x6;
	v4 =	vbroadcast v2, $0x0  }
0x498: {  	v2 =	vor.u32 v0, v3  }
0x499: {  	s14 =	simm.s32 $0x1;
	v3 =	vor.u32 v2, v4  }
.LBB2_142:
0x49a: {  	p0 =	sne.s32 s14, $0x3F  }
.Ltmp120:
0x49b: {  	v4 =	vmov s14;
	s14 =	sadd.s32 $0x1, s14;
	(pc) =	sbr.rel @p0 .LBB2_142-.Ltmp120, $4  }
0x49c: {  	v4 =	vand.u32 $0x3F, v4  }
0x49d: {  	v4 =	vbroadcast v4, $0x0  }
0x49e: {  	[tilespmem:v3+s3+$0x0] =	vst.idx.msk vm0, v1  }
0x49f: {  	v3 =	vor.u32 v2, v4  }
0x4a0: {  	_ = 	snop  }
.Ltmp121:
0x4a1: {  	_ = 	snop;
	(pc) =	sbr.rel .LBB2_144-.Ltmp121, $2  }
0x4a2: {  	_ =	sdelay $0x2  }
0x4a3: {  	[tilespmem:v3+s3+$0x0] =	vst.idx.msk vm0, v1  }
.LBB2_145:
0x4a4: {  	s13 =	simm.s32 $0x0  }
0x4a5: {  	[hbm4b:s21+s13] =	stream.linear.scatter [tilespmem:s3], [sflag:$0x8], $0x2000, $0x38;
	[tilespmem:$0x8200] =	vst v63  }
0x4a6: {  	_ =	swait.ge [sflag:s11], $0x2000  }
.Ltmp122:
0x4a7: {  	[sflag:s11] =	ssyncset.done $0x0;
	(pc) =	sbr.rel .LBB2_146-.Ltmp122, $4  }
0x4a8: {  	[sflag:s11] =	ssyncadd.s32 $0xFFFFE000  }
0x4a9: {  	_ =	swait.ge [sflag:s4], $0x2000  }
0x4aa: {  	[sflag:s4] =	ssyncset.done $0x0  }
0x4ab: {  	[sflag:s4] =	ssyncadd.s32 $0xFFFFE000  }
.LBB2_150:
0x4ac: {  	s13 =	sadd.s32 $0x1, s13  }
0x4ad: {  	p0 =	sne.s32 s13, $0x8  }
.Ltmp123:
0x4ae: {  	_ = 	snop;
	(pc) =	sbr.rel @!p0 .LBB2_151-.Ltmp123, $1  }
0x4af: {  	_ =	sdelay $0x3  }
.LBB2_146:
0x4b0: {  	s14 =	sshll.u32 s13, $0x4  }
0x4b1: {  	v2 =	vld [tilespmem:s14+$0x0];
	_ =	sdelay $0x4  }
0x4b2: {  	vm0 =	veq.s32 v2, $0x0  }
0x4b3: {  	v2 =	vmpcnt.ones.xlane vm0;
	_ =	sdelay $0x1  }
0x4b4: {  	v2 =	vxor.u32 $0x80000000, v2  }
0x4b5: {  	(xrf0) =	vmax.scan.msk.u32 $0xffff, v2;
	_ =	sdelay $0x5  }
0x4b6: {  	v2, _, _ =	vpop (xrf0)  }
0x4b7: {  	(v2sf) =	vpush v2, $0xF;
	_ =	sdelay $0xe  }
0x4b8: {  	s15 =	spop (v2sf)  }
0x4b9: {  	p0 =	slt.u32 s15, $0x80000001  }
.Ltmp124:
0x4ba: {  	_ = 	snop;
	(pc) =	sbr.rel @p0 .LBB2_150-.Ltmp124, $1  }
0x4bb: {  	_ =	sdelay $0x3  }
0x4bc: {  	s15 =	simm.s32 $0x0  }
0x4bd: {  	v2 =	vmov s15  }
0x4be: {  	v3 =	vmov s14;
	v2 =	vand.u32 $0x3F, v2  }
0x4bf: {  	v3 =	vshll.u32 v3, $0x6;
	v4 =	vbroadcast v2, $0x0  }
0x4c0: {  	v2 =	vor.u32 v0, v3  }
0x4c1: {  	s14 =	simm.s32 $0x1;
	v3 =	vor.u32 v2, v4  }
.LBB2_148:
0x4c2: {  	p0 =	sne.s32 s14, $0x3F  }
.Ltmp125:
0x4c3: {  	v4 =	vmov s14;
	s14 =	sadd.s32 $0x1, s14;
	(pc) =	sbr.rel @p0 .LBB2_148-.Ltmp125, $4  }
0x4c4: {  	v4 =	vand.u32 $0x3F, v4  }
0x4c5: {  	v4 =	vbroadcast v4, $0x0  }
0x4c6: {  	[tilespmem:v3+s29+$0x0] =	vst.idx.msk vm0, v1  }
0x4c7: {  	v3 =	vor.u32 v2, v4  }
0x4c8: {  	_ = 	snop  }
.Ltmp126:
0x4c9: {  	_ = 	snop;
	(pc) =	sbr.rel .LBB2_150-.Ltmp126, $2  }
0x4ca: {  	_ =	sdelay $0x2  }
0x4cb: {  	[tilespmem:v3+s29+$0x0] =	vst.idx.msk vm0, v1  }
.LBB2_151:
0x4cc: {  	s13 =	simm.s32 $0x0  }
0x4cd: {  	[hbm4b:s22+s13] =	stream.linear.scatter [tilespmem:s29], [sflag:$0x5], $0x2000, $0x38;
	[tilespmem:$0x8200] =	vst v63  }
0x4ce: {  	_ =	swait.ge [sflag:s5], $0x2000  }
.Ltmp127:
0x4cf: {  	[sflag:s5] =	ssyncset.done $0x0;
	(pc) =	sbr.rel .LBB2_152-.Ltmp127, $4  }
0x4d0: {  	[sflag:s5] =	ssyncadd.s32 $0xFFFFE000  }
0x4d1: {  	_ =	swait.ge [sflag:s6], $0x2000  }
0x4d2: {  	[sflag:s6] =	ssyncset.done $0x0  }
0x4d3: {  	[sflag:s6] =	ssyncadd.s32 $0xFFFFE000  }
.LBB2_156:
0x4d4: {  	s13 =	sadd.s32 $0x1, s13  }
0x4d5: {  	p0 =	sne.s32 s13, $0x8  }
.Ltmp128:
0x4d6: {  	_ = 	snop;
	(pc) =	sbr.rel @!p0 .LBB2_157-.Ltmp128, $1  }
0x4d7: {  	_ =	sdelay $0x3  }
.LBB2_152:
0x4d8: {  	s14 =	sshll.u32 s13, $0x4  }
0x4d9: {  	v2 =	vld [tilespmem:s14+$0x80];
	_ =	sdelay $0x4  }
0x4da: {  	vm0 =	veq.s32 v2, $0x0  }
0x4db: {  	v2 =	vmpcnt.ones.xlane vm0;
	_ =	sdelay $0x1  }
0x4dc: {  	v2 =	vxor.u32 $0x80000000, v2  }
0x4dd: {  	(xrf0) =	vmax.scan.msk.u32 $0xffff, v2;
	_ =	sdelay $0x5  }
0x4de: {  	v2, _, _ =	vpop (xrf0)  }
0x4df: {  	(v2sf) =	vpush v2, $0xF;
	_ =	sdelay $0xe  }
0x4e0: {  	s15 =	spop (v2sf)  }
0x4e1: {  	p0 =	slt.u32 s15, $0x80000001  }
.Ltmp129:
0x4e2: {  	_ = 	snop;
	(pc) =	sbr.rel @p0 .LBB2_156-.Ltmp129, $1  }
0x4e3: {  	_ =	sdelay $0x3  }
0x4e4: {  	s15 =	simm.s32 $0x0  }
0x4e5: {  	v2 =	vmov s15  }
0x4e6: {  	v3 =	vmov s14;
	v2 =	vand.u32 $0x3F, v2  }
0x4e7: {  	v3 =	vshll.u32 v3, $0x6;
	v4 =	vbroadcast v2, $0x0  }
0x4e8: {  	v2 =	vor.u32 v0, v3  }
0x4e9: {  	s14 =	simm.s32 $0x1;
	v3 =	vor.u32 v2, v4  }
.LBB2_154:
0x4ea: {  	p0 =	sne.s32 s14, $0x3F  }
.Ltmp130:
0x4eb: {  	v4 =	vmov s14;
	s14 =	sadd.s32 $0x1, s14;
	(pc) =	sbr.rel @p0 .LBB2_154-.Ltmp130, $4  }
0x4ec: {  	v4 =	vand.u32 $0x3F, v4  }
0x4ed: {  	v4 =	vbroadcast v4, $0x0  }
0x4ee: {  	[tilespmem:v3+s30+$0x0] =	vst.idx.msk vm0, v1  }
0x4ef: {  	v3 =	vor.u32 v2, v4  }
0x4f0: {  	_ = 	snop  }
.Ltmp131:
0x4f1: {  	_ = 	snop;
	(pc) =	sbr.rel .LBB2_156-.Ltmp131, $2  }
0x4f2: {  	_ =	sdelay $0x2  }
0x4f3: {  	[tilespmem:v3+s30+$0x0] =	vst.idx.msk vm0, v1  }
.LBB2_158:
0x4f4: {  	_ =	sfence.sel $0x180000  }
0x4f5: {  	[bflag:$0x0] =	sbarrier.arrive $0xFFFF  }
0x4f6: {  	_ =	strace $0x90000047  }
0x4f7: {  	s0 =	stileid.u32;
	[bflag:$0x2] =	sbarrier.arrive $0xFFFF  }
0x4f8: {  	p0 =	sne.s32 s0, $0x0;
	s0 =	rddreg [dreg:$0x3]  }
0x4f9: {  	s0 =	sadd.s32 @!p0 $0x100000, s0  }
0x4fa: {  	[sflag:s0] =	ssyncadd.tile.s32 @!p0 $0x1;
	_ =	shalt  }
.Lfunc_end2:
_tile_overlayer_lowered:
.L_overlay_start_2:
0x4fb: {  	(tag) =	ssettag $0x2  }
0x4fc: {  	s0 =	rddreg [dreg:$0x0];
	s2 =	stileid.u32  }
0x4fd: {  	s1 =	rddreg [dreg:$0x1];
	p0 =	sne.s32 s2, $0x0  }
0x4fe: {  	s3 =	rddreg [dreg:$0x2];
	[bflag:$0x3] =	sbarrier.arrive $0xFFFF;
	s2 =	simm.s32 @!p0 $0x1C09  }
0x4ff: {  	[timem:s3], [sflag:s2] =	dma.local @!p0 [hbm:s0], s1  }
0x500: {  	s0 =	simm.s32 @!p0 $0x9  }
0x501: {  	_ =	swait.ge @!p0 [sflag:s0], s1  }
0x502: {  	s1 =	ssub.s32 @!p0 $0x0, s1;
	[sflag:s0] =	ssyncset.done @!p0 $0x0  }
0x503: {  	[sflag:s0] =	ssyncadd.s32 @!p0 s1  }
0x504: {  	[bflag:$0x3] =	sbarrier.arrive $0xFFFF  }
0x505: {  	_ =	shalt  }

</sc_bundles>
